<compile_context>
chip_gen: v7x
topology: tpu7x:2x2x1
jax: 0.10.2.dev20260603
libtpu: 0.0.44.dev20260713+nightly
codegen_flags: <defaults>
</compile_context>

<pallas_src>
import jax
import jax.numpy as jnp
from jax import lax
from jax.experimental import pallas as pl
from jax.experimental.pallas import tpu as pltpu
from jax.experimental.pallas import tpu_sc as plsc

N = 10000
E = 320000
D = 128
H = D // 2

NS = 16
EPT = E // NS
CHUNK = 80
NCHUNK = EPT // CHUNK
ROWS_PT = 632


def _mm_body(h_ref, norm_ref, w_ref, b_ref, ah_ref, bd_ref, eh_ref):
    hh = h_ref[...] * norm_ref[...]
    p = jnp.dot(hh, w_ref[...], preferred_element_type=jnp.float32) + b_ref[...]
    ah_ref[...] = p[:, 0:128]
    b_part = p[:, 128:256]
    d_part = jnp.exp(-p[:, 256:384])
    e_part = jnp.exp(-p[:, 384:512])
    bd_ref[0] = jnp.concatenate([b_part[:, :H], d_part[:, :H]], axis=1)
    bd_ref[1] = jnp.concatenate([b_part[:, H:], d_part[:, H:]], axis=1)
    eh_ref[0] = e_part
    eh_ref[1] = jnp.concatenate([e_part[:, H:], e_part[:, :H]], axis=1)


def _matmuls(h, norm, wcat, bcat):
    bn = 1000
    nb = N // bn
    return pl.pallas_call(
        _mm_body,
        grid=(nb,),
        in_specs=[
            pl.BlockSpec((bn, D), lambda i: (i, 0)),
            pl.BlockSpec((bn, 1), lambda i: (i, 0)),
            pl.BlockSpec((D, 4 * D), lambda i: (0, 0)),
            pl.BlockSpec((1, 4 * D), lambda i: (0, 0)),
        ],
        out_specs=[
            pl.BlockSpec((bn, D), lambda i: (i, 0)),
            pl.BlockSpec((2, bn, D), lambda i: (0, i, 0)),
            pl.BlockSpec((2, bn, D), lambda i: (0, i, 0)),
        ],
        out_shape=[
            jax.ShapeDtypeStruct((N, D), jnp.float32),
            jax.ShapeDtypeStruct((2, N, D), jnp.float32),
            jax.ShapeDtypeStruct((2, N, D), jnp.float32),
        ],
    )(h, norm, wcat, bcat)


IDXB = 2000
CPB = IDXB // CHUNK


def _edge_body(bd_hbm, eh_hbm, src_hbm, dst_hbm, out0_hbm, out1_hbm,
               big_src, big_dst, idx_srcc, idx_dstc, idx_dsc, bd_v, eh_v,
               acc, sem0, sem1):
    c = lax.axis_index("c")
    s = lax.axis_index("s")
    c_n = c * N
    sems = (sem0, sem1)

    row0 = s * ROWS_PT
    zero16 = jnp.zeros((16,), jnp.float32)

    def zrow(i, carry0):
        for j in range(D // 16):
            bd_v.at[0][i, pl.ds(j * 16, 16)] = zero16
        return carry0

    lax.fori_loop(0, CHUNK, zrow, 0)

    def fill_rows(nrows):
        for m in range(nrows // CHUNK):
            pltpu.sync_copy(bd_v.at[0],
                            acc.at[pl.ds(row0 + m * CHUNK, CHUNK)])
        rem = nrows % CHUNK
        if rem:
            pltpu.sync_copy(bd_v.at[0].at[pl.ds(0, rem)],
                            acc.at[pl.ds(row0 + nrows - rem, rem)])

    @pl.when(s < NS - 1)
    def _zmain():
        fill_rows(ROWS_PT)

    @pl.when(s == NS - 1)
    def _ztail():
        fill_rows(N - (NS - 1) * ROWS_PT)

    plsc.subcore_barrier()

    base = s * EPT

    def load_batch(g):
        off = base + g * IDXB
        pltpu.sync_copy(src_hbm.at[pl.ds(off, IDXB)], big_src)
        pltpu.sync_copy(dst_hbm.at[pl.ds(off, IDXB)], big_dst)

    def prep_idx(b, k):
        lo = lax.rem(k, CPB) * CHUNK
        for j in range(CHUNK // 16):
            sl_in = pl.ds(lo + j * 16, 16)
            sl = pl.ds(j * 16, 16)
            idx_srcc.at[b][sl] = big_src[sl_in] + c_n
            dv = big_dst[sl_in]
            idx_dstc.at[b][sl] = dv + c_n
            idx_dsc.at[b][sl] = dv

    def start_gathers(b):
        pltpu.async_copy(bd_hbm.at[idx_srcc.at[b]], bd_v.at[b], sems[b])
        pltpu.async_copy(eh_hbm.at[idx_dstc.at[b]], eh_v.at[b], sems[b])

    def wait_gathers(b):
        pltpu.make_async_copy(bd_hbm.at[idx_srcc.at[b]], bd_v.at[b],
                              sems[b]).wait()
        pltpu.make_async_copy(eh_hbm.at[idx_dstc.at[b]], eh_v.at[b],
                              sems[b]).wait()

    load_batch(0)
    for b in range(2):
        prep_idx(b, b)
        start_gathers(b)

    def pair(p, carry):
        for b in range(2):
            k = 2 * p + b
            wait_gathers(b)

            def edge(i, carry2):
                for j in range(H // 16):
                    slj = pl.ds(j * 16, 16)
                    slj2 = pl.ds(H + j * 16, 16)
                    bh = bd_v.at[b][i, slj]
                    ed = bd_v.at[b][i, slj2]
                    ee = eh_v.at[b][i, slj]
                    sg = 1.0 / (1.0 + ed * ee)
                    bd_v.at[b][i, slj] = sg * bh
                    bd_v.at[b][i, slj2] = sg
                return carry2

            lax.fori_loop(0, CHUNK, edge, 0)
            pltpu.sync_copy(bd_v.at[b], acc.at[idx_dsc.at[b]], add=True)

            @pl.when(k < NCHUNK - 2)
            def _ahead():
                @pl.when(lax.rem(k + 2, CPB) == 0)
                def _refill():
                    load_batch((k + 2) // CPB)

                prep_idx(b, k + 2)
                start_gathers(b)

        return carry

    lax.fori_loop(0, NCHUNK // 2, pair, 0)
    plsc.subcore_barrier()

    def writeout(dst_hbm2):
        @pl.when(s < NS - 1)
        def _wmain():
            pltpu.sync_copy(acc.at[pl.ds(row0, ROWS_PT)],
                            dst_hbm2.at[pl.ds(row0, ROWS_PT)])

        @pl.when(s == NS - 1)
        def _wtail():
            tail = N - (NS - 1) * ROWS_PT
            pltpu.sync_copy(acc.at[pl.ds(row0, tail)],
                            dst_hbm2.at[pl.ds(row0, tail)])

    @pl.when(c == 0)
    def _w0():
        writeout(out0_hbm)

    @pl.when(c == 1)
    def _w1():
        writeout(out1_hbm)


def _edge_phase(bd, eh, src, dst):
    mesh = plsc.VectorSubcoreMesh(core_axis_name="c", subcore_axis_name="s")
    k = pl.kernel(
        _edge_body,
        out_type=[jax.ShapeDtypeStruct((N, D), jnp.float32),
                  jax.ShapeDtypeStruct((N, D), jnp.float32)],
        mesh=mesh,
        scratch_types=[
            pltpu.VMEM((IDXB,), jnp.int32),
            pltpu.VMEM((IDXB,), jnp.int32),
            pltpu.VMEM((2, CHUNK), jnp.int32),
            pltpu.VMEM((2, CHUNK), jnp.int32),
            pltpu.VMEM((2, CHUNK), jnp.int32),
            pltpu.VMEM((2, CHUNK, D), jnp.float32),
            pltpu.VMEM((2, CHUNK, D), jnp.float32),
            pltpu.VMEM_SHARED((N, D), jnp.float32),
            pltpu.SemaphoreType.DMA,
            pltpu.SemaphoreType.DMA,
        ],
    )
    return k(bd, eh, src, dst)


BN_BLK = 1000
BN_NB = N // BN_BLK


def _fin_body(ah_ref, a0_ref, a1_ref, norm_ref, h_ref, g_ref, b_ref,
              out_ref, h2_scr, sum_scr, ssq_scr):
    ph = pl.program_id(0)
    i = pl.program_id(1)

    @pl.when(ph == 0)
    def _stats():
        num = jnp.concatenate([a0_ref[:, :H], a1_ref[:, :H]], axis=1)
        den = jnp.concatenate([a0_ref[:, H:], a1_ref[:, H:]], axis=1)
        h2 = (ah_ref[...] + num / (den + 1e-6)) * norm_ref[...]
        h2_scr[pl.ds(i * BN_BLK, BN_BLK), :] = h2

        @pl.when(i == 0)
        def _init():
            sum_scr[...] = jnp.zeros_like(sum_scr)
            ssq_scr[...] = jnp.zeros_like(ssq_scr)

        sum_scr[...] += jnp.sum(h2, axis=0, keepdims=True)
        ssq_scr[...] += jnp.sum(h2 * h2, axis=0, keepdims=True)

    @pl.when(ph == 1)
    def _apply():
        mean = sum_scr[...] / N
        var = ssq_scr[...] / N - mean * mean
        inv = lax.rsqrt(var + 1e-5)
        h2 = h2_scr[pl.ds(i * BN_BLK, BN_BLK), :]
        out_ref[...] = (h_ref[...] + (h2 - mean) * inv * g_ref[...]
                        + b_ref[...])


def _finalize(ah, acc0, acc1, norm, h, gamma, beta):
    return pl.pallas_call(
        _fin_body,
        grid=(2, BN_NB),
        in_specs=[
            pl.BlockSpec((BN_BLK, D), lambda p, i: (i, 0)),
            pl.BlockSpec((BN_BLK, D), lambda p, i: (i, 0)),
            pl.BlockSpec((BN_BLK, D), lambda p, i: (i, 0)),
            pl.BlockSpec((BN_BLK, 1), lambda p, i: (i, 0)),
            pl.BlockSpec((BN_BLK, D), lambda p, i: (i, 0)),
            pl.BlockSpec((1, D), lambda p, i: (0, 0)),
            pl.BlockSpec((1, D), lambda p, i: (0, 0)),
        ],
        out_specs=pl.BlockSpec((BN_BLK, D), lambda p, i: (i, 0)),
        out_shape=jax.ShapeDtypeStruct((N, D), jnp.float32),
        scratch_shapes=[
            pltpu.VMEM((N, D), jnp.float32),
            pltpu.VMEM((1, D), jnp.float32),
            pltpu.VMEM((1, D), jnp.float32),
        ],
    )(ah, acc0, acc1, norm, h, gamma, beta)


def kernel(h, edge_index, e, norm, WA, bA, WB, bB, WD, bD, WE, bE, gamma, beta):
    wcat = jnp.concatenate([WA, WB, WD, WE], axis=1)
    bcat = jnp.concatenate([bA, bB, bD, bE])[None, :]
    ah, bd, eh = _matmuls(h, norm, wcat, bcat)
    bd = bd.reshape(2 * N, D)
    eh = eh.reshape(2 * N, D)
    src = edge_index[0]
    dst = edge_index[1]
    acc0, acc1 = _edge_phase(bd, eh, src, dst)
    out = _finalize(ah, acc0, acc1, norm, h, gamma[None, :], beta[None, :])
    return (out, e)

# --- scband reference (transcript-rebuilt; emitter-appended) ---
"""Pipeline reference for scband-simple-gated-gcnedges-layer-83476984365560 (READ-ONLY COPY).

The authoritative reference and input builder live on the scoring server;
editing this copy changes nothing except your own understanding.
"""

import jax, jax.numpy as jnp
import numpy as np

N = 10000
E = 320000
D = 128
DE = 16


def setup_inputs(seed: int = 0) -> dict:
    key = jax.random.key(seed)
    ks = jax.random.split(key, 14)
    h = jax.random.normal(ks[0], (N, D), dtype=jnp.float32)
    edge_index = jax.random.randint(ks[1], (2, E), 0, N, dtype=jnp.int32)
    e = jax.random.normal(ks[2], (E, DE), dtype=jnp.float32)
    norm = jax.random.uniform(ks[3], (N, 1), dtype=jnp.float32)
    s = 1.0 / np.sqrt(D)
    WA = jax.random.normal(ks[4], (D, D), dtype=jnp.float32) * s
    bA = jax.random.normal(ks[5], (D,), dtype=jnp.float32) * 0.01
    WB = jax.random.normal(ks[6], (D, D), dtype=jnp.float32) * s
    bB = jax.random.normal(ks[7], (D,), dtype=jnp.float32) * 0.01
    WD = jax.random.normal(ks[8], (D, D), dtype=jnp.float32) * s
    bD = jax.random.normal(ks[9], (D,), dtype=jnp.float32) * 0.01
    WE = jax.random.normal(ks[10], (D, D), dtype=jnp.float32) * s
    bE = jax.random.normal(ks[11], (D,), dtype=jnp.float32) * 0.01
    gamma = jnp.ones((D,), dtype=jnp.float32)
    beta = jnp.zeros((D,), dtype=jnp.float32)
    return {"h": h, "edge_index": edge_index, "e": e, "norm": norm,
            "WA": WA, "bA": bA, "WB": WB, "bB": bB, "WD": WD, "bD": bD,
            "WE": WE, "bE": bE, "gamma": gamma, "beta": beta}


def reference(h, edge_index, e, norm, WA, bA, WB, bB, WD, bD, WE, bE, gamma, beta):
    h_in = h
    hh = h * norm
    Ah = hh @ WA + bA
    Bh = hh @ WB + bB
    Dh = hh @ WD + bD
    Eh = hh @ WE + bE
    src = edge_index[0]
    dst = edge_index[1]
    # message: e_ij = Dh[src] + Eh[dst]; Bh_j = Bh[src]
    e_ij = jnp.take(Dh, src, axis=0) + jnp.take(Eh, dst, axis=0)
    Bh_j = jnp.take(Bh, src, axis=0)
    sigma = jax.nn.sigmoid(e_ij)
    # reduce: gated mean over incoming edges (scatter-add by dst)
    num = jax.ops.segment_sum(sigma * Bh_j, dst, num_segments=N)
    den = jax.ops.segment_sum(sigma, dst, num_segments=N)
    h_new = Ah + num / (den + 1e-6)
    h2 = h_new * norm
    # BatchNorm1d in training mode (batch statistics, biased variance)
    mean = jnp.mean(h2, axis=0)
    var = jnp.var(h2, axis=0)
    hbn = (h2 - mean) / jnp.sqrt(var + 1e-5) * gamma + beta
    # residual (indim == outdim); dropout p=0 is identity
    out = h_in + hbn
    return (out, e)

if __name__ == "__main__":
    import jax
    _d = setup_inputs()
    print(jax.jit(kernel)(*tuple(_d.values())))

</pallas_src>

<mosaic_0001>
#map = affine_map<(d0, d1) -> (0, 0)>
#map1 = affine_map<(d0, d1) -> (0)>
module attributes {stable_mosaic.version = 14 : i64} {
  func.func @_edge_body(%arg0: i32, %arg1: i32, %arg2: memref<20000x128xf32, #tpu.memory_space<hbm>>, %arg3: memref<20000x128xf32, #tpu.memory_space<hbm>>, %arg4: memref<320000xi32, #tpu.memory_space<hbm>>, %arg5: memref<320000xi32, #tpu.memory_space<hbm>>, %arg6: memref<10000x128xf32, #tpu.memory_space<hbm>>, %arg7: memref<10000x128xf32, #tpu.memory_space<hbm>>, %arg8: memref<2000xi32, #tpu.memory_space<vmem>>, %arg9: memref<2000xi32, #tpu.memory_space<vmem>>, %arg10: memref<2x80xi32, #tpu.memory_space<vmem>>, %arg11: memref<2x80xi32, #tpu.memory_space<vmem>>, %arg12: memref<2x80xi32, #tpu.memory_space<vmem>>, %arg13: memref<2x80x128xf32, #tpu.memory_space<vmem>>, %arg14: memref<2x80x128xf32, #tpu.memory_space<vmem>>, %arg15: memref<10000x128xf32, #tpu.memory_space<vmem_shared>>, %arg16: memref<!tpu.dma_semaphore, #tpu.memory_space<semaphore_mem>>, %arg17: memref<!tpu.dma_semaphore, #tpu.memory_space<semaphore_mem>>) attributes {dimension_semantics = [#tpu.dimension_semantics<core_parallel>, #tpu.dimension_semantics<subcore_parallel>], iteration_bounds = array<i64: 2, 16>, scalar_prefetch = 0 : i64, scratch_operands = 10 : i64, tpu.core_type = #tpu.core_type<sc_vector_subcore>, window_params = [{transform_indices = #map}, {transform_indices = #map}, {transform_indices = #map1}, {transform_indices = #map1}, {transform_indices = #map}, {transform_indices = #map}]} {
    %mul3A = arith.constant 10000 : i32
    %mul3A_0 = arith.muli %arg0, %mul3A : i32
    %mul3A_1 = arith.constant 632 : i32
    %mul3A_2 = arith.muli %arg1, %mul3A_1 : i32
    %broadcast_in_dim3A = arith.constant 0.000000e+00 : f32
    %broadcast_in_dim3A_3 = vector.broadcast %broadcast_in_dim3A : f32 to vector<16xf32>
    %scan3A = arith.constant 0 : i32
    %scan3A_4 = arith.constant 0 : i32
    %scan3A_5 = arith.constant 80 : i32
    %scan3A_6 = arith.addi %scan3A_4, %scan3A_5 : i32
    %scan3A_7 = arith.constant 1 : i32
    scf.for %scan3A_449 = %scan3A_4 to %scan3A_6 step %scan3A_7  : i32 {
      %swap3A_450 = arith.constant 0 : i32
      %swap3A_451 = arith.constant 0 : i32
      %swap3A_452 = arith.constant 0 : i32
      %swap3A_453 = tpu.memref_slice %arg13[%swap3A_450, %swap3A_451, %swap3A_452] : memref<2x80x128xf32, #tpu.memory_space<vmem>> -> memref<1x80x128xf32, #tpu.memory_space<vmem>>
      %swap3A_454 = tpu.memref_squeeze %swap3A_453 : memref<1x80x128xf32, #tpu.memory_space<vmem>> -> memref<80x128xf32, #tpu.memory_space<vmem>>
      %swap3A_455 = arith.index_cast %scan3A_449 : i32 to index
      %swap3A_456 = arith.constant 0 : index
      %swap3A_457 = tpu.vector_load %swap3A_454[%swap3A_455, %swap3A_456] {strides = array<i32>} : memref<80x128xf32, #tpu.memory_space<vmem>>, vector<1x16xf32>,
      %swap3A_458 = vector.shape_cast %swap3A_457 : vector<1x16xf32> to vector<16xf32>
      %swap3A_459 = vector.shape_cast %broadcast_in_dim3A_3 : vector<16xf32> to vector<1x16xf32>
      tpu.vector_store %swap3A_454[%swap3A_455, %swap3A_456], %swap3A_459 {strides = array<i32>} : memref<80x128xf32, #tpu.memory_space<vmem>>, vector<1x16xf32>,
      %swap3A_460 = arith.constant 0 : i32
      %swap3A_461 = arith.constant 0 : i32
      %swap3A_462 = arith.constant 0 : i32
      %swap3A_463 = tpu.memref_slice %arg13[%swap3A_460, %swap3A_461, %swap3A_462] : memref<2x80x128xf32, #tpu.memory_space<vmem>> -> memref<1x80x128xf32, #tpu.memory_space<vmem>>
      %swap3A_464 = tpu.memref_squeeze %swap3A_463 : memref<1x80x128xf32, #tpu.memory_space<vmem>> -> memref<80x128xf32, #tpu.memory_space<vmem>>
      %swap3A_465 = arith.index_cast %scan3A_449 : i32 to index
      %swap3A_466 = arith.constant 16 : index
      %swap3A_467 = tpu.vector_load %swap3A_464[%swap3A_465, %swap3A_466] {strides = array<i32>} : memref<80x128xf32, #tpu.memory_space<vmem>>, vector<1x16xf32>,
      %swap3A_468 = vector.shape_cast %swap3A_467 : vector<1x16xf32> to vector<16xf32>
      %swap3A_469 = vector.shape_cast %broadcast_in_dim3A_3 : vector<16xf32> to vector<1x16xf32>
      tpu.vector_store %swap3A_464[%swap3A_465, %swap3A_466], %swap3A_469 {strides = array<i32>} : memref<80x128xf32, #tpu.memory_space<vmem>>, vector<1x16xf32>,
      %swap3A_470 = arith.constant 0 : i32
      %swap3A_471 = arith.constant 0 : i32
      %swap3A_472 = arith.constant 0 : i32
      %swap3A_473 = tpu.memref_slice %arg13[%swap3A_470, %swap3A_471, %swap3A_472] : memref<2x80x128xf32, #tpu.memory_space<vmem>> -> memref<1x80x128xf32, #tpu.memory_space<vmem>>
      %swap3A_474 = tpu.memref_squeeze %swap3A_473 : memref<1x80x128xf32, #tpu.memory_space<vmem>> -> memref<80x128xf32, #tpu.memory_space<vmem>>
      %swap3A_475 = arith.index_cast %scan3A_449 : i32 to index
      %swap3A_476 = arith.constant 32 : index
      %swap3A_477 = tpu.vector_load %swap3A_474[%swap3A_475, %swap3A_476] {strides = array<i32>} : memref<80x128xf32, #tpu.memory_space<vmem>>, vector<1x16xf32>,
      %swap3A_478 = vector.shape_cast %swap3A_477 : vector<1x16xf32> to vector<16xf32>
      %swap3A_479 = vector.shape_cast %broadcast_in_dim3A_3 : vector<16xf32> to vector<1x16xf32>
      tpu.vector_store %swap3A_474[%swap3A_475, %swap3A_476], %swap3A_479 {strides = array<i32>} : memref<80x128xf32, #tpu.memory_space<vmem>>, vector<1x16xf32>,
      %swap3A_480 = arith.constant 0 : i32
      %swap3A_481 = arith.constant 0 : i32
      %swap3A_482 = arith.constant 0 : i32
      %swap3A_483 = tpu.memref_slice %arg13[%swap3A_480, %swap3A_481, %swap3A_482] : memref<2x80x128xf32, #tpu.memory_space<vmem>> -> memref<1x80x128xf32, #tpu.memory_space<vmem>>
      %swap3A_484 = tpu.memref_squeeze %swap3A_483 : memref<1x80x128xf32, #tpu.memory_space<vmem>> -> memref<80x128xf32, #tpu.memory_space<vmem>>
      %swap3A_485 = arith.index_cast %scan3A_449 : i32 to index
      %swap3A_486 = arith.constant 48 : index
      %swap3A_487 = tpu.vector_load %swap3A_484[%swap3A_485, %swap3A_486] {strides = array<i32>} : memref<80x128xf32, #tpu.memory_space<vmem>>, vector<1x16xf32>,
      %swap3A_488 = vector.shape_cast %swap3A_487 : vector<1x16xf32> to vector<16xf32>
      %swap3A_489 = vector.shape_cast %broadcast_in_dim3A_3 : vector<16xf32> to vector<1x16xf32>
      tpu.vector_store %swap3A_484[%swap3A_485, %swap3A_486], %swap3A_489 {strides = array<i32>} : memref<80x128xf32, #tpu.memory_space<vmem>>, vector<1x16xf32>,
      %swap3A_490 = arith.constant 0 : i32
      %swap3A_491 = arith.constant 0 : i32
      %swap3A_492 = arith.constant 0 : i32
      %swap3A_493 = tpu.memref_slice %arg13[%swap3A_490, %swap3A_491, %swap3A_492] : memref<2x80x128xf32, #tpu.memory_space<vmem>> -> memref<1x80x128xf32, #tpu.memory_space<vmem>>
      %swap3A_494 = tpu.memref_squeeze %swap3A_493 : memref<1x80x128xf32, #tpu.memory_space<vmem>> -> memref<80x128xf32, #tpu.memory_space<vmem>>
      %swap3A_495 = arith.index_cast %scan3A_449 : i32 to index
      %swap3A_496 = arith.constant 64 : index
      %swap3A_497 = tpu.vector_load %swap3A_494[%swap3A_495, %swap3A_496] {strides = array<i32>} : memref<80x128xf32, #tpu.memory_space<vmem>>, vector<1x16xf32>,
      %swap3A_498 = vector.shape_cast %swap3A_497 : vector<1x16xf32> to vector<16xf32>
      %swap3A_499 = vector.shape_cast %broadcast_in_dim3A_3 : vector<16xf32> to vector<1x16xf32>
      tpu.vector_store %swap3A_494[%swap3A_495, %swap3A_496], %swap3A_499 {strides = array<i32>} : memref<80x128xf32, #tpu.memory_space<vmem>>, vector<1x16xf32>,
      %swap3A_500 = arith.constant 0 : i32
      %swap3A_501 = arith.constant 0 : i32
      %swap3A_502 = arith.constant 0 : i32
      %swap3A_503 = tpu.memref_slice %arg13[%swap3A_500, %swap3A_501, %swap3A_502] : memref<2x80x128xf32, #tpu.memory_space<vmem>> -> memref<1x80x128xf32, #tpu.memory_space<vmem>>
      %swap3A_504 = tpu.memref_squeeze %swap3A_503 : memref<1x80x128xf32, #tpu.memory_space<vmem>> -> memref<80x128xf32, #tpu.memory_space<vmem>>
      %swap3A_505 = arith.index_cast %scan3A_449 : i32 to index
      %swap3A_506 = arith.constant 80 : index
      %swap3A_507 = tpu.vector_load %swap3A_504[%swap3A_505, %swap3A_506] {strides = array<i32>} : memref<80x128xf32, #tpu.memory_space<vmem>>, vector<1x16xf32>,
      %swap3A_508 = vector.shape_cast %swap3A_507 : vector<1x16xf32> to vector<16xf32>
      %swap3A_509 = vector.shape_cast %broadcast_in_dim3A_3 : vector<16xf32> to vector<1x16xf32>
      tpu.vector_store %swap3A_504[%swap3A_505, %swap3A_506], %swap3A_509 {strides = array<i32>} : memref<80x128xf32, #tpu.memory_space<vmem>>, vector<1x16xf32>,
      %swap3A_510 = arith.constant 0 : i32
      %swap3A_511 = arith.constant 0 : i32
      %swap3A_512 = arith.constant 0 : i32
      %swap3A_513 = tpu.memref_slice %arg13[%swap3A_510, %swap3A_511, %swap3A_512] : memref<2x80x128xf32, #tpu.memory_space<vmem>> -> memref<1x80x128xf32, #tpu.memory_space<vmem>>
      %swap3A_514 = tpu.memref_squeeze %swap3A_513 : memref<1x80x128xf32, #tpu.memory_space<vmem>> -> memref<80x128xf32, #tpu.memory_space<vmem>>
      %swap3A_515 = arith.index_cast %scan3A_449 : i32 to index
      %swap3A_516 = arith.constant 96 : index
      %swap3A_517 = tpu.vector_load %swap3A_514[%swap3A_515, %swap3A_516] {strides = array<i32>} : memref<80x128xf32, #tpu.memory_space<vmem>>, vector<1x16xf32>,
      %swap3A_518 = vector.shape_cast %swap3A_517 : vector<1x16xf32> to vector<16xf32>
      %swap3A_519 = vector.shape_cast %broadcast_in_dim3A_3 : vector<16xf32> to vector<1x16xf32>
      tpu.vector_store %swap3A_514[%swap3A_515, %swap3A_516], %swap3A_519 {strides = array<i32>} : memref<80x128xf32, #tpu.memory_space<vmem>>, vector<1x16xf32>,
      %swap3A_520 = arith.constant 0 : i32
      %swap3A_521 = arith.constant 0 : i32
      %swap3A_522 = arith.constant 0 : i32
      %swap3A_523 = tpu.memref_slice %arg13[%swap3A_520, %swap3A_521, %swap3A_522] : memref<2x80x128xf32, #tpu.memory_space<vmem>> -> memref<1x80x128xf32, #tpu.memory_space<vmem>>
      %swap3A_524 = tpu.memref_squeeze %swap3A_523 : memref<1x80x128xf32, #tpu.memory_space<vmem>> -> memref<80x128xf32, #tpu.memory_space<vmem>>
      %swap3A_525 = arith.index_cast %scan3A_449 : i32 to index
      %swap3A_526 = arith.constant 112 : index
      %swap3A_527 = tpu.vector_load %swap3A_524[%swap3A_525, %swap3A_526] {strides = array<i32>} : memref<80x128xf32, #tpu.memory_space<vmem>>, vector<1x16xf32>,
      %swap3A_528 = vector.shape_cast %swap3A_527 : vector<1x16xf32> to vector<16xf32>
      %swap3A_529 = vector.shape_cast %broadcast_in_dim3A_3 : vector<16xf32> to vector<1x16xf32>
      tpu.vector_store %swap3A_524[%swap3A_525, %swap3A_526], %swap3A_529 {strides = array<i32>} : memref<80x128xf32, #tpu.memory_space<vmem>>, vector<1x16xf32>,
    }
    %scan3A_8 = arith.constant 80 : i32
    %lt3A = arith.constant 15 : i32
    %lt3A_9 = arith.cmpi slt, %arg1, %lt3A : i32
    %convert_element_type3A = arith.extui %lt3A_9 : i1 to i32
    %cond3A = arith.constant 0 : i32
    %cond3A_10 = arith.cmpi ne, %convert_element_type3A, %cond3A : i32
    scf.if %cond3A_10 {
      %add3A_449 = arith.constant 0 : i32
      %add3A_450 = arith.addi %mul3A_2, %add3A_449 : i32
      %run_scoped3A = arith.constant 0 : i32
      "tpu.region"() ({
        %run_scoped3A_473 = tpu.sem_alloc : memref<!tpu.dma_semaphore, #tpu.memory_space<semaphore_mem>>
        %dma_start3A_474 = arith.constant 0 : i32
        %dma_start3A_475 = arith.constant 0 : i32
        %dma_start3A_476 = tpu.memref_slice %arg13[%run_scoped3A, %dma_start3A_474, %dma_start3A_475] : memref<2x80x128xf32, #tpu.memory_space<vmem>> -> memref<1x80x128xf32, #tpu.memory_space<vmem>>
        %dma_start3A_477 = tpu.memref_squeeze %dma_start3A_476 : memref<1x80x128xf32, #tpu.memory_space<vmem>> -> memref<80x128xf32, #tpu.memory_space<vmem>>
        %dma_start3A_478 = arith.constant 0 : i32
        %dma_start3A_479 = tpu.memref_slice %arg15[%add3A_450, %dma_start3A_478] : memref<10000x128xf32, #tpu.memory_space<vmem_shared>> -> memref<80x128xf32, #tpu.memory_space<vmem_shared>>
        %dma_start3A_480 = arith.constant 0 : i32
        %dma_start3A_481 = tpu.memref_slice %arg15[%add3A_450, %dma_start3A_480] : memref<10000x128xf32, #tpu.memory_space<vmem_shared>> -> memref<80x128xf32, #tpu.memory_space<vmem_shared>>
        %dma_start3A_482 = arith.constant 0 : i32
        %dma_start3A_483 = arith.constant 0 : i32
        %dma_start3A_484 = tpu.memref_slice %arg13[%run_scoped3A, %dma_start3A_482, %dma_start3A_483] : memref<2x80x128xf32, #tpu.memory_space<vmem>> -> memref<1x80x128xf32, #tpu.memory_space<vmem>>
        %dma_start3A_485 = tpu.memref_squeeze %dma_start3A_484 : memref<1x80x128xf32, #tpu.memory_space<vmem>> -> memref<80x128xf32, #tpu.memory_space<vmem>>
        tpu.enqueue_dma source(%dma_start3A_485 : memref<80x128xf32, #tpu.memory_space<vmem>>) target(%dma_start3A_481 : memref<80x128xf32, #tpu.memory_space<vmem_shared>>) target_semaphore(%run_scoped3A_473 : memref<!tpu.dma_semaphore, #tpu.memory_space<semaphore_mem>>)
        %dma_wait3A = arith.constant 0 : i32
        %dma_wait3A_486 = arith.constant 0 : i32
        %dma_wait3A_487 = tpu.memref_slice %arg13[%run_scoped3A, %dma_wait3A, %dma_wait3A_486] : memref<2x80x128xf32, #tpu.memory_space<vmem>> -> memref<1x80x128xf32, #tpu.memory_space<vmem>>
        %dma_wait3A_488 = tpu.memref_squeeze %dma_wait3A_487 : memref<1x80x128xf32, #tpu.memory_space<vmem>> -> memref<80x128xf32, #tpu.memory_space<vmem>>
        %dma_wait3A_489 = arith.constant 0 : i32
        %dma_wait3A_490 = tpu.memref_slice %arg15[%add3A_450, %dma_wait3A_489] : memref<10000x128xf32, #tpu.memory_space<vmem_shared>> -> memref<80x128xf32, #tpu.memory_space<vmem_shared>>
        %dma_wait3A_491 = arith.constant 0 : i32
        %dma_wait3A_492 = tpu.memref_slice %arg15[%add3A_450, %dma_wait3A_491] : memref<10000x128xf32, #tpu.memory_space<vmem_shared>> -> memref<80x128xf32, #tpu.memory_space<vmem_shared>>
        %dma_wait3A_493 = arith.constant 0 : i32
        %dma_wait3A_494 = arith.constant 0 : i32
        %dma_wait3A_495 = tpu.memref_slice %arg13[%run_scoped3A, %dma_wait3A_493, %dma_wait3A_494] : memref<2x80x128xf32, #tpu.memory_space<vmem>> -> memref<1x80x128xf32, #tpu.memory_space<vmem>>
        %dma_wait3A_496 = tpu.memref_squeeze %dma_wait3A_495 : memref<1x80x128xf32, #tpu.memory_space<vmem>> -> memref<80x128xf32, #tpu.memory_space<vmem>>
        tpu.wait_dma2 semaphore(%run_scoped3A_473 : memref<!tpu.dma_semaphore, #tpu.memory_space<semaphore_mem>>) src(%dma_wait3A_496 : memref<80x128xf32, #tpu.memory_space<vmem>>) dst(%dma_wait3A_492 : memref<80x128xf32, #tpu.memory_space<vmem_shared>>)
        tpu.yield
      }) : () -> ()
      %add3A_451 = arith.constant 80 : i32
      %add3A_452 = arith.addi %mul3A_2, %add3A_451 : i32
      %run_scoped3A_453 = arith.constant 0 : i32
      "tpu.region"() ({
        %run_scoped3A_473 = tpu.sem_alloc : memref<!tpu.dma_semaphore, #tpu.memory_space<semaphore_mem>>
        %dma_start3A_474 = arith.constant 0 : i32
        %dma_start3A_475 = arith.constant 0 : i32
        %dma_start3A_476 = tpu.memref_slice %arg13[%run_scoped3A_453, %dma_start3A_474, %dma_start3A_475] : memref<2x80x128xf32, #tpu.memory_space<vmem>> -> memref<1x80x128xf32, #tpu.memory_space<vmem>>
        %dma_start3A_477 = tpu.memref_squeeze %dma_start3A_476 : memref<1x80x128xf32, #tpu.memory_space<vmem>> -> memref<80x128xf32, #tpu.memory_space<vmem>>
        %dma_start3A_478 = arith.constant 0 : i32
        %dma_start3A_479 = tpu.memref_slice %arg15[%add3A_452, %dma_start3A_478] : memref<10000x128xf32, #tpu.memory_space<vmem_shared>> -> memref<80x128xf32, #tpu.memory_space<vmem_shared>>
        %dma_start3A_480 = arith.constant 0 : i32
        %dma_start3A_481 = tpu.memref_slice %arg15[%add3A_452, %dma_start3A_480] : memref<10000x128xf32, #tpu.memory_space<vmem_shared>> -> memref<80x128xf32, #tpu.memory_space<vmem_shared>>
        %dma_start3A_482 = arith.constant 0 : i32
        %dma_start3A_483 = arith.constant 0 : i32
        %dma_start3A_484 = tpu.memref_slice %arg13[%run_scoped3A_453, %dma_start3A_482, %dma_start3A_483] : memref<2x80x128xf32, #tpu.memory_space<vmem>> -> memref<1x80x128xf32, #tpu.memory_space<vmem>>
        %dma_start3A_485 = tpu.memref_squeeze %dma_start3A_484 : memref<1x80x128xf32, #tpu.memory_space<vmem>> -> memref<80x128xf32, #tpu.memory_space<vmem>>
        tpu.enqueue_dma source(%dma_start3A_485 : memref<80x128xf32, #tpu.memory_space<vmem>>) target(%dma_start3A_481 : memref<80x128xf32, #tpu.memory_space<vmem_shared>>) target_semaphore(%run_scoped3A_473 : memref<!tpu.dma_semaphore, #tpu.memory_space<semaphore_mem>>)
        %dma_wait3A = arith.constant 0 : i32
        %dma_wait3A_486 = arith.constant 0 : i32
        %dma_wait3A_487 = tpu.memref_slice %arg13[%run_scoped3A_453, %dma_wait3A, %dma_wait3A_486] : memref<2x80x128xf32, #tpu.memory_space<vmem>> -> memref<1x80x128xf32, #tpu.memory_space<vmem>>
        %dma_wait3A_488 = tpu.memref_squeeze %dma_wait3A_487 : memref<1x80x128xf32, #tpu.memory_space<vmem>> -> memref<80x128xf32, #tpu.memory_space<vmem>>
        %dma_wait3A_489 = arith.constant 0 : i32
        %dma_wait3A_490 = tpu.memref_slice %arg15[%add3A_452, %dma_wait3A_489] : memref<10000x128xf32, #tpu.memory_space<vmem_shared>> -> memref<80x128xf32, #tpu.memory_space<vmem_shared>>
        %dma_wait3A_491 = arith.constant 0 : i32
        %dma_wait3A_492 = tpu.memref_slice %arg15[%add3A_452, %dma_wait3A_491] : memref<10000x128xf32, #tpu.memory_space<vmem_shared>> -> memref<80x128xf32, #tpu.memory_space<vmem_shared>>
        %dma_wait3A_493 = arith.constant 0 : i32
        %dma_wait3A_494 = arith.constant 0 : i32
        %dma_wait3A_495 = tpu.memref_slice %arg13[%run_scoped3A_453, %dma_wait3A_493, %dma_wait3A_494] : memref<2x80x128xf32, #tpu.memory_space<vmem>> -> memref<1x80x128xf32, #tpu.memory_space<vmem>>
        %dma_wait3A_496 = tpu.memref_squeeze %dma_wait3A_495 : memref<1x80x128xf32, #tpu.memory_space<vmem>> -> memref<80x128xf32, #tpu.memory_space<vmem>>
        tpu.wait_dma2 semaphore(%run_scoped3A_473 : memref<!tpu.dma_semaphore, #tpu.memory_space<semaphore_mem>>) src(%dma_wait3A_496 : memref<80x128xf32, #tpu.memory_space<vmem>>) dst(%dma_wait3A_492 : memref<80x128xf32, #tpu.memory_space<vmem_shared>>)
        tpu.yield
      }) : () -> ()
      %add3A_454 = arith.constant 160 : i32
      %add3A_455 = arith.addi %mul3A_2, %add3A_454 : i32
      %run_scoped3A_456 = arith.constant 0 : i32
      "tpu.region"() ({
        %run_scoped3A_473 = tpu.sem_alloc : memref<!tpu.dma_semaphore, #tpu.memory_space<semaphore_mem>>
        %dma_start3A_474 = arith.constant 0 : i32
        %dma_start3A_475 = arith.constant 0 : i32
        %dma_start3A_476 = tpu.memref_slice %arg13[%run_scoped3A_456, %dma_start3A_474, %dma_start3A_475] : memref<2x80x128xf32, #tpu.memory_space<vmem>> -> memref<1x80x128xf32, #tpu.memory_space<vmem>>
        %dma_start3A_477 = tpu.memref_squeeze %dma_start3A_476 : memref<1x80x128xf32, #tpu.memory_space<vmem>> -> memref<80x128xf32, #tpu.memory_space<vmem>>
        %dma_start3A_478 = arith.constant 0 : i32
        %dma_start3A_479 = tpu.memref_slice %arg15[%add3A_455, %dma_start3A_478] : memref<10000x128xf32, #tpu.memory_space<vmem_shared>> -> memref<80x128xf32, #tpu.memory_space<vmem_shared>>
        %dma_start3A_480 = arith.constant 0 : i32
        %dma_start3A_481 = tpu.memref_slice %arg15[%add3A_455, %dma_start3A_480] : memref<10000x128xf32, #tpu.memory_space<vmem_shared>> -> memref<80x128xf32, #tpu.memory_space<vmem_shared>>
        %dma_start3A_482 = arith.constant 0 : i32
        %dma_start3A_483 = arith.constant 0 : i32
        %dma_start3A_484 = tpu.memref_slice %arg13[%run_scoped3A_456, %dma_start3A_482, %dma_start3A_483] : memref<2x80x128xf32, #tpu.memory_space<vmem>> -> memref<1x80x128xf32, #tpu.memory_space<vmem>>
        %dma_start3A_485 = tpu.memref_squeeze %dma_start3A_484 : memref<1x80x128xf32, #tpu.memory_space<vmem>> -> memref<80x128xf32, #tpu.memory_space<vmem>>
        tpu.enqueue_dma source(%dma_start3A_485 : memref<80x128xf32, #tpu.memory_space<vmem>>) target(%dma_start3A_481 : memref<80x128xf32, #tpu.memory_space<vmem_shared>>) target_semaphore(%run_scoped3A_473 : memref<!tpu.dma_semaphore, #tpu.memory_space<semaphore_mem>>)
        %dma_wait3A = arith.constant 0 : i32
        %dma_wait3A_486 = arith.constant 0 : i32
        %dma_wait3A_487 = tpu.memref_slice %arg13[%run_scoped3A_456, %dma_wait3A, %dma_wait3A_486] : memref<2x80x128xf32, #tpu.memory_space<vmem>> -> memref<1x80x128xf32, #tpu.memory_space<vmem>>
        %dma_wait3A_488 = tpu.memref_squeeze %dma_wait3A_487 : memref<1x80x128xf32, #tpu.memory_space<vmem>> -> memref<80x128xf32, #tpu.memory_space<vmem>>
        %dma_wait3A_489 = arith.constant 0 : i32
        %dma_wait3A_490 = tpu.memref_slice %arg15[%add3A_455, %dma_wait3A_489] : memref<10000x128xf32, #tpu.memory_space<vmem_shared>> -> memref<80x128xf32, #tpu.memory_space<vmem_shared>>
        %dma_wait3A_491 = arith.constant 0 : i32
        %dma_wait3A_492 = tpu.memref_slice %arg15[%add3A_455, %dma_wait3A_491] : memref<10000x128xf32, #tpu.memory_space<vmem_shared>> -> memref<80x128xf32, #tpu.memory_space<vmem_shared>>
        %dma_wait3A_493 = arith.constant 0 : i32
        %dma_wait3A_494 = arith.constant 0 : i32
        %dma_wait3A_495 = tpu.memref_slice %arg13[%run_scoped3A_456, %dma_wait3A_493, %dma_wait3A_494] : memref<2x80x128xf32, #tpu.memory_space<vmem>> -> memref<1x80x128xf32, #tpu.memory_space<vmem>>
        %dma_wait3A_496 = tpu.memref_squeeze %dma_wait3A_495 : memref<1x80x128xf32, #tpu.memory_space<vmem>> -> memref<80x128xf32, #tpu.memory_space<vmem>>
        tpu.wait_dma2 semaphore(%run_scoped3A_473 : memref<!tpu.dma_semaphore, #tpu.memory_space<semaphore_mem>>) src(%dma_wait3A_496 : memref<80x128xf32, #tpu.memory_space<vmem>>) dst(%dma_wait3A_492 : memref<80x128xf32, #tpu.memory_space<vmem_shared>>)
        tpu.yield
      }) : () -> ()
      %add3A_457 = arith.constant 240 : i32
      %add3A_458 = arith.addi %mul3A_2, %add3A_457 : i32
      %run_scoped3A_459 = arith.constant 0 : i32
      "tpu.region"() ({
        %run_scoped3A_473 = tpu.sem_alloc : memref<!tpu.dma_semaphore, #tpu.memory_space<semaphore_mem>>
        %dma_start3A_474 = arith.constant 0 : i32
        %dma_start3A_475 = arith.constant 0 : i32
        %dma_start3A_476 = tpu.memref_slice %arg13[%run_scoped3A_459, %dma_start3A_474, %dma_start3A_475] : memref<2x80x128xf32, #tpu.memory_space<vmem>> -> memref<1x80x128xf32, #tpu.memory_space<vmem>>
        %dma_start3A_477 = tpu.memref_squeeze %dma_start3A_476 : memref<1x80x128xf32, #tpu.memory_space<vmem>> -> memref<80x128xf32, #tpu.memory_space<vmem>>
        %dma_start3A_478 = arith.constant 0 : i32
        %dma_start3A_479 = tpu.memref_slice %arg15[%add3A_458, %dma_start3A_478] : memref<10000x128xf32, #tpu.memory_space<vmem_shared>> -> memref<80x128xf32, #tpu.memory_space<vmem_shared>>
        %dma_start3A_480 = arith.constant 0 : i32
        %dma_start3A_481 = tpu.memref_slice %arg15[%add3A_458, %dma_start3A_480] : memref<10000x128xf32, #tpu.memory_space<vmem_shared>> -> memref<80x128xf32, #tpu.memory_space<vmem_shared>>
        %dma_start3A_482 = arith.constant 0 : i32
        %dma_start3A_483 = arith.constant 0 : i32
        %dma_start3A_484 = tpu.memref_slice %arg13[%run_scoped3A_459, %dma_start3A_482, %dma_start3A_483] : memref<2x80x128xf32, #tpu.memory_space<vmem>> -> memref<1x80x128xf32, #tpu.memory_space<vmem>>
        %dma_start3A_485 = tpu.memref_squeeze %dma_start3A_484 : memref<1x80x128xf32, #tpu.memory_space<vmem>> -> memref<80x128xf32, #tpu.memory_space<vmem>>
        tpu.enqueue_dma source(%dma_start3A_485 : memref<80x128xf32, #tpu.memory_space<vmem>>) target(%dma_start3A_481 : memref<80x128xf32, #tpu.memory_space<vmem_shared>>) target_semaphore(%run_scoped3A_473 : memref<!tpu.dma_semaphore, #tpu.memory_space<semaphore_mem>>)
        %dma_wait3A = arith.constant 0 : i32
        %dma_wait3A_486 = arith.constant 0 : i32
        %dma_wait3A_487 = tpu.memref_slice %arg13[%run_scoped3A_459, %dma_wait3A, %dma_wait3A_486] : memref<2x80x128xf32, #tpu.memory_space<vmem>> -> memref<1x80x128xf32, #tpu.memory_space<vmem>>
        %dma_wait3A_488 = tpu.memref_squeeze %dma_wait3A_487 : memref<1x80x128xf32, #tpu.memory_space<vmem>> -> memref<80x128xf32, #tpu.memory_space<vmem>>
        %dma_wait3A_489 = arith.constant 0 : i32
        %dma_wait3A_490 = tpu.memref_slice %arg15[%add3A_458, %dma_wait3A_489] : memref<10000x128xf32, #tpu.memory_space<vmem_shared>> -> memref<80x128xf32, #tpu.memory_space<vmem_shared>>
        %dma_wait3A_491 = arith.constant 0 : i32
        %dma_wait3A_492 = tpu.memref_slice %arg15[%add3A_458, %dma_wait3A_491] : memref<10000x128xf32, #tpu.memory_space<vmem_shared>> -> memref<80x128xf32, #tpu.memory_space<vmem_shared>>
        %dma_wait3A_493 = arith.constant 0 : i32
        %dma_wait3A_494 = arith.constant 0 : i32
        %dma_wait3A_495 = tpu.memref_slice %arg13[%run_scoped3A_459, %dma_wait3A_493, %dma_wait3A_494] : memref<2x80x128xf32, #tpu.memory_space<vmem>> -> memref<1x80x128xf32, #tpu.memory_space<vmem>>
        %dma_wait3A_496 = tpu.memref_squeeze %dma_wait3A_495 : memref<1x80x128xf32, #tpu.memory_space<vmem>> -> memref<80x128xf32, #tpu.memory_space<vmem>>
        tpu.wait_dma2 semaphore(%run_scoped3A_473 : memref<!tpu.dma_semaphore, #tpu.memory_space<semaphore_mem>>) src(%dma_wait3A_496 : memref<80x128xf32, #tpu.memory_space<vmem>>) dst(%dma_wait3A_492 : memref<80x128xf32, #tpu.memory_space<vmem_shared>>)
        tpu.yield
      }) : () -> ()
      %add3A_460 = arith.constant 320 : i32
      %add3A_461 = arith.addi %mul3A_2, %add3A_460 : i32
      %run_scoped3A_462 = arith.constant 0 : i32
      "tpu.region"() ({
        %run_scoped3A_473 = tpu.sem_alloc : memref<!tpu.dma_semaphore, #tpu.memory_space<semaphore_mem>>
        %dma_start3A_474 = arith.constant 0 : i32
        %dma_start3A_475 = arith.constant 0 : i32
        %dma_start3A_476 = tpu.memref_slice %arg13[%run_scoped3A_462, %dma_start3A_474, %dma_start3A_475] : memref<2x80x128xf32, #tpu.memory_space<vmem>> -> memref<1x80x128xf32, #tpu.memory_space<vmem>>
        %dma_start3A_477 = tpu.memref_squeeze %dma_start3A_476 : memref<1x80x128xf32, #tpu.memory_space<vmem>> -> memref<80x128xf32, #tpu.memory_space<vmem>>
        %dma_start3A_478 = arith.constant 0 : i32
        %dma_start3A_479 = tpu.memref_slice %arg15[%add3A_461, %dma_start3A_478] : memref<10000x128xf32, #tpu.memory_space<vmem_shared>> -> memref<80x128xf32, #tpu.memory_space<vmem_shared>>
        %dma_start3A_480 = arith.constant 0 : i32
        %dma_start3A_481 = tpu.memref_slice %arg15[%add3A_461, %dma_start3A_480] : memref<10000x128xf32, #tpu.memory_space<vmem_shared>> -> memref<80x128xf32, #tpu.memory_space<vmem_shared>>
        %dma_start3A_482 = arith.constant 0 : i32
        %dma_start3A_483 = arith.constant 0 : i32
        %dma_start3A_484 = tpu.memref_slice %arg13[%run_scoped3A_462, %dma_start3A_482, %dma_start3A_483] : memref<2x80x128xf32, #tpu.memory_space<vmem>> -> memref<1x80x128xf32, #tpu.memory_space<vmem>>
        %dma_start3A_485 = tpu.memref_squeeze %dma_start3A_484 : memref<1x80x128xf32, #tpu.memory_space<vmem>> -> memref<80x128xf32, #tpu.memory_space<vmem>>
        tpu.enqueue_dma source(%dma_start3A_485 : memref<80x128xf32, #tpu.memory_space<vmem>>) target(%dma_start3A_481 : memref<80x128xf32, #tpu.memory_space<vmem_shared>>) target_semaphore(%run_scoped3A_473 : memref<!tpu.dma_semaphore, #tpu.memory_space<semaphore_mem>>)
        %dma_wait3A = arith.constant 0 : i32
        %dma_wait3A_486 = arith.constant 0 : i32
        %dma_wait3A_487 = tpu.memref_slice %arg13[%run_scoped3A_462, %dma_wait3A, %dma_wait3A_486] : memref<2x80x128xf32, #tpu.memory_space<vmem>> -> memref<1x80x128xf32, #tpu.memory_space<vmem>>
        %dma_wait3A_488 = tpu.memref_squeeze %dma_wait3A_487 : memref<1x80x128xf32, #tpu.memory_space<vmem>> -> memref<80x128xf32, #tpu.memory_space<vmem>>
        %dma_wait3A_489 = arith.constant 0 : i32
        %dma_wait3A_490 = tpu.memref_slice %arg15[%add3A_461, %dma_wait3A_489] : memref<10000x128xf32, #tpu.memory_space<vmem_shared>> -> memref<80x128xf32, #tpu.memory_space<vmem_shared>>
        %dma_wait3A_491 = arith.constant 0 : i32
        %dma_wait3A_492 = tpu.memref_slice %arg15[%add3A_461, %dma_wait3A_491] : memref<10000x128xf32, #tpu.memory_space<vmem_shared>> -> memref<80x128xf32, #tpu.memory_space<vmem_shared>>
        %dma_wait3A_493 = arith.constant 0 : i32
        %dma_wait3A_494 = arith.constant 0 : i32
        %dma_wait3A_495 = tpu.memref_slice %arg13[%run_scoped3A_462, %dma_wait3A_493, %dma_wait3A_494] : memref<2x80x128xf32, #tpu.memory_space<vmem>> -> memref<1x80x128xf32, #tpu.memory_space<vmem>>
        %dma_wait3A_496 = tpu.memref_squeeze %dma_wait3A_495 : memref<1x80x128xf32, #tpu.memory_space<vmem>> -> memref<80x128xf32, #tpu.memory_space<vmem>>
        tpu.wait_dma2 semaphore(%run_scoped3A_473 : memref<!tpu.dma_semaphore, #tpu.memory_space<semaphore_mem>>) src(%dma_wait3A_496 : memref<80x128xf32, #tpu.memory_space<vmem>>) dst(%dma_wait3A_492 : memref<80x128xf32, #tpu.memory_space<vmem_shared>>)
        tpu.yield
      }) : () -> ()
      %add3A_463 = arith.constant 400 : i32
      %add3A_464 = arith.addi %mul3A_2, %add3A_463 : i32
      %run_scoped3A_465 = arith.constant 0 : i32
      "tpu.region"() ({
        %run_scoped3A_473 = tpu.sem_alloc : memref<!tpu.dma_semaphore, #tpu.memory_space<semaphore_mem>>
        %dma_start3A_474 = arith.constant 0 : i32
        %dma_start3A_475 = arith.constant 0 : i32
        %dma_start3A_476 = tpu.memref_slice %arg13[%run_scoped3A_465, %dma_start3A_474, %dma_start3A_475] : memref<2x80x128xf32, #tpu.memory_space<vmem>> -> memref<1x80x128xf32, #tpu.memory_space<vmem>>
        %dma_start3A_477 = tpu.memref_squeeze %dma_start3A_476 : memref<1x80x128xf32, #tpu.memory_space<vmem>> -> memref<80x128xf32, #tpu.memory_space<vmem>>
        %dma_start3A_478 = arith.constant 0 : i32
        %dma_start3A_479 = tpu.memref_slice %arg15[%add3A_464, %dma_start3A_478] : memref<10000x128xf32, #tpu.memory_space<vmem_shared>> -> memref<80x128xf32, #tpu.memory_space<vmem_shared>>
        %dma_start3A_480 = arith.constant 0 : i32
        %dma_start3A_481 = tpu.memref_slice %arg15[%add3A_464, %dma_start3A_480] : memref<10000x128xf32, #tpu.memory_space<vmem_shared>> -> memref<80x128xf32, #tpu.memory_space<vmem_shared>>
        %dma_start3A_482 = arith.constant 0 : i32
        %dma_start3A_483 = arith.constant 0 : i32
        %dma_start3A_484 = tpu.memref_slice %arg13[%run_scoped3A_465, %dma_start3A_482, %dma_start3A_483] : memref<2x80x128xf32, #tpu.memory_space<vmem>> -> memref<1x80x128xf32, #tpu.memory_space<vmem>>
        %dma_start3A_485 = tpu.memref_squeeze %dma_start3A_484 : memref<1x80x128xf32, #tpu.memory_space<vmem>> -> memref<80x128xf32, #tpu.memory_space<vmem>>
        tpu.enqueue_dma source(%dma_start3A_485 : memref<80x128xf32, #tpu.memory_space<vmem>>) target(%dma_start3A_481 : memref<80x128xf32, #tpu.memory_space<vmem_shared>>) target_semaphore(%run_scoped3A_473 : memref<!tpu.dma_semaphore, #tpu.memory_space<semaphore_mem>>)
        %dma_wait3A = arith.constant 0 : i32
        %dma_wait3A_486 = arith.constant 0 : i32
        %dma_wait3A_487 = tpu.memref_slice %arg13[%run_scoped3A_465, %dma_wait3A, %dma_wait3A_486] : memref<2x80x128xf32, #tpu.memory_space<vmem>> -> memref<1x80x128xf32, #tpu.memory_space<vmem>>
        %dma_wait3A_488 = tpu.memref_squeeze %dma_wait3A_487 : memref<1x80x128xf32, #tpu.memory_space<vmem>> -> memref<80x128xf32, #tpu.memory_space<vmem>>
        %dma_wait3A_489 = arith.constant 0 : i32
        %dma_wait3A_490 = tpu.memref_slice %arg15[%add3A_464, %dma_wait3A_489] : memref<10000x128xf32, #tpu.memory_space<vmem_shared>> -> memref<80x128xf32, #tpu.memory_space<vmem_shared>>
        %dma_wait3A_491 = arith.constant 0 : i32
        %dma_wait3A_492 = tpu.memref_slice %arg15[%add3A_464, %dma_wait3A_491] : memref<10000x128xf32, #tpu.memory_space<vmem_shared>> -> memref<80x128xf32, #tpu.memory_space<vmem_shared>>
        %dma_wait3A_493 = arith.constant 0 : i32
        %dma_wait3A_494 = arith.constant 0 : i32
        %dma_wait3A_495 = tpu.memref_slice %arg13[%run_scoped3A_465, %dma_wait3A_493, %dma_wait3A_494] : memref<2x80x128xf32, #tpu.memory_space<vmem>> -> memref<1x80x128xf32, #tpu.memory_space<vmem>>
        %dma_wait3A_496 = tpu.memref_squeeze %dma_wait3A_495 : memref<1x80x128xf32, #tpu.memory_space<vmem>> -> memref<80x128xf32, #tpu.memory_space<vmem>>
        tpu.wait_dma2 semaphore(%run_scoped3A_473 : memref<!tpu.dma_semaphore, #tpu.memory_space<semaphore_mem>>) src(%dma_wait3A_496 : memref<80x128xf32, #tpu.memory_space<vmem>>) dst(%dma_wait3A_492 : memref<80x128xf32, #tpu.memory_space<vmem_shared>>)
        tpu.yield
      }) : () -> ()
      %add3A_466 = arith.constant 480 : i32
      %add3A_467 = arith.addi %mul3A_2, %add3A_466 : i32
      %run_scoped3A_468 = arith.constant 0 : i32
      "tpu.region"() ({
        %run_scoped3A_473 = tpu.sem_alloc : memref<!tpu.dma_semaphore, #tpu.memory_space<semaphore_mem>>
        %dma_start3A_474 = arith.constant 0 : i32
        %dma_start3A_475 = arith.constant 0 : i32
        %dma_start3A_476 = tpu.memref_slice %arg13[%run_scoped3A_468, %dma_start3A_474, %dma_start3A_475] : memref<2x80x128xf32, #tpu.memory_space<vmem>> -> memref<1x80x128xf32, #tpu.memory_space<vmem>>
        %dma_start3A_477 = tpu.memref_squeeze %dma_start3A_476 : memref<1x80x128xf32, #tpu.memory_space<vmem>> -> memref<80x128xf32, #tpu.memory_space<vmem>>
        %dma_start3A_478 = arith.constant 0 : i32
        %dma_start3A_479 = tpu.memref_slice %arg15[%add3A_467, %dma_start3A_478] : memref<10000x128xf32, #tpu.memory_space<vmem_shared>> -> memref<80x128xf32, #tpu.memory_space<vmem_shared>>
        %dma_start3A_480 = arith.constant 0 : i32
        %dma_start3A_481 = tpu.memref_slice %arg15[%add3A_467, %dma_start3A_480] : memref<10000x128xf32, #tpu.memory_space<vmem_shared>> -> memref<80x128xf32, #tpu.memory_space<vmem_shared>>
        %dma_start3A_482 = arith.constant 0 : i32
        %dma_start3A_483 = arith.constant 0 : i32
        %dma_start3A_484 = tpu.memref_slice %arg13[%run_scoped3A_468, %dma_start3A_482, %dma_start3A_483] : memref<2x80x128xf32, #tpu.memory_space<vmem>> -> memref<1x80x128xf32, #tpu.memory_space<vmem>>
        %dma_start3A_485 = tpu.memref_squeeze %dma_start3A_484 : memref<1x80x128xf32, #tpu.memory_space<vmem>> -> memref<80x128xf32, #tpu.memory_space<vmem>>
        tpu.enqueue_dma source(%dma_start3A_485 : memref<80x128xf32, #tpu.memory_space<vmem>>) target(%dma_start3A_481 : memref<80x128xf32, #tpu.memory_space<vmem_shared>>) target_semaphore(%run_scoped3A_473 : memref<!tpu.dma_semaphore, #tpu.memory_space<semaphore_mem>>)
        %dma_wait3A = arith.constant 0 : i32
        %dma_wait3A_486 = arith.constant 0 : i32
        %dma_wait3A_487 = tpu.memref_slice %arg13[%run_scoped3A_468, %dma_wait3A, %dma_wait3A_486] : memref<2x80x128xf32, #tpu.memory_space<vmem>> -> memref<1x80x128xf32, #tpu.memory_space<vmem>>
        %dma_wait3A_488 = tpu.memref_squeeze %dma_wait3A_487 : memref<1x80x128xf32, #tpu.memory_space<vmem>> -> memref<80x128xf32, #tpu.memory_space<vmem>>
        %dma_wait3A_489 = arith.constant 0 : i32
        %dma_wait3A_490 = tpu.memref_slice %arg15[%add3A_467, %dma_wait3A_489] : memref<10000x128xf32, #tpu.memory_space<vmem_shared>> -> memref<80x128xf32, #tpu.memory_space<vmem_shared>>
        %dma_wait3A_491 = arith.constant 0 : i32
        %dma_wait3A_492 = tpu.memref_slice %arg15[%add3A_467, %dma_wait3A_491] : memref<10000x128xf32, #tpu.memory_space<vmem_shared>> -> memref<80x128xf32, #tpu.memory_space<vmem_shared>>
        %dma_wait3A_493 = arith.constant 0 : i32
        %dma_wait3A_494 = arith.constant 0 : i32
        %dma_wait3A_495 = tpu.memref_slice %arg13[%run_scoped3A_468, %dma_wait3A_493, %dma_wait3A_494] : memref<2x80x128xf32, #tpu.memory_space<vmem>> -> memref<1x80x128xf32, #tpu.memory_space<vmem>>
        %dma_wait3A_496 = tpu.memref_squeeze %dma_wait3A_495 : memref<1x80x128xf32, #tpu.memory_space<vmem>> -> memref<80x128xf32, #tpu.memory_space<vmem>>
        tpu.wait_dma2 semaphore(%run_scoped3A_473 : memref<!tpu.dma_semaphore, #tpu.memory_space<semaphore_mem>>) src(%dma_wait3A_496 : memref<80x128xf32, #tpu.memory_space<vmem>>) dst(%dma_wait3A_492 : memref<80x128xf32, #tpu.memory_space<vmem_shared>>)
        tpu.yield
      }) : () -> ()
      %add3A_469 = arith.constant 632 : i32
      %add3A_470 = arith.addi %mul3A_2, %add3A_469 : i32
      %sub3A = arith.constant 72 : i32
      %sub3A_471 = arith.subi %add3A_470, %sub3A : i32
      %run_scoped3A_472 = arith.constant 0 : i32
      "tpu.region"() ({
        %run_scoped3A_473 = tpu.sem_alloc : memref<!tpu.dma_semaphore, #tpu.memory_space<semaphore_mem>>
        %dma_start3A_474 = arith.constant 0 : i32
        %dma_start3A_475 = arith.constant 0 : i32
        %dma_start3A_476 = tpu.memref_slice %arg13[%run_scoped3A_472, %dma_start3A_474, %dma_start3A_475] : memref<2x80x128xf32, #tpu.memory_space<vmem>> -> memref<1x80x128xf32, #tpu.memory_space<vmem>>
        %dma_start3A_477 = tpu.memref_squeeze %dma_start3A_476 : memref<1x80x128xf32, #tpu.memory_space<vmem>> -> memref<80x128xf32, #tpu.memory_space<vmem>>
        %dma_start3A_478 = arith.constant 0 : i32
        %dma_start3A_479 = arith.constant 0 : i32
        %dma_start3A_480 = tpu.memref_slice %dma_start3A_477[%dma_start3A_478, %dma_start3A_479] : memref<80x128xf32, #tpu.memory_space<vmem>> -> memref<72x128xf32, #tpu.memory_space<vmem>>
        %dma_start3A_481 = arith.constant 0 : i32
        %dma_start3A_482 = tpu.memref_slice %arg15[%sub3A_471, %dma_start3A_481] : memref<10000x128xf32, #tpu.memory_space<vmem_shared>> -> memref<72x128xf32, #tpu.memory_space<vmem_shared>>
        %dma_start3A_483 = arith.constant 0 : i32
        %dma_start3A_484 = tpu.memref_slice %arg15[%sub3A_471, %dma_start3A_483] : memref<10000x128xf32, #tpu.memory_space<vmem_shared>> -> memref<72x128xf32, #tpu.memory_space<vmem_shared>>
        %dma_start3A_485 = arith.constant 0 : i32
        %dma_start3A_486 = arith.constant 0 : i32
        %dma_start3A_487 = tpu.memref_slice %arg13[%run_scoped3A_472, %dma_start3A_485, %dma_start3A_486] : memref<2x80x128xf32, #tpu.memory_space<vmem>> -> memref<1x80x128xf32, #tpu.memory_space<vmem>>
        %dma_start3A_488 = tpu.memref_squeeze %dma_start3A_487 : memref<1x80x128xf32, #tpu.memory_space<vmem>> -> memref<80x128xf32, #tpu.memory_space<vmem>>
        %dma_start3A_489 = arith.constant 0 : i32
        %dma_start3A_490 = arith.constant 0 : i32
        %dma_start3A_491 = tpu.memref_slice %dma_start3A_488[%dma_start3A_489, %dma_start3A_490] : memref<80x128xf32, #tpu.memory_space<vmem>> -> memref<72x128xf32, #tpu.memory_space<vmem>>
        tpu.enqueue_dma source(%dma_start3A_491 : memref<72x128xf32, #tpu.memory_space<vmem>>) target(%dma_start3A_484 : memref<72x128xf32, #tpu.memory_space<vmem_shared>>) target_semaphore(%run_scoped3A_473 : memref<!tpu.dma_semaphore, #tpu.memory_space<semaphore_mem>>)
        %dma_wait3A = arith.constant 0 : i32
        %dma_wait3A_492 = arith.constant 0 : i32
        %dma_wait3A_493 = tpu.memref_slice %arg13[%run_scoped3A_472, %dma_wait3A, %dma_wait3A_492] : memref<2x80x128xf32, #tpu.memory_space<vmem>> -> memref<1x80x128xf32, #tpu.memory_space<vmem>>
        %dma_wait3A_494 = tpu.memref_squeeze %dma_wait3A_493 : memref<1x80x128xf32, #tpu.memory_space<vmem>> -> memref<80x128xf32, #tpu.memory_space<vmem>>
        %dma_wait3A_495 = arith.constant 0 : i32
        %dma_wait3A_496 = arith.constant 0 : i32
        %dma_wait3A_497 = tpu.memref_slice %dma_wait3A_494[%dma_wait3A_495, %dma_wait3A_496] : memref<80x128xf32, #tpu.memory_space<vmem>> -> memref<72x128xf32, #tpu.memory_space<vmem>>
        %dma_wait3A_498 = arith.constant 0 : i32
        %dma_wait3A_499 = tpu.memref_slice %arg15[%sub3A_471, %dma_wait3A_498] : memref<10000x128xf32, #tpu.memory_space<vmem_shared>> -> memref<72x128xf32, #tpu.memory_space<vmem_shared>>
        %dma_wait3A_500 = arith.constant 0 : i32
        %dma_wait3A_501 = tpu.memref_slice %arg15[%sub3A_471, %dma_wait3A_500] : memref<10000x128xf32, #tpu.memory_space<vmem_shared>> -> memref<72x128xf32, #tpu.memory_space<vmem_shared>>
        %dma_wait3A_502 = arith.constant 0 : i32
        %dma_wait3A_503 = arith.constant 0 : i32
        %dma_wait3A_504 = tpu.memref_slice %arg13[%run_scoped3A_472, %dma_wait3A_502, %dma_wait3A_503] : memref<2x80x128xf32, #tpu.memory_space<vmem>> -> memref<1x80x128xf32, #tpu.memory_space<vmem>>
        %dma_wait3A_505 = tpu.memref_squeeze %dma_wait3A_504 : memref<1x80x128xf32, #tpu.memory_space<vmem>> -> memref<80x128xf32, #tpu.memory_space<vmem>>
        %dma_wait3A_506 = arith.constant 0 : i32
        %dma_wait3A_507 = arith.constant 0 : i32
        %dma_wait3A_508 = tpu.memref_slice %dma_wait3A_505[%dma_wait3A_506, %dma_wait3A_507] : memref<80x128xf32, #tpu.memory_space<vmem>> -> memref<72x128xf32, #tpu.memory_space<vmem>>
        tpu.wait_dma2 semaphore(%run_scoped3A_473 : memref<!tpu.dma_semaphore, #tpu.memory_space<semaphore_mem>>) src(%dma_wait3A_508 : memref<72x128xf32, #tpu.memory_space<vmem>>) dst(%dma_wait3A_501 : memref<72x128xf32, #tpu.memory_space<vmem_shared>>)
        tpu.yield
      }) : () -> ()
    } else {
    }
    %eq3A = arith.constant 15 : i32
    %eq3A_11 = arith.cmpi eq, %arg1, %eq3A : i32
    %convert_element_type3A_12 = arith.extui %eq3A_11 : i1 to i32
    %cond3A_13 = arith.constant 0 : i32
    %cond3A_14 = arith.cmpi ne, %convert_element_type3A_12, %cond3A_13 : i32
    scf.if %cond3A_14 {
      %add3A_449 = arith.constant 0 : i32
      %add3A_450 = arith.addi %mul3A_2, %add3A_449 : i32
      %run_scoped3A = arith.constant 0 : i32
      "tpu.region"() ({
        %run_scoped3A_470 = tpu.sem_alloc : memref<!tpu.dma_semaphore, #tpu.memory_space<semaphore_mem>>
        %dma_start3A_471 = arith.constant 0 : i32
        %dma_start3A_472 = arith.constant 0 : i32
        %dma_start3A_473 = tpu.memref_slice %arg13[%run_scoped3A, %dma_start3A_471, %dma_start3A_472] : memref<2x80x128xf32, #tpu.memory_space<vmem>> -> memref<1x80x128xf32, #tpu.memory_space<vmem>>
        %dma_start3A_474 = tpu.memref_squeeze %dma_start3A_473 : memref<1x80x128xf32, #tpu.memory_space<vmem>> -> memref<80x128xf32, #tpu.memory_space<vmem>>
        %dma_start3A_475 = arith.constant 0 : i32
        %dma_start3A_476 = tpu.memref_slice %arg15[%add3A_450, %dma_start3A_475] : memref<10000x128xf32, #tpu.memory_space<vmem_shared>> -> memref<80x128xf32, #tpu.memory_space<vmem_shared>>
        %dma_start3A_477 = arith.constant 0 : i32
        %dma_start3A_478 = tpu.memref_slice %arg15[%add3A_450, %dma_start3A_477] : memref<10000x128xf32, #tpu.memory_space<vmem_shared>> -> memref<80x128xf32, #tpu.memory_space<vmem_shared>>
        %dma_start3A_479 = arith.constant 0 : i32
        %dma_start3A_480 = arith.constant 0 : i32
        %dma_start3A_481 = tpu.memref_slice %arg13[%run_scoped3A, %dma_start3A_479, %dma_start3A_480] : memref<2x80x128xf32, #tpu.memory_space<vmem>> -> memref<1x80x128xf32, #tpu.memory_space<vmem>>
        %dma_start3A_482 = tpu.memref_squeeze %dma_start3A_481 : memref<1x80x128xf32, #tpu.memory_space<vmem>> -> memref<80x128xf32, #tpu.memory_space<vmem>>
        tpu.enqueue_dma source(%dma_start3A_482 : memref<80x128xf32, #tpu.memory_space<vmem>>) target(%dma_start3A_478 : memref<80x128xf32, #tpu.memory_space<vmem_shared>>) target_semaphore(%run_scoped3A_470 : memref<!tpu.dma_semaphore, #tpu.memory_space<semaphore_mem>>)
        %dma_wait3A = arith.constant 0 : i32
        %dma_wait3A_483 = arith.constant 0 : i32
        %dma_wait3A_484 = tpu.memref_slice %arg13[%run_scoped3A, %dma_wait3A, %dma_wait3A_483] : memref<2x80x128xf32, #tpu.memory_space<vmem>> -> memref<1x80x128xf32, #tpu.memory_space<vmem>>
        %dma_wait3A_485 = tpu.memref_squeeze %dma_wait3A_484 : memref<1x80x128xf32, #tpu.memory_space<vmem>> -> memref<80x128xf32, #tpu.memory_space<vmem>>
        %dma_wait3A_486 = arith.constant 0 : i32
        %dma_wait3A_487 = tpu.memref_slice %arg15[%add3A_450, %dma_wait3A_486] : memref<10000x128xf32, #tpu.memory_space<vmem_shared>> -> memref<80x128xf32, #tpu.memory_space<vmem_shared>>
        %dma_wait3A_488 = arith.constant 0 : i32
        %dma_wait3A_489 = tpu.memref_slice %arg15[%add3A_450, %dma_wait3A_488] : memref<10000x128xf32, #tpu.memory_space<vmem_shared>> -> memref<80x128xf32, #tpu.memory_space<vmem_shared>>
        %dma_wait3A_490 = arith.constant 0 : i32
        %dma_wait3A_491 = arith.constant 0 : i32
        %dma_wait3A_492 = tpu.memref_slice %arg13[%run_scoped3A, %dma_wait3A_490, %dma_wait3A_491] : memref<2x80x128xf32, #tpu.memory_space<vmem>> -> memref<1x80x128xf32, #tpu.memory_space<vmem>>
        %dma_wait3A_493 = tpu.memref_squeeze %dma_wait3A_492 : memref<1x80x128xf32, #tpu.memory_space<vmem>> -> memref<80x128xf32, #tpu.memory_space<vmem>>
        tpu.wait_dma2 semaphore(%run_scoped3A_470 : memref<!tpu.dma_semaphore, #tpu.memory_space<semaphore_mem>>) src(%dma_wait3A_493 : memref<80x128xf32, #tpu.memory_space<vmem>>) dst(%dma_wait3A_489 : memref<80x128xf32, #tpu.memory_space<vmem_shared>>)
        tpu.yield
      }) : () -> ()
      %add3A_451 = arith.constant 80 : i32
      %add3A_452 = arith.addi %mul3A_2, %add3A_451 : i32
      %run_scoped3A_453 = arith.constant 0 : i32
      "tpu.region"() ({
        %run_scoped3A_470 = tpu.sem_alloc : memref<!tpu.dma_semaphore, #tpu.memory_space<semaphore_mem>>
        %dma_start3A_471 = arith.constant 0 : i32
        %dma_start3A_472 = arith.constant 0 : i32
        %dma_start3A_473 = tpu.memref_slice %arg13[%run_scoped3A_453, %dma_start3A_471, %dma_start3A_472] : memref<2x80x128xf32, #tpu.memory_space<vmem>> -> memref<1x80x128xf32, #tpu.memory_space<vmem>>
        %dma_start3A_474 = tpu.memref_squeeze %dma_start3A_473 : memref<1x80x128xf32, #tpu.memory_space<vmem>> -> memref<80x128xf32, #tpu.memory_space<vmem>>
        %dma_start3A_475 = arith.constant 0 : i32
        %dma_start3A_476 = tpu.memref_slice %arg15[%add3A_452, %dma_start3A_475] : memref<10000x128xf32, #tpu.memory_space<vmem_shared>> -> memref<80x128xf32, #tpu.memory_space<vmem_shared>>
        %dma_start3A_477 = arith.constant 0 : i32
        %dma_start3A_478 = tpu.memref_slice %arg15[%add3A_452, %dma_start3A_477] : memref<10000x128xf32, #tpu.memory_space<vmem_shared>> -> memref<80x128xf32, #tpu.memory_space<vmem_shared>>
        %dma_start3A_479 = arith.constant 0 : i32
        %dma_start3A_480 = arith.constant 0 : i32
        %dma_start3A_481 = tpu.memref_slice %arg13[%run_scoped3A_453, %dma_start3A_479, %dma_start3A_480] : memref<2x80x128xf32, #tpu.memory_space<vmem>> -> memref<1x80x128xf32, #tpu.memory_space<vmem>>
        %dma_start3A_482 = tpu.memref_squeeze %dma_start3A_481 : memref<1x80x128xf32, #tpu.memory_space<vmem>> -> memref<80x128xf32, #tpu.memory_space<vmem>>
        tpu.enqueue_dma source(%dma_start3A_482 : memref<80x128xf32, #tpu.memory_space<vmem>>) target(%dma_start3A_478 : memref<80x128xf32, #tpu.memory_space<vmem_shared>>) target_semaphore(%run_scoped3A_470 : memref<!tpu.dma_semaphore, #tpu.memory_space<semaphore_mem>>)
        %dma_wait3A = arith.constant 0 : i32
        %dma_wait3A_483 = arith.constant 0 : i32
        %dma_wait3A_484 = tpu.memref_slice %arg13[%run_scoped3A_453, %dma_wait3A, %dma_wait3A_483] : memref<2x80x128xf32, #tpu.memory_space<vmem>> -> memref<1x80x128xf32, #tpu.memory_space<vmem>>
        %dma_wait3A_485 = tpu.memref_squeeze %dma_wait3A_484 : memref<1x80x128xf32, #tpu.memory_space<vmem>> -> memref<80x128xf32, #tpu.memory_space<vmem>>
        %dma_wait3A_486 = arith.constant 0 : i32
        %dma_wait3A_487 = tpu.memref_slice %arg15[%add3A_452, %dma_wait3A_486] : memref<10000x128xf32, #tpu.memory_space<vmem_shared>> -> memref<80x128xf32, #tpu.memory_space<vmem_shared>>
        %dma_wait3A_488 = arith.constant 0 : i32
        %dma_wait3A_489 = tpu.memref_slice %arg15[%add3A_452, %dma_wait3A_488] : memref<10000x128xf32, #tpu.memory_space<vmem_shared>> -> memref<80x128xf32, #tpu.memory_space<vmem_shared>>
        %dma_wait3A_490 = arith.constant 0 : i32
        %dma_wait3A_491 = arith.constant 0 : i32
        %dma_wait3A_492 = tpu.memref_slice %arg13[%run_scoped3A_453, %dma_wait3A_490, %dma_wait3A_491] : memref<2x80x128xf32, #tpu.memory_space<vmem>> -> memref<1x80x128xf32, #tpu.memory_space<vmem>>
        %dma_wait3A_493 = tpu.memref_squeeze %dma_wait3A_492 : memref<1x80x128xf32, #tpu.memory_space<vmem>> -> memref<80x128xf32, #tpu.memory_space<vmem>>
        tpu.wait_dma2 semaphore(%run_scoped3A_470 : memref<!tpu.dma_semaphore, #tpu.memory_space<semaphore_mem>>) src(%dma_wait3A_493 : memref<80x128xf32, #tpu.memory_space<vmem>>) dst(%dma_wait3A_489 : memref<80x128xf32, #tpu.memory_space<vmem_shared>>)
        tpu.yield
      }) : () -> ()
      %add3A_454 = arith.constant 160 : i32
      %add3A_455 = arith.addi %mul3A_2, %add3A_454 : i32
      %run_scoped3A_456 = arith.constant 0 : i32
      "tpu.region"() ({
        %run_scoped3A_470 = tpu.sem_alloc : memref<!tpu.dma_semaphore, #tpu.memory_space<semaphore_mem>>
        %dma_start3A_471 = arith.constant 0 : i32
        %dma_start3A_472 = arith.constant 0 : i32
        %dma_start3A_473 = tpu.memref_slice %arg13[%run_scoped3A_456, %dma_start3A_471, %dma_start3A_472] : memref<2x80x128xf32, #tpu.memory_space<vmem>> -> memref<1x80x128xf32, #tpu.memory_space<vmem>>
        %dma_start3A_474 = tpu.memref_squeeze %dma_start3A_473 : memref<1x80x128xf32, #tpu.memory_space<vmem>> -> memref<80x128xf32, #tpu.memory_space<vmem>>
        %dma_start3A_475 = arith.constant 0 : i32
        %dma_start3A_476 = tpu.memref_slice %arg15[%add3A_455, %dma_start3A_475] : memref<10000x128xf32, #tpu.memory_space<vmem_shared>> -> memref<80x128xf32, #tpu.memory_space<vmem_shared>>
        %dma_start3A_477 = arith.constant 0 : i32
        %dma_start3A_478 = tpu.memref_slice %arg15[%add3A_455, %dma_start3A_477] : memref<10000x128xf32, #tpu.memory_space<vmem_shared>> -> memref<80x128xf32, #tpu.memory_space<vmem_shared>>
        %dma_start3A_479 = arith.constant 0 : i32
        %dma_start3A_480 = arith.constant 0 : i32
        %dma_start3A_481 = tpu.memref_slice %arg13[%run_scoped3A_456, %dma_start3A_479, %dma_start3A_480] : memref<2x80x128xf32, #tpu.memory_space<vmem>> -> memref<1x80x128xf32, #tpu.memory_space<vmem>>
        %dma_start3A_482 = tpu.memref_squeeze %dma_start3A_481 : memref<1x80x128xf32, #tpu.memory_space<vmem>> -> memref<80x128xf32, #tpu.memory_space<vmem>>
        tpu.enqueue_dma source(%dma_start3A_482 : memref<80x128xf32, #tpu.memory_space<vmem>>) target(%dma_start3A_478 : memref<80x128xf32, #tpu.memory_space<vmem_shared>>) target_semaphore(%run_scoped3A_470 : memref<!tpu.dma_semaphore, #tpu.memory_space<semaphore_mem>>)
        %dma_wait3A = arith.constant 0 : i32
        %dma_wait3A_483 = arith.constant 0 : i32
        %dma_wait3A_484 = tpu.memref_slice %arg13[%run_scoped3A_456, %dma_wait3A, %dma_wait3A_483] : memref<2x80x128xf32, #tpu.memory_space<vmem>> -> memref<1x80x128xf32, #tpu.memory_space<vmem>>
        %dma_wait3A_485 = tpu.memref_squeeze %dma_wait3A_484 : memref<1x80x128xf32, #tpu.memory_space<vmem>> -> memref<80x128xf32, #tpu.memory_space<vmem>>
        %dma_wait3A_486 = arith.constant 0 : i32
        %dma_wait3A_487 = tpu.memref_slice %arg15[%add3A_455, %dma_wait3A_486] : memref<10000x128xf32, #tpu.memory_space<vmem_shared>> -> memref<80x128xf32, #tpu.memory_space<vmem_shared>>
        %dma_wait3A_488 = arith.constant 0 : i32
        %dma_wait3A_489 = tpu.memref_slice %arg15[%add3A_455, %dma_wait3A_488] : memref<10000x128xf32, #tpu.memory_space<vmem_shared>> -> memref<80x128xf32, #tpu.memory_space<vmem_shared>>
        %dma_wait3A_490 = arith.constant 0 : i32
        %dma_wait3A_491 = arith.constant 0 : i32
        %dma_wait3A_492 = tpu.memref_slice %arg13[%run_scoped3A_456, %dma_wait3A_490, %dma_wait3A_491] : memref<2x80x128xf32, #tpu.memory_space<vmem>> -> memref<1x80x128xf32, #tpu.memory_space<vmem>>
        %dma_wait3A_493 = tpu.memref_squeeze %dma_wait3A_492 : memref<1x80x128xf32, #tpu.memory_space<vmem>> -> memref<80x128xf32, #tpu.memory_space<vmem>>
        tpu.wait_dma2 semaphore(%run_scoped3A_470 : memref<!tpu.dma_semaphore, #tpu.memory_space<semaphore_mem>>) src(%dma_wait3A_493 : memref<80x128xf32, #tpu.memory_space<vmem>>) dst(%dma_wait3A_489 : memref<80x128xf32, #tpu.memory_space<vmem_shared>>)
        tpu.yield
      }) : () -> ()
      %add3A_457 = arith.constant 240 : i32
      %add3A_458 = arith.addi %mul3A_2, %add3A_457 : i32
      %run_scoped3A_459 = arith.constant 0 : i32
      "tpu.region"() ({
        %run_scoped3A_470 = tpu.sem_alloc : memref<!tpu.dma_semaphore, #tpu.memory_space<semaphore_mem>>
        %dma_start3A_471 = arith.constant 0 : i32
        %dma_start3A_472 = arith.constant 0 : i32
        %dma_start3A_473 = tpu.memref_slice %arg13[%run_scoped3A_459, %dma_start3A_471, %dma_start3A_472] : memref<2x80x128xf32, #tpu.memory_space<vmem>> -> memref<1x80x128xf32, #tpu.memory_space<vmem>>
        %dma_start3A_474 = tpu.memref_squeeze %dma_start3A_473 : memref<1x80x128xf32, #tpu.memory_space<vmem>> -> memref<80x128xf32, #tpu.memory_space<vmem>>
        %dma_start3A_475 = arith.constant 0 : i32
        %dma_start3A_476 = tpu.memref_slice %arg15[%add3A_458, %dma_start3A_475] : memref<10000x128xf32, #tpu.memory_space<vmem_shared>> -> memref<80x128xf32, #tpu.memory_space<vmem_shared>>
        %dma_start3A_477 = arith.constant 0 : i32
        %dma_start3A_478 = tpu.memref_slice %arg15[%add3A_458, %dma_start3A_477] : memref<10000x128xf32, #tpu.memory_space<vmem_shared>> -> memref<80x128xf32, #tpu.memory_space<vmem_shared>>
        %dma_start3A_479 = arith.constant 0 : i32
        %dma_start3A_480 = arith.constant 0 : i32
        %dma_start3A_481 = tpu.memref_slice %arg13[%run_scoped3A_459, %dma_start3A_479, %dma_start3A_480] : memref<2x80x128xf32, #tpu.memory_space<vmem>> -> memref<1x80x128xf32, #tpu.memory_space<vmem>>
        %dma_start3A_482 = tpu.memref_squeeze %dma_start3A_481 : memref<1x80x128xf32, #tpu.memory_space<vmem>> -> memref<80x128xf32, #tpu.memory_space<vmem>>
        tpu.enqueue_dma source(%dma_start3A_482 : memref<80x128xf32, #tpu.memory_space<vmem>>) target(%dma_start3A_478 : memref<80x128xf32, #tpu.memory_space<vmem_shared>>) target_semaphore(%run_scoped3A_470 : memref<!tpu.dma_semaphore, #tpu.memory_space<semaphore_mem>>)
        %dma_wait3A = arith.constant 0 : i32
        %dma_wait3A_483 = arith.constant 0 : i32
        %dma_wait3A_484 = tpu.memref_slice %arg13[%run_scoped3A_459, %dma_wait3A, %dma_wait3A_483] : memref<2x80x128xf32, #tpu.memory_space<vmem>> -> memref<1x80x128xf32, #tpu.memory_space<vmem>>
        %dma_wait3A_485 = tpu.memref_squeeze %dma_wait3A_484 : memref<1x80x128xf32, #tpu.memory_space<vmem>> -> memref<80x128xf32, #tpu.memory_space<vmem>>
        %dma_wait3A_486 = arith.constant 0 : i32
        %dma_wait3A_487 = tpu.memref_slice %arg15[%add3A_458, %dma_wait3A_486] : memref<10000x128xf32, #tpu.memory_space<vmem_shared>> -> memref<80x128xf32, #tpu.memory_space<vmem_shared>>
        %dma_wait3A_488 = arith.constant 0 : i32
        %dma_wait3A_489 = tpu.memref_slice %arg15[%add3A_458, %dma_wait3A_488] : memref<10000x128xf32, #tpu.memory_space<vmem_shared>> -> memref<80x128xf32, #tpu.memory_space<vmem_shared>>
        %dma_wait3A_490 = arith.constant 0 : i32
        %dma_wait3A_491 = arith.constant 0 : i32
        %dma_wait3A_492 = tpu.memref_slice %arg13[%run_scoped3A_459, %dma_wait3A_490, %dma_wait3A_491] : memref<2x80x128xf32, #tpu.memory_space<vmem>> -> memref<1x80x128xf32, #tpu.memory_space<vmem>>
        %dma_wait3A_493 = tpu.memref_squeeze %dma_wait3A_492 : memref<1x80x128xf32, #tpu.memory_space<vmem>> -> memref<80x128xf32, #tpu.memory_space<vmem>>
        tpu.wait_dma2 semaphore(%run_scoped3A_470 : memref<!tpu.dma_semaphore, #tpu.memory_space<semaphore_mem>>) src(%dma_wait3A_493 : memref<80x128xf32, #tpu.memory_space<vmem>>) dst(%dma_wait3A_489 : memref<80x128xf32, #tpu.memory_space<vmem_shared>>)
        tpu.yield
      }) : () -> ()
      %add3A_460 = arith.constant 320 : i32
      %add3A_461 = arith.addi %mul3A_2, %add3A_460 : i32
      %run_scoped3A_462 = arith.constant 0 : i32
      "tpu.region"() ({
        %run_scoped3A_470 = tpu.sem_alloc : memref<!tpu.dma_semaphore, #tpu.memory_space<semaphore_mem>>
        %dma_start3A_471 = arith.constant 0 : i32
        %dma_start3A_472 = arith.constant 0 : i32
        %dma_start3A_473 = tpu.memref_slice %arg13[%run_scoped3A_462, %dma_start3A_471, %dma_start3A_472] : memref<2x80x128xf32, #tpu.memory_space<vmem>> -> memref<1x80x128xf32, #tpu.memory_space<vmem>>
        %dma_start3A_474 = tpu.memref_squeeze %dma_start3A_473 : memref<1x80x128xf32, #tpu.memory_space<vmem>> -> memref<80x128xf32, #tpu.memory_space<vmem>>
        %dma_start3A_475 = arith.constant 0 : i32
        %dma_start3A_476 = tpu.memref_slice %arg15[%add3A_461, %dma_start3A_475] : memref<10000x128xf32, #tpu.memory_space<vmem_shared>> -> memref<80x128xf32, #tpu.memory_space<vmem_shared>>
        %dma_start3A_477 = arith.constant 0 : i32
        %dma_start3A_478 = tpu.memref_slice %arg15[%add3A_461, %dma_start3A_477] : memref<10000x128xf32, #tpu.memory_space<vmem_shared>> -> memref<80x128xf32, #tpu.memory_space<vmem_shared>>
        %dma_start3A_479 = arith.constant 0 : i32
        %dma_start3A_480 = arith.constant 0 : i32
        %dma_start3A_481 = tpu.memref_slice %arg13[%run_scoped3A_462, %dma_start3A_479, %dma_start3A_480] : memref<2x80x128xf32, #tpu.memory_space<vmem>> -> memref<1x80x128xf32, #tpu.memory_space<vmem>>
        %dma_start3A_482 = tpu.memref_squeeze %dma_start3A_481 : memref<1x80x128xf32, #tpu.memory_space<vmem>> -> memref<80x128xf32, #tpu.memory_space<vmem>>
        tpu.enqueue_dma source(%dma_start3A_482 : memref<80x128xf32, #tpu.memory_space<vmem>>) target(%dma_start3A_478 : memref<80x128xf32, #tpu.memory_space<vmem_shared>>) target_semaphore(%run_scoped3A_470 : memref<!tpu.dma_semaphore, #tpu.memory_space<semaphore_mem>>)
        %dma_wait3A = arith.constant 0 : i32
        %dma_wait3A_483 = arith.constant 0 : i32
        %dma_wait3A_484 = tpu.memref_slice %arg13[%run_scoped3A_462, %dma_wait3A, %dma_wait3A_483] : memref<2x80x128xf32, #tpu.memory_space<vmem>> -> memref<1x80x128xf32, #tpu.memory_space<vmem>>
        %dma_wait3A_485 = tpu.memref_squeeze %dma_wait3A_484 : memref<1x80x128xf32, #tpu.memory_space<vmem>> -> memref<80x128xf32, #tpu.memory_space<vmem>>
        %dma_wait3A_486 = arith.constant 0 : i32
        %dma_wait3A_487 = tpu.memref_slice %arg15[%add3A_461, %dma_wait3A_486] : memref<10000x128xf32, #tpu.memory_space<vmem_shared>> -> memref<80x128xf32, #tpu.memory_space<vmem_shared>>
        %dma_wait3A_488 = arith.constant 0 : i32
        %dma_wait3A_489 = tpu.memref_slice %arg15[%add3A_461, %dma_wait3A_488] : memref<10000x128xf32, #tpu.memory_space<vmem_shared>> -> memref<80x128xf32, #tpu.memory_space<vmem_shared>>
        %dma_wait3A_490 = arith.constant 0 : i32
        %dma_wait3A_491 = arith.constant 0 : i32
        %dma_wait3A_492 = tpu.memref_slice %arg13[%run_scoped3A_462, %dma_wait3A_490, %dma_wait3A_491] : memref<2x80x128xf32, #tpu.memory_space<vmem>> -> memref<1x80x128xf32, #tpu.memory_space<vmem>>
        %dma_wait3A_493 = tpu.memref_squeeze %dma_wait3A_492 : memref<1x80x128xf32, #tpu.memory_space<vmem>> -> memref<80x128xf32, #tpu.memory_space<vmem>>
        tpu.wait_dma2 semaphore(%run_scoped3A_470 : memref<!tpu.dma_semaphore, #tpu.memory_space<semaphore_mem>>) src(%dma_wait3A_493 : memref<80x128xf32, #tpu.memory_space<vmem>>) dst(%dma_wait3A_489 : memref<80x128xf32, #tpu.memory_space<vmem_shared>>)
        tpu.yield
      }) : () -> ()
      %add3A_463 = arith.constant 400 : i32
      %add3A_464 = arith.addi %mul3A_2, %add3A_463 : i32
      %run_scoped3A_465 = arith.constant 0 : i32
      "tpu.region"() ({
        %run_scoped3A_470 = tpu.sem_alloc : memref<!tpu.dma_semaphore, #tpu.memory_space<semaphore_mem>>
        %dma_start3A_471 = arith.constant 0 : i32
        %dma_start3A_472 = arith.constant 0 : i32
        %dma_start3A_473 = tpu.memref_slice %arg13[%run_scoped3A_465, %dma_start3A_471, %dma_start3A_472] : memref<2x80x128xf32, #tpu.memory_space<vmem>> -> memref<1x80x128xf32, #tpu.memory_space<vmem>>
        %dma_start3A_474 = tpu.memref_squeeze %dma_start3A_473 : memref<1x80x128xf32, #tpu.memory_space<vmem>> -> memref<80x128xf32, #tpu.memory_space<vmem>>
        %dma_start3A_475 = arith.constant 0 : i32
        %dma_start3A_476 = tpu.memref_slice %arg15[%add3A_464, %dma_start3A_475] : memref<10000x128xf32, #tpu.memory_space<vmem_shared>> -> memref<80x128xf32, #tpu.memory_space<vmem_shared>>
        %dma_start3A_477 = arith.constant 0 : i32
        %dma_start3A_478 = tpu.memref_slice %arg15[%add3A_464, %dma_start3A_477] : memref<10000x128xf32, #tpu.memory_space<vmem_shared>> -> memref<80x128xf32, #tpu.memory_space<vmem_shared>>
        %dma_start3A_479 = arith.constant 0 : i32
        %dma_start3A_480 = arith.constant 0 : i32
        %dma_start3A_481 = tpu.memref_slice %arg13[%run_scoped3A_465, %dma_start3A_479, %dma_start3A_480] : memref<2x80x128xf32, #tpu.memory_space<vmem>> -> memref<1x80x128xf32, #tpu.memory_space<vmem>>
        %dma_start3A_482 = tpu.memref_squeeze %dma_start3A_481 : memref<1x80x128xf32, #tpu.memory_space<vmem>> -> memref<80x128xf32, #tpu.memory_space<vmem>>
        tpu.enqueue_dma source(%dma_start3A_482 : memref<80x128xf32, #tpu.memory_space<vmem>>) target(%dma_start3A_478 : memref<80x128xf32, #tpu.memory_space<vmem_shared>>) target_semaphore(%run_scoped3A_470 : memref<!tpu.dma_semaphore, #tpu.memory_space<semaphore_mem>>)
        %dma_wait3A = arith.constant 0 : i32
        %dma_wait3A_483 = arith.constant 0 : i32
        %dma_wait3A_484 = tpu.memref_slice %arg13[%run_scoped3A_465, %dma_wait3A, %dma_wait3A_483] : memref<2x80x128xf32, #tpu.memory_space<vmem>> -> memref<1x80x128xf32, #tpu.memory_space<vmem>>
        %dma_wait3A_485 = tpu.memref_squeeze %dma_wait3A_484 : memref<1x80x128xf32, #tpu.memory_space<vmem>> -> memref<80x128xf32, #tpu.memory_space<vmem>>
        %dma_wait3A_486 = arith.constant 0 : i32
        %dma_wait3A_487 = tpu.memref_slice %arg15[%add3A_464, %dma_wait3A_486] : memref<10000x128xf32, #tpu.memory_space<vmem_shared>> -> memref<80x128xf32, #tpu.memory_space<vmem_shared>>
        %dma_wait3A_488 = arith.constant 0 : i32
        %dma_wait3A_489 = tpu.memref_slice %arg15[%add3A_464, %dma_wait3A_488] : memref<10000x128xf32, #tpu.memory_space<vmem_shared>> -> memref<80x128xf32, #tpu.memory_space<vmem_shared>>
        %dma_wait3A_490 = arith.constant 0 : i32
        %dma_wait3A_491 = arith.constant 0 : i32
        %dma_wait3A_492 = tpu.memref_slice %arg13[%run_scoped3A_465, %dma_wait3A_490, %dma_wait3A_491] : memref<2x80x128xf32, #tpu.memory_space<vmem>> -> memref<1x80x128xf32, #tpu.memory_space<vmem>>
        %dma_wait3A_493 = tpu.memref_squeeze %dma_wait3A_492 : memref<1x80x128xf32, #tpu.memory_space<vmem>> -> memref<80x128xf32, #tpu.memory_space<vmem>>
        tpu.wait_dma2 semaphore(%run_scoped3A_470 : memref<!tpu.dma_semaphore, #tpu.memory_space<semaphore_mem>>) src(%dma_wait3A_493 : memref<80x128xf32, #tpu.memory_space<vmem>>) dst(%dma_wait3A_489 : memref<80x128xf32, #tpu.memory_space<vmem_shared>>)
        tpu.yield
      }) : () -> ()
      %add3A_466 = arith.constant 520 : i32
      %add3A_467 = arith.addi %mul3A_2, %add3A_466 : i32
      %sub3A = arith.constant 40 : i32
      %sub3A_468 = arith.subi %add3A_467, %sub3A : i32
      %run_scoped3A_469 = arith.constant 0 : i32
      "tpu.region"() ({
        %run_scoped3A_470 = tpu.sem_alloc : memref<!tpu.dma_semaphore, #tpu.memory_space<semaphore_mem>>
        %dma_start3A_471 = arith.constant 0 : i32
        %dma_start3A_472 = arith.constant 0 : i32
        %dma_start3A_473 = tpu.memref_slice %arg13[%run_scoped3A_469, %dma_start3A_471, %dma_start3A_472] : memref<2x80x128xf32, #tpu.memory_space<vmem>> -> memref<1x80x128xf32, #tpu.memory_space<vmem>>
        %dma_start3A_474 = tpu.memref_squeeze %dma_start3A_473 : memref<1x80x128xf32, #tpu.memory_space<vmem>> -> memref<80x128xf32, #tpu.memory_space<vmem>>
        %dma_start3A_475 = arith.constant 0 : i32
        %dma_start3A_476 = arith.constant 0 : i32
        %dma_start3A_477 = tpu.memref_slice %dma_start3A_474[%dma_start3A_475, %dma_start3A_476] : memref<80x128xf32, #tpu.memory_space<vmem>> -> memref<40x128xf32, #tpu.memory_space<vmem>>
        %dma_start3A_478 = arith.constant 0 : i32
        %dma_start3A_479 = tpu.memref_slice %arg15[%sub3A_468, %dma_start3A_478] : memref<10000x128xf32, #tpu.memory_space<vmem_shared>> -> memref<40x128xf32, #tpu.memory_space<vmem_shared>>
        %dma_start3A_480 = arith.constant 0 : i32
        %dma_start3A_481 = tpu.memref_slice %arg15[%sub3A_468, %dma_start3A_480] : memref<10000x128xf32, #tpu.memory_space<vmem_shared>> -> memref<40x128xf32, #tpu.memory_space<vmem_shared>>
        %dma_start3A_482 = arith.constant 0 : i32
        %dma_start3A_483 = arith.constant 0 : i32
        %dma_start3A_484 = tpu.memref_slice %arg13[%run_scoped3A_469, %dma_start3A_482, %dma_start3A_483] : memref<2x80x128xf32, #tpu.memory_space<vmem>> -> memref<1x80x128xf32, #tpu.memory_space<vmem>>
        %dma_start3A_485 = tpu.memref_squeeze %dma_start3A_484 : memref<1x80x128xf32, #tpu.memory_space<vmem>> -> memref<80x128xf32, #tpu.memory_space<vmem>>
        %dma_start3A_486 = arith.constant 0 : i32
        %dma_start3A_487 = arith.constant 0 : i32
        %dma_start3A_488 = tpu.memref_slice %dma_start3A_485[%dma_start3A_486, %dma_start3A_487] : memref<80x128xf32, #tpu.memory_space<vmem>> -> memref<40x128xf32, #tpu.memory_space<vmem>>
        tpu.enqueue_dma source(%dma_start3A_488 : memref<40x128xf32, #tpu.memory_space<vmem>>) target(%dma_start3A_481 : memref<40x128xf32, #tpu.memory_space<vmem_shared>>) target_semaphore(%run_scoped3A_470 : memref<!tpu.dma_semaphore, #tpu.memory_space<semaphore_mem>>)
        %dma_wait3A = arith.constant 0 : i32
        %dma_wait3A_489 = arith.constant 0 : i32
        %dma_wait3A_490 = tpu.memref_slice %arg13[%run_scoped3A_469, %dma_wait3A, %dma_wait3A_489] : memref<2x80x128xf32, #tpu.memory_space<vmem>> -> memref<1x80x128xf32, #tpu.memory_space<vmem>>
        %dma_wait3A_491 = tpu.memref_squeeze %dma_wait3A_490 : memref<1x80x128xf32, #tpu.memory_space<vmem>> -> memref<80x128xf32, #tpu.memory_space<vmem>>
        %dma_wait3A_492 = arith.constant 0 : i32
        %dma_wait3A_493 = arith.constant 0 : i32
        %dma_wait3A_494 = tpu.memref_slice %dma_wait3A_491[%dma_wait3A_492, %dma_wait3A_493] : memref<80x128xf32, #tpu.memory_space<vmem>> -> memref<40x128xf32, #tpu.memory_space<vmem>>
        %dma_wait3A_495 = arith.constant 0 : i32
        %dma_wait3A_496 = tpu.memref_slice %arg15[%sub3A_468, %dma_wait3A_495] : memref<10000x128xf32, #tpu.memory_space<vmem_shared>> -> memref<40x128xf32, #tpu.memory_space<vmem_shared>>
        %dma_wait3A_497 = arith.constant 0 : i32
        %dma_wait3A_498 = tpu.memref_slice %arg15[%sub3A_468, %dma_wait3A_497] : memref<10000x128xf32, #tpu.memory_space<vmem_shared>> -> memref<40x128xf32, #tpu.memory_space<vmem_shared>>
        %dma_wait3A_499 = arith.constant 0 : i32
        %dma_wait3A_500 = arith.constant 0 : i32
        %dma_wait3A_501 = tpu.memref_slice %arg13[%run_scoped3A_469, %dma_wait3A_499, %dma_wait3A_500] : memref<2x80x128xf32, #tpu.memory_space<vmem>> -> memref<1x80x128xf32, #tpu.memory_space<vmem>>
        %dma_wait3A_502 = tpu.memref_squeeze %dma_wait3A_501 : memref<1x80x128xf32, #tpu.memory_space<vmem>> -> memref<80x128xf32, #tpu.memory_space<vmem>>
        %dma_wait3A_503 = arith.constant 0 : i32
        %dma_wait3A_504 = arith.constant 0 : i32
        %dma_wait3A_505 = tpu.memref_slice %dma_wait3A_502[%dma_wait3A_503, %dma_wait3A_504] : memref<80x128xf32, #tpu.memory_space<vmem>> -> memref<40x128xf32, #tpu.memory_space<vmem>>
        tpu.wait_dma2 semaphore(%run_scoped3A_470 : memref<!tpu.dma_semaphore, #tpu.memory_space<semaphore_mem>>) src(%dma_wait3A_505 : memref<40x128xf32, #tpu.memory_space<vmem>>) dst(%dma_wait3A_498 : memref<40x128xf32, #tpu.memory_space<vmem_shared>>)
        tpu.yield
      }) : () -> ()
    } else {
    }
    %barrier3A = arith.constant 0 : index
    tpu.barrier barrier_id(%barrier3A)
    %mul3A_15 = arith.constant 20000 : i32
    %mul3A_16 = arith.muli %arg1, %mul3A_15 : i32
    %add3A = arith.constant 0 : i32
    %add3A_17 = arith.addi %mul3A_16, %add3A : i32
    "tpu.region"() ({
      %run_scoped3A = tpu.sem_alloc : memref<!tpu.dma_semaphore, #tpu.memory_space<semaphore_mem>>
      %dma_start3A_449 = tpu.memref_slice %arg4[%add3A_17] : memref<320000xi32, #tpu.memory_space<hbm>> -> memref<2000xi32, #tpu.memory_space<hbm>>
      %dma_start3A_450 = tpu.memref_slice %arg4[%add3A_17] : memref<320000xi32, #tpu.memory_space<hbm>> -> memref<2000xi32, #tpu.memory_space<hbm>>
      tpu.enqueue_dma source(%dma_start3A_450 : memref<2000xi32, #tpu.memory_space<hbm>>) target(%arg8 : memref<2000xi32, #tpu.memory_space<vmem>>) target_semaphore(%run_scoped3A : memref<!tpu.dma_semaphore, #tpu.memory_space<semaphore_mem>>)
      %dma_wait3A = tpu.memref_slice %arg4[%add3A_17] : memref<320000xi32, #tpu.memory_space<hbm>> -> memref<2000xi32, #tpu.memory_space<hbm>>
      %dma_wait3A_451 = tpu.memref_slice %arg4[%add3A_17] : memref<320000xi32, #tpu.memory_space<hbm>> -> memref<2000xi32, #tpu.memory_space<hbm>>
      tpu.wait_dma2 semaphore(%run_scoped3A : memref<!tpu.dma_semaphore, #tpu.memory_space<semaphore_mem>>) src(%dma_wait3A_451 : memref<2000xi32, #tpu.memory_space<hbm>>) dst(%arg8 : memref<2000xi32, #tpu.memory_space<vmem>>)
      tpu.yield
    }) : () -> ()
    "tpu.region"() ({
      %run_scoped3A = tpu.sem_alloc : memref<!tpu.dma_semaphore, #tpu.memory_space<semaphore_mem>>
      %dma_start3A_449 = tpu.memref_slice %arg5[%add3A_17] : memref<320000xi32, #tpu.memory_space<hbm>> -> memref<2000xi32, #tpu.memory_space<hbm>>
      %dma_start3A_450 = tpu.memref_slice %arg5[%add3A_17] : memref<320000xi32, #tpu.memory_space<hbm>> -> memref<2000xi32, #tpu.memory_space<hbm>>
      tpu.enqueue_dma source(%dma_start3A_450 : memref<2000xi32, #tpu.memory_space<hbm>>) target(%arg9 : memref<2000xi32, #tpu.memory_space<vmem>>) target_semaphore(%run_scoped3A : memref<!tpu.dma_semaphore, #tpu.memory_space<semaphore_mem>>)
      %dma_wait3A = tpu.memref_slice %arg5[%add3A_17] : memref<320000xi32, #tpu.memory_space<hbm>> -> memref<2000xi32, #tpu.memory_space<hbm>>
      %dma_wait3A_451 = tpu.memref_slice %arg5[%add3A_17] : memref<320000xi32, #tpu.memory_space<hbm>> -> memref<2000xi32, #tpu.memory_space<hbm>>
      tpu.wait_dma2 semaphore(%run_scoped3A : memref<!tpu.dma_semaphore, #tpu.memory_space<semaphore_mem>>) src(%dma_wait3A_451 : memref<2000xi32, #tpu.memory_space<hbm>>) dst(%arg9 : memref<2000xi32, #tpu.memory_space<vmem>>)
      tpu.yield
    }) : () -> ()
    %rem3A = arith.constant 0 : i32
    %rem3A_18 = arith.constant 25 : i32
    %rem3A_19 = arith.remsi %rem3A, %rem3A_18 : i32
    %mul3A_20 = arith.constant 80 : i32
    %mul3A_21 = arith.muli %rem3A_19, %mul3A_20 : i32
    %add3A_22 = arith.constant 0 : i32
    %add3A_23 = arith.addi %mul3A_21, %add3A_22 : i32
    %get3A = arith.index_cast %add3A_23 : i32 to index
    %get3A_24 = tpu.vector_load %arg8[%get3A] {strides = array<i32>} : memref<2000xi32, #tpu.memory_space<vmem>>, vector<16xi32>,
    %get3A_25 = vector.shape_cast %get3A_24 : vector<16xi32> to vector<16xi32>
    %add3A_26 = vector.broadcast %mul3A_0 : i32 to vector<16xi32>
    %add3A_27 = arith.addi %get3A_25, %add3A_26 : vector<16xi32>
    %swap3A = arith.constant 0 : i32
    %swap3A_28 = arith.constant 0 : i32
    %swap3A_29 = tpu.memref_slice %arg10[%swap3A, %swap3A_28] : memref<2x80xi32, #tpu.memory_space<vmem>> -> memref<1x80xi32, #tpu.memory_space<vmem>>
    %swap3A_30 = tpu.memref_squeeze %swap3A_29 : memref<1x80xi32, #tpu.memory_space<vmem>> -> memref<80xi32, #tpu.memory_space<vmem>>
    %swap3A_31 = arith.constant 0 : index
    %swap3A_32 = tpu.vector_load %swap3A_30[%swap3A_31] {strides = array<i32>} : memref<80xi32, #tpu.memory_space<vmem>>, vector<16xi32>,
    %swap3A_33 = vector.shape_cast %swap3A_32 : vector<16xi32> to vector<16xi32>
    %swap3A_34 = vector.shape_cast %add3A_27 : vector<16xi32> to vector<16xi32>
    tpu.vector_store %swap3A_30[%swap3A_31], %swap3A_34 {strides = array<i32>} : memref<80xi32, #tpu.memory_space<vmem>>, vector<16xi32>,
    %get3A_35 = arith.index_cast %add3A_23 : i32 to index
    %get3A_36 = tpu.vector_load %arg9[%get3A_35] {strides = array<i32>} : memref<2000xi32, #tpu.memory_space<vmem>>, vector<16xi32>,
    %get3A_37 = vector.shape_cast %get3A_36 : vector<16xi32> to vector<16xi32>
    %add3A_38 = vector.broadcast %mul3A_0 : i32 to vector<16xi32>
    %add3A_39 = arith.addi %get3A_37, %add3A_38 : vector<16xi32>
    %swap3A_40 = arith.constant 0 : i32
    %swap3A_41 = arith.constant 0 : i32
    %swap3A_42 = tpu.memref_slice %arg11[%swap3A_40, %swap3A_41] : memref<2x80xi32, #tpu.memory_space<vmem>> -> memref<1x80xi32, #tpu.memory_space<vmem>>
    %swap3A_43 = tpu.memref_squeeze %swap3A_42 : memref<1x80xi32, #tpu.memory_space<vmem>> -> memref<80xi32, #tpu.memory_space<vmem>>
    %swap3A_44 = arith.constant 0 : index
    %swap3A_45 = tpu.vector_load %swap3A_43[%swap3A_44] {strides = array<i32>} : memref<80xi32, #tpu.memory_space<vmem>>, vector<16xi32>,
    %swap3A_46 = vector.shape_cast %swap3A_45 : vector<16xi32> to vector<16xi32>
    %swap3A_47 = vector.shape_cast %add3A_39 : vector<16xi32> to vector<16xi32>
    tpu.vector_store %swap3A_43[%swap3A_44], %swap3A_47 {strides = array<i32>} : memref<80xi32, #tpu.memory_space<vmem>>, vector<16xi32>,
    %swap3A_48 = arith.constant 0 : i32
    %swap3A_49 = arith.constant 0 : i32
    %swap3A_50 = tpu.memref_slice %arg12[%swap3A_48, %swap3A_49] : memref<2x80xi32, #tpu.memory_space<vmem>> -> memref<1x80xi32, #tpu.memory_space<vmem>>
    %swap3A_51 = tpu.memref_squeeze %swap3A_50 : memref<1x80xi32, #tpu.memory_space<vmem>> -> memref<80xi32, #tpu.memory_space<vmem>>
    %swap3A_52 = arith.constant 0 : index
    %swap3A_53 = tpu.vector_load %swap3A_51[%swap3A_52] {strides = array<i32>} : memref<80xi32, #tpu.memory_space<vmem>>, vector<16xi32>,
    %swap3A_54 = vector.shape_cast %swap3A_53 : vector<16xi32> to vector<16xi32>
    %swap3A_55 = vector.shape_cast %get3A_37 : vector<16xi32> to vector<16xi32>
    tpu.vector_store %swap3A_51[%swap3A_52], %swap3A_55 {strides = array<i32>} : memref<80xi32, #tpu.memory_space<vmem>>, vector<16xi32>,
    %add3A_56 = arith.constant 16 : i32
    %add3A_57 = arith.addi %mul3A_21, %add3A_56 : i32
    %get3A_58 = arith.index_cast %add3A_57 : i32 to index
    %get3A_59 = tpu.vector_load %arg8[%get3A_58] {strides = array<i32>} : memref<2000xi32, #tpu.memory_space<vmem>>, vector<16xi32>,
    %get3A_60 = vector.shape_cast %get3A_59 : vector<16xi32> to vector<16xi32>
    %add3A_61 = vector.broadcast %mul3A_0 : i32 to vector<16xi32>
    %add3A_62 = arith.addi %get3A_60, %add3A_61 : vector<16xi32>
    %swap3A_63 = arith.constant 0 : i32
    %swap3A_64 = arith.constant 0 : i32
    %swap3A_65 = tpu.memref_slice %arg10[%swap3A_63, %swap3A_64] : memref<2x80xi32, #tpu.memory_space<vmem>> -> memref<1x80xi32, #tpu.memory_space<vmem>>
    %swap3A_66 = tpu.memref_squeeze %swap3A_65 : memref<1x80xi32, #tpu.memory_space<vmem>> -> memref<80xi32, #tpu.memory_space<vmem>>
    %swap3A_67 = arith.constant 16 : index
    %swap3A_68 = tpu.vector_load %swap3A_66[%swap3A_67] {strides = array<i32>} : memref<80xi32, #tpu.memory_space<vmem>>, vector<16xi32>,
    %swap3A_69 = vector.shape_cast %swap3A_68 : vector<16xi32> to vector<16xi32>
    %swap3A_70 = vector.shape_cast %add3A_62 : vector<16xi32> to vector<16xi32>
    tpu.vector_store %swap3A_66[%swap3A_67], %swap3A_70 {strides = array<i32>} : memref<80xi32, #tpu.memory_space<vmem>>, vector<16xi32>,
    %get3A_71 = arith.index_cast %add3A_57 : i32 to index
    %get3A_72 = tpu.vector_load %arg9[%get3A_71] {strides = array<i32>} : memref<2000xi32, #tpu.memory_space<vmem>>, vector<16xi32>,
    %get3A_73 = vector.shape_cast %get3A_72 : vector<16xi32> to vector<16xi32>
    %add3A_74 = vector.broadcast %mul3A_0 : i32 to vector<16xi32>
    %add3A_75 = arith.addi %get3A_73, %add3A_74 : vector<16xi32>
    %swap3A_76 = arith.constant 0 : i32
    %swap3A_77 = arith.constant 0 : i32
    %swap3A_78 = tpu.memref_slice %arg11[%swap3A_76, %swap3A_77] : memref<2x80xi32, #tpu.memory_space<vmem>> -> memref<1x80xi32, #tpu.memory_space<vmem>>
    %swap3A_79 = tpu.memref_squeeze %swap3A_78 : memref<1x80xi32, #tpu.memory_space<vmem>> -> memref<80xi32, #tpu.memory_space<vmem>>
    %swap3A_80 = arith.constant 16 : index
    %swap3A_81 = tpu.vector_load %swap3A_79[%swap3A_80] {strides = array<i32>} : memref<80xi32, #tpu.memory_space<vmem>>, vector<16xi32>,
    %swap3A_82 = vector.shape_cast %swap3A_81 : vector<16xi32> to vector<16xi32>
    %swap3A_83 = vector.shape_cast %add3A_75 : vector<16xi32> to vector<16xi32>
    tpu.vector_store %swap3A_79[%swap3A_80], %swap3A_83 {strides = array<i32>} : memref<80xi32, #tpu.memory_space<vmem>>, vector<16xi32>,
    %swap3A_84 = arith.constant 0 : i32
    %swap3A_85 = arith.constant 0 : i32
    %swap3A_86 = tpu.memref_slice %arg12[%swap3A_84, %swap3A_85] : memref<2x80xi32, #tpu.memory_space<vmem>> -> memref<1x80xi32, #tpu.memory_space<vmem>>
    %swap3A_87 = tpu.memref_squeeze %swap3A_86 : memref<1x80xi32, #tpu.memory_space<vmem>> -> memref<80xi32, #tpu.memory_space<vmem>>
    %swap3A_88 = arith.constant 16 : index
    %swap3A_89 = tpu.vector_load %swap3A_87[%swap3A_88] {strides = array<i32>} : memref<80xi32, #tpu.memory_space<vmem>>, vector<16xi32>,
    %swap3A_90 = vector.shape_cast %swap3A_89 : vector<16xi32> to vector<16xi32>
    %swap3A_91 = vector.shape_cast %get3A_73 : vector<16xi32> to vector<16xi32>
    tpu.vector_store %swap3A_87[%swap3A_88], %swap3A_91 {strides = array<i32>} : memref<80xi32, #tpu.memory_space<vmem>>, vector<16xi32>,
    %add3A_92 = arith.constant 32 : i32
    %add3A_93 = arith.addi %mul3A_21, %add3A_92 : i32
    %get3A_94 = arith.index_cast %add3A_93 : i32 to index
    %get3A_95 = tpu.vector_load %arg8[%get3A_94] {strides = array<i32>} : memref<2000xi32, #tpu.memory_space<vmem>>, vector<16xi32>,
    %get3A_96 = vector.shape_cast %get3A_95 : vector<16xi32> to vector<16xi32>
    %add3A_97 = vector.broadcast %mul3A_0 : i32 to vector<16xi32>
    %add3A_98 = arith.addi %get3A_96, %add3A_97 : vector<16xi32>
    %swap3A_99 = arith.constant 0 : i32
    %swap3A_100 = arith.constant 0 : i32
    %swap3A_101 = tpu.memref_slice %arg10[%swap3A_99, %swap3A_100] : memref<2x80xi32, #tpu.memory_space<vmem>> -> memref<1x80xi32, #tpu.memory_space<vmem>>
    %swap3A_102 = tpu.memref_squeeze %swap3A_101 : memref<1x80xi32, #tpu.memory_space<vmem>> -> memref<80xi32, #tpu.memory_space<vmem>>
    %swap3A_103 = arith.constant 32 : index
    %swap3A_104 = tpu.vector_load %swap3A_102[%swap3A_103] {strides = array<i32>} : memref<80xi32, #tpu.memory_space<vmem>>, vector<16xi32>,
    %swap3A_105 = vector.shape_cast %swap3A_104 : vector<16xi32> to vector<16xi32>
    %swap3A_106 = vector.shape_cast %add3A_98 : vector<16xi32> to vector<16xi32>
    tpu.vector_store %swap3A_102[%swap3A_103], %swap3A_106 {strides = array<i32>} : memref<80xi32, #tpu.memory_space<vmem>>, vector<16xi32>,
    %get3A_107 = arith.index_cast %add3A_93 : i32 to index
    %get3A_108 = tpu.vector_load %arg9[%get3A_107] {strides = array<i32>} : memref<2000xi32, #tpu.memory_space<vmem>>, vector<16xi32>,
    %get3A_109 = vector.shape_cast %get3A_108 : vector<16xi32> to vector<16xi32>
    %add3A_110 = vector.broadcast %mul3A_0 : i32 to vector<16xi32>
    %add3A_111 = arith.addi %get3A_109, %add3A_110 : vector<16xi32>
    %swap3A_112 = arith.constant 0 : i32
    %swap3A_113 = arith.constant 0 : i32
    %swap3A_114 = tpu.memref_slice %arg11[%swap3A_112, %swap3A_113] : memref<2x80xi32, #tpu.memory_space<vmem>> -> memref<1x80xi32, #tpu.memory_space<vmem>>
    %swap3A_115 = tpu.memref_squeeze %swap3A_114 : memref<1x80xi32, #tpu.memory_space<vmem>> -> memref<80xi32, #tpu.memory_space<vmem>>
    %swap3A_116 = arith.constant 32 : index
    %swap3A_117 = tpu.vector_load %swap3A_115[%swap3A_116] {strides = array<i32>} : memref<80xi32, #tpu.memory_space<vmem>>, vector<16xi32>,
    %swap3A_118 = vector.shape_cast %swap3A_117 : vector<16xi32> to vector<16xi32>
    %swap3A_119 = vector.shape_cast %add3A_111 : vector<16xi32> to vector<16xi32>
    tpu.vector_store %swap3A_115[%swap3A_116], %swap3A_119 {strides = array<i32>} : memref<80xi32, #tpu.memory_space<vmem>>, vector<16xi32>,
    %swap3A_120 = arith.constant 0 : i32
    %swap3A_121 = arith.constant 0 : i32
    %swap3A_122 = tpu.memref_slice %arg12[%swap3A_120, %swap3A_121] : memref<2x80xi32, #tpu.memory_space<vmem>> -> memref<1x80xi32, #tpu.memory_space<vmem>>
    %swap3A_123 = tpu.memref_squeeze %swap3A_122 : memref<1x80xi32, #tpu.memory_space<vmem>> -> memref<80xi32, #tpu.memory_space<vmem>>
    %swap3A_124 = arith.constant 32 : index
    %swap3A_125 = tpu.vector_load %swap3A_123[%swap3A_124] {strides = array<i32>} : memref<80xi32, #tpu.memory_space<vmem>>, vector<16xi32>,
    %swap3A_126 = vector.shape_cast %swap3A_125 : vector<16xi32> to vector<16xi32>
    %swap3A_127 = vector.shape_cast %get3A_109 : vector<16xi32> to vector<16xi32>
    tpu.vector_store %swap3A_123[%swap3A_124], %swap3A_127 {strides = array<i32>} : memref<80xi32, #tpu.memory_space<vmem>>, vector<16xi32>,
    %add3A_128 = arith.constant 48 : i32
    %add3A_129 = arith.addi %mul3A_21, %add3A_128 : i32
    %get3A_130 = arith.index_cast %add3A_129 : i32 to index
    %get3A_131 = tpu.vector_load %arg8[%get3A_130] {strides = array<i32>} : memref<2000xi32, #tpu.memory_space<vmem>>, vector<16xi32>,
    %get3A_132 = vector.shape_cast %get3A_131 : vector<16xi32> to vector<16xi32>
    %add3A_133 = vector.broadcast %mul3A_0 : i32 to vector<16xi32>
    %add3A_134 = arith.addi %get3A_132, %add3A_133 : vector<16xi32>
    %swap3A_135 = arith.constant 0 : i32
    %swap3A_136 = arith.constant 0 : i32
    %swap3A_137 = tpu.memref_slice %arg10[%swap3A_135, %swap3A_136] : memref<2x80xi32, #tpu.memory_space<vmem>> -> memref<1x80xi32, #tpu.memory_space<vmem>>
    %swap3A_138 = tpu.memref_squeeze %swap3A_137 : memref<1x80xi32, #tpu.memory_space<vmem>> -> memref<80xi32, #tpu.memory_space<vmem>>
    %swap3A_139 = arith.constant 48 : index
    %swap3A_140 = tpu.vector_load %swap3A_138[%swap3A_139] {strides = array<i32>} : memref<80xi32, #tpu.memory_space<vmem>>, vector<16xi32>,
    %swap3A_141 = vector.shape_cast %swap3A_140 : vector<16xi32> to vector<16xi32>
    %swap3A_142 = vector.shape_cast %add3A_134 : vector<16xi32> to vector<16xi32>
    tpu.vector_store %swap3A_138[%swap3A_139], %swap3A_142 {strides = array<i32>} : memref<80xi32, #tpu.memory_space<vmem>>, vector<16xi32>,
    %get3A_143 = arith.index_cast %add3A_129 : i32 to index
    %get3A_144 = tpu.vector_load %arg9[%get3A_143] {strides = array<i32>} : memref<2000xi32, #tpu.memory_space<vmem>>, vector<16xi32>,
    %get3A_145 = vector.shape_cast %get3A_144 : vector<16xi32> to vector<16xi32>
    %add3A_146 = vector.broadcast %mul3A_0 : i32 to vector<16xi32>
    %add3A_147 = arith.addi %get3A_145, %add3A_146 : vector<16xi32>
    %swap3A_148 = arith.constant 0 : i32
    %swap3A_149 = arith.constant 0 : i32
    %swap3A_150 = tpu.memref_slice %arg11[%swap3A_148, %swap3A_149] : memref<2x80xi32, #tpu.memory_space<vmem>> -> memref<1x80xi32, #tpu.memory_space<vmem>>
    %swap3A_151 = tpu.memref_squeeze %swap3A_150 : memref<1x80xi32, #tpu.memory_space<vmem>> -> memref<80xi32, #tpu.memory_space<vmem>>
    %swap3A_152 = arith.constant 48 : index
    %swap3A_153 = tpu.vector_load %swap3A_151[%swap3A_152] {strides = array<i32>} : memref<80xi32, #tpu.memory_space<vmem>>, vector<16xi32>,
    %swap3A_154 = vector.shape_cast %swap3A_153 : vector<16xi32> to vector<16xi32>
    %swap3A_155 = vector.shape_cast %add3A_147 : vector<16xi32> to vector<16xi32>
    tpu.vector_store %swap3A_151[%swap3A_152], %swap3A_155 {strides = array<i32>} : memref<80xi32, #tpu.memory_space<vmem>>, vector<16xi32>,
    %swap3A_156 = arith.constant 0 : i32
    %swap3A_157 = arith.constant 0 : i32
    %swap3A_158 = tpu.memref_slice %arg12[%swap3A_156, %swap3A_157] : memref<2x80xi32, #tpu.memory_space<vmem>> -> memref<1x80xi32, #tpu.memory_space<vmem>>
    %swap3A_159 = tpu.memref_squeeze %swap3A_158 : memref<1x80xi32, #tpu.memory_space<vmem>> -> memref<80xi32, #tpu.memory_space<vmem>>
    %swap3A_160 = arith.constant 48 : index
    %swap3A_161 = tpu.vector_load %swap3A_159[%swap3A_160] {strides = array<i32>} : memref<80xi32, #tpu.memory_space<vmem>>, vector<16xi32>,
    %swap3A_162 = vector.shape_cast %swap3A_161 : vector<16xi32> to vector<16xi32>
    %swap3A_163 = vector.shape_cast %get3A_145 : vector<16xi32> to vector<16xi32>
    tpu.vector_store %swap3A_159[%swap3A_160], %swap3A_163 {strides = array<i32>} : memref<80xi32, #tpu.memory_space<vmem>>, vector<16xi32>,
    %add3A_164 = arith.constant 64 : i32
    %add3A_165 = arith.addi %mul3A_21, %add3A_164 : i32
    %get3A_166 = arith.index_cast %add3A_165 : i32 to index
    %get3A_167 = tpu.vector_load %arg8[%get3A_166] {strides = array<i32>} : memref<2000xi32, #tpu.memory_space<vmem>>, vector<16xi32>,
    %get3A_168 = vector.shape_cast %get3A_167 : vector<16xi32> to vector<16xi32>
    %add3A_169 = vector.broadcast %mul3A_0 : i32 to vector<16xi32>
    %add3A_170 = arith.addi %get3A_168, %add3A_169 : vector<16xi32>
    %swap3A_171 = arith.constant 0 : i32
    %swap3A_172 = arith.constant 0 : i32
    %swap3A_173 = tpu.memref_slice %arg10[%swap3A_171, %swap3A_172] : memref<2x80xi32, #tpu.memory_space<vmem>> -> memref<1x80xi32, #tpu.memory_space<vmem>>
    %swap3A_174 = tpu.memref_squeeze %swap3A_173 : memref<1x80xi32, #tpu.memory_space<vmem>> -> memref<80xi32, #tpu.memory_space<vmem>>
    %swap3A_175 = arith.constant 64 : index
    %swap3A_176 = tpu.vector_load %swap3A_174[%swap3A_175] {strides = array<i32>} : memref<80xi32, #tpu.memory_space<vmem>>, vector<16xi32>,
    %swap3A_177 = vector.shape_cast %swap3A_176 : vector<16xi32> to vector<16xi32>
    %swap3A_178 = vector.shape_cast %add3A_170 : vector<16xi32> to vector<16xi32>
    tpu.vector_store %swap3A_174[%swap3A_175], %swap3A_178 {strides = array<i32>} : memref<80xi32, #tpu.memory_space<vmem>>, vector<16xi32>,
    %get3A_179 = arith.index_cast %add3A_165 : i32 to index
    %get3A_180 = tpu.vector_load %arg9[%get3A_179] {strides = array<i32>} : memref<2000xi32, #tpu.memory_space<vmem>>, vector<16xi32>,
    %get3A_181 = vector.shape_cast %get3A_180 : vector<16xi32> to vector<16xi32>
    %add3A_182 = vector.broadcast %mul3A_0 : i32 to vector<16xi32>
    %add3A_183 = arith.addi %get3A_181, %add3A_182 : vector<16xi32>
    %swap3A_184 = arith.constant 0 : i32
    %swap3A_185 = arith.constant 0 : i32
    %swap3A_186 = tpu.memref_slice %arg11[%swap3A_184, %swap3A_185] : memref<2x80xi32, #tpu.memory_space<vmem>> -> memref<1x80xi32, #tpu.memory_space<vmem>>
    %swap3A_187 = tpu.memref_squeeze %swap3A_186 : memref<1x80xi32, #tpu.memory_space<vmem>> -> memref<80xi32, #tpu.memory_space<vmem>>
    %swap3A_188 = arith.constant 64 : index
    %swap3A_189 = tpu.vector_load %swap3A_187[%swap3A_188] {strides = array<i32>} : memref<80xi32, #tpu.memory_space<vmem>>, vector<16xi32>,
    %swap3A_190 = vector.shape_cast %swap3A_189 : vector<16xi32> to vector<16xi32>
    %swap3A_191 = vector.shape_cast %add3A_183 : vector<16xi32> to vector<16xi32>
    tpu.vector_store %swap3A_187[%swap3A_188], %swap3A_191 {strides = array<i32>} : memref<80xi32, #tpu.memory_space<vmem>>, vector<16xi32>,
    %swap3A_192 = arith.constant 0 : i32
    %swap3A_193 = arith.constant 0 : i32
    %swap3A_194 = tpu.memref_slice %arg12[%swap3A_192, %swap3A_193] : memref<2x80xi32, #tpu.memory_space<vmem>> -> memref<1x80xi32, #tpu.memory_space<vmem>>
    %swap3A_195 = tpu.memref_squeeze %swap3A_194 : memref<1x80xi32, #tpu.memory_space<vmem>> -> memref<80xi32, #tpu.memory_space<vmem>>
    %swap3A_196 = arith.constant 64 : index
    %swap3A_197 = tpu.vector_load %swap3A_195[%swap3A_196] {strides = array<i32>} : memref<80xi32, #tpu.memory_space<vmem>>, vector<16xi32>,
    %swap3A_198 = vector.shape_cast %swap3A_197 : vector<16xi32> to vector<16xi32>
    %swap3A_199 = vector.shape_cast %get3A_181 : vector<16xi32> to vector<16xi32>
    tpu.vector_store %swap3A_195[%swap3A_196], %swap3A_199 {strides = array<i32>} : memref<80xi32, #tpu.memory_space<vmem>>, vector<16xi32>,
    %dma_start3A = arith.constant 0 : i32
    %dma_start3A_200 = arith.constant 0 : i32
    %dma_start3A_201 = arith.constant 0 : i32
    %dma_start3A_202 = arith.constant 0 : i32
    %dma_start3A_203 = tpu.memref_slice %arg13[%dma_start3A_200, %dma_start3A_201, %dma_start3A_202] : memref<2x80x128xf32, #tpu.memory_space<vmem>> -> memref<1x80x128xf32, #tpu.memory_space<vmem>>
    %dma_start3A_204 = tpu.memref_squeeze %dma_start3A_203 : memref<1x80x128xf32, #tpu.memory_space<vmem>> -> memref<80x128xf32, #tpu.memory_space<vmem>>
    %dma_start3A_205 = arith.constant 0 : i32
    %dma_start3A_206 = tpu.memref_slice %arg10[%dma_start3A, %dma_start3A_205] : memref<2x80xi32, #tpu.memory_space<vmem>> -> memref<1x80xi32, #tpu.memory_space<vmem>>
    %dma_start3A_207 = tpu.memref_squeeze %dma_start3A_206 : memref<1x80xi32, #tpu.memory_space<vmem>> -> memref<80xi32, #tpu.memory_space<vmem>>
    %dma_start3A_208 = arith.constant 0 : i32
    %dma_start3A_209 = arith.constant 0 : i32
    %dma_start3A_210 = tpu.memref_slice %arg2[%dma_start3A_208, %dma_start3A_209] : memref<20000x128xf32, #tpu.memory_space<hbm>> -> memref<20000x128xf32, #tpu.memory_space<hbm>>
    tpu.enqueue_indirect_dma source(%dma_start3A_210 : memref<20000x128xf32, #tpu.memory_space<hbm>>) target(%dma_start3A_204 : memref<80x128xf32, #tpu.memory_space<vmem>>) offsets(%dma_start3A_207 : memref<80xi32, #tpu.memory_space<vmem>>) semaphore(%arg16 : memref<!tpu.dma_semaphore, #tpu.memory_space<semaphore_mem>>)
    %dma_start3A_211 = arith.constant 0 : i32
    %dma_start3A_212 = arith.constant 0 : i32
    %dma_start3A_213 = arith.constant 0 : i32
    %dma_start3A_214 = arith.constant 0 : i32
    %dma_start3A_215 = tpu.memref_slice %arg14[%dma_start3A_212, %dma_start3A_213, %dma_start3A_214] : memref<2x80x128xf32, #tpu.memory_space<vmem>> -> memref<1x80x128xf32, #tpu.memory_space<vmem>>
    %dma_start3A_216 = tpu.memref_squeeze %dma_start3A_215 : memref<1x80x128xf32, #tpu.memory_space<vmem>> -> memref<80x128xf32, #tpu.memory_space<vmem>>
    %dma_start3A_217 = arith.constant 0 : i32
    %dma_start3A_218 = tpu.memref_slice %arg11[%dma_start3A_211, %dma_start3A_217] : memref<2x80xi32, #tpu.memory_space<vmem>> -> memref<1x80xi32, #tpu.memory_space<vmem>>
    %dma_start3A_219 = tpu.memref_squeeze %dma_start3A_218 : memref<1x80xi32, #tpu.memory_space<vmem>> -> memref<80xi32, #tpu.memory_space<vmem>>
    %dma_start3A_220 = arith.constant 0 : i32
    %dma_start3A_221 = arith.constant 0 : i32
    %dma_start3A_222 = tpu.memref_slice %arg3[%dma_start3A_220, %dma_start3A_221] : memref<20000x128xf32, #tpu.memory_space<hbm>> -> memref<20000x128xf32, #tpu.memory_space<hbm>>
    tpu.enqueue_indirect_dma source(%dma_start3A_222 : memref<20000x128xf32, #tpu.memory_space<hbm>>) target(%dma_start3A_216 : memref<80x128xf32, #tpu.memory_space<vmem>>) offsets(%dma_start3A_219 : memref<80xi32, #tpu.memory_space<vmem>>) semaphore(%arg16 : memref<!tpu.dma_semaphore, #tpu.memory_space<semaphore_mem>>)
    %rem3A_223 = arith.constant 1 : i32
    %rem3A_224 = arith.constant 25 : i32
    %rem3A_225 = arith.remsi %rem3A_223, %rem3A_224 : i32
    %mul3A_226 = arith.constant 80 : i32
    %mul3A_227 = arith.muli %rem3A_225, %mul3A_226 : i32
    %add3A_228 = arith.constant 0 : i32
    %add3A_229 = arith.addi %mul3A_227, %add3A_228 : i32
    %get3A_230 = arith.index_cast %add3A_229 : i32 to index
    %get3A_231 = tpu.vector_load %arg8[%get3A_230] {strides = array<i32>} : memref<2000xi32, #tpu.memory_space<vmem>>, vector<16xi32>,
    %get3A_232 = vector.shape_cast %get3A_231 : vector<16xi32> to vector<16xi32>
    %add3A_233 = vector.broadcast %mul3A_0 : i32 to vector<16xi32>
    %add3A_234 = arith.addi %get3A_232, %add3A_233 : vector<16xi32>
    %swap3A_235 = arith.constant 1 : i32
    %swap3A_236 = arith.constant 0 : i32
    %swap3A_237 = tpu.memref_slice %arg10[%swap3A_235, %swap3A_236] : memref<2x80xi32, #tpu.memory_space<vmem>> -> memref<1x80xi32, #tpu.memory_space<vmem>>
    %swap3A_238 = tpu.memref_squeeze %swap3A_237 : memref<1x80xi32, #tpu.memory_space<vmem>> -> memref<80xi32, #tpu.memory_space<vmem>>
    %swap3A_239 = arith.constant 0 : index
    %swap3A_240 = tpu.vector_load %swap3A_238[%swap3A_239] {strides = array<i32>} : memref<80xi32, #tpu.memory_space<vmem>>, vector<16xi32>,
    %swap3A_241 = vector.shape_cast %swap3A_240 : vector<16xi32> to vector<16xi32>
    %swap3A_242 = vector.shape_cast %add3A_234 : vector<16xi32> to vector<16xi32>
    tpu.vector_store %swap3A_238[%swap3A_239], %swap3A_242 {strides = array<i32>} : memref<80xi32, #tpu.memory_space<vmem>>, vector<16xi32>,
    %get3A_243 = arith.index_cast %add3A_229 : i32 to index
    %get3A_244 = tpu.vector_load %arg9[%get3A_243] {strides = array<i32>} : memref<2000xi32, #tpu.memory_space<vmem>>, vector<16xi32>,
    %get3A_245 = vector.shape_cast %get3A_244 : vector<16xi32> to vector<16xi32>
    %add3A_246 = vector.broadcast %mul3A_0 : i32 to vector<16xi32>
    %add3A_247 = arith.addi %get3A_245, %add3A_246 : vector<16xi32>
    %swap3A_248 = arith.constant 1 : i32
    %swap3A_249 = arith.constant 0 : i32
    %swap3A_250 = tpu.memref_slice %arg11[%swap3A_248, %swap3A_249] : memref<2x80xi32, #tpu.memory_space<vmem>> -> memref<1x80xi32, #tpu.memory_space<vmem>>
    %swap3A_251 = tpu.memref_squeeze %swap3A_250 : memref<1x80xi32, #tpu.memory_space<vmem>> -> memref<80xi32, #tpu.memory_space<vmem>>
    %swap3A_252 = arith.constant 0 : index
    %swap3A_253 = tpu.vector_load %swap3A_251[%swap3A_252] {strides = array<i32>} : memref<80xi32, #tpu.memory_space<vmem>>, vector<16xi32>,
    %swap3A_254 = vector.shape_cast %swap3A_253 : vector<16xi32> to vector<16xi32>
    %swap3A_255 = vector.shape_cast %add3A_247 : vector<16xi32> to vector<16xi32>
    tpu.vector_store %swap3A_251[%swap3A_252], %swap3A_255 {strides = array<i32>} : memref<80xi32, #tpu.memory_space<vmem>>, vector<16xi32>,
    %swap3A_256 = arith.constant 1 : i32
    %swap3A_257 = arith.constant 0 : i32
    %swap3A_258 = tpu.memref_slice %arg12[%swap3A_256, %swap3A_257] : memref<2x80xi32, #tpu.memory_space<vmem>> -> memref<1x80xi32, #tpu.memory_space<vmem>>
    %swap3A_259 = tpu.memref_squeeze %swap3A_258 : memref<1x80xi32, #tpu.memory_space<vmem>> -> memref<80xi32, #tpu.memory_space<vmem>>
    %swap3A_260 = arith.constant 0 : index
    %swap3A_261 = tpu.vector_load %swap3A_259[%swap3A_260] {strides = array<i32>} : memref<80xi32, #tpu.memory_space<vmem>>, vector<16xi32>,
    %swap3A_262 = vector.shape_cast %swap3A_261 : vector<16xi32> to vector<16xi32>
    %swap3A_263 = vector.shape_cast %get3A_245 : vector<16xi32> to vector<16xi32>
    tpu.vector_store %swap3A_259[%swap3A_260], %swap3A_263 {strides = array<i32>} : memref<80xi32, #tpu.memory_space<vmem>>, vector<16xi32>,
    %add3A_264 = arith.constant 16 : i32
    %add3A_265 = arith.addi %mul3A_227, %add3A_264 : i32
    %get3A_266 = arith.index_cast %add3A_265 : i32 to index
    %get3A_267 = tpu.vector_load %arg8[%get3A_266] {strides = array<i32>} : memref<2000xi32, #tpu.memory_space<vmem>>, vector<16xi32>,
    %get3A_268 = vector.shape_cast %get3A_267 : vector<16xi32> to vector<16xi32>
    %add3A_269 = vector.broadcast %mul3A_0 : i32 to vector<16xi32>
    %add3A_270 = arith.addi %get3A_268, %add3A_269 : vector<16xi32>
    %swap3A_271 = arith.constant 1 : i32
    %swap3A_272 = arith.constant 0 : i32
    %swap3A_273 = tpu.memref_slice %arg10[%swap3A_271, %swap3A_272] : memref<2x80xi32, #tpu.memory_space<vmem>> -> memref<1x80xi32, #tpu.memory_space<vmem>>
    %swap3A_274 = tpu.memref_squeeze %swap3A_273 : memref<1x80xi32, #tpu.memory_space<vmem>> -> memref<80xi32, #tpu.memory_space<vmem>>
    %swap3A_275 = arith.constant 16 : index
    %swap3A_276 = tpu.vector_load %swap3A_274[%swap3A_275] {strides = array<i32>} : memref<80xi32, #tpu.memory_space<vmem>>, vector<16xi32>,
    %swap3A_277 = vector.shape_cast %swap3A_276 : vector<16xi32> to vector<16xi32>
    %swap3A_278 = vector.shape_cast %add3A_270 : vector<16xi32> to vector<16xi32>
    tpu.vector_store %swap3A_274[%swap3A_275], %swap3A_278 {strides = array<i32>} : memref<80xi32, #tpu.memory_space<vmem>>, vector<16xi32>,
    %get3A_279 = arith.index_cast %add3A_265 : i32 to index
    %get3A_280 = tpu.vector_load %arg9[%get3A_279] {strides = array<i32>} : memref<2000xi32, #tpu.memory_space<vmem>>, vector<16xi32>,
    %get3A_281 = vector.shape_cast %get3A_280 : vector<16xi32> to vector<16xi32>
    %add3A_282 = vector.broadcast %mul3A_0 : i32 to vector<16xi32>
    %add3A_283 = arith.addi %get3A_281, %add3A_282 : vector<16xi32>
    %swap3A_284 = arith.constant 1 : i32
    %swap3A_285 = arith.constant 0 : i32
    %swap3A_286 = tpu.memref_slice %arg11[%swap3A_284, %swap3A_285] : memref<2x80xi32, #tpu.memory_space<vmem>> -> memref<1x80xi32, #tpu.memory_space<vmem>>
    %swap3A_287 = tpu.memref_squeeze %swap3A_286 : memref<1x80xi32, #tpu.memory_space<vmem>> -> memref<80xi32, #tpu.memory_space<vmem>>
    %swap3A_288 = arith.constant 16 : index
    %swap3A_289 = tpu.vector_load %swap3A_287[%swap3A_288] {strides = array<i32>} : memref<80xi32, #tpu.memory_space<vmem>>, vector<16xi32>,
    %swap3A_290 = vector.shape_cast %swap3A_289 : vector<16xi32> to vector<16xi32>
    %swap3A_291 = vector.shape_cast %add3A_283 : vector<16xi32> to vector<16xi32>
    tpu.vector_store %swap3A_287[%swap3A_288], %swap3A_291 {strides = array<i32>} : memref<80xi32, #tpu.memory_space<vmem>>, vector<16xi32>,
    %swap3A_292 = arith.constant 1 : i32
    %swap3A_293 = arith.constant 0 : i32
    %swap3A_294 = tpu.memref_slice %arg12[%swap3A_292, %swap3A_293] : memref<2x80xi32, #tpu.memory_space<vmem>> -> memref<1x80xi32, #tpu.memory_space<vmem>>
    %swap3A_295 = tpu.memref_squeeze %swap3A_294 : memref<1x80xi32, #tpu.memory_space<vmem>> -> memref<80xi32, #tpu.memory_space<vmem>>
    %swap3A_296 = arith.constant 16 : index
    %swap3A_297 = tpu.vector_load %swap3A_295[%swap3A_296] {strides = array<i32>} : memref<80xi32, #tpu.memory_space<vmem>>, vector<16xi32>,
    %swap3A_298 = vector.shape_cast %swap3A_297 : vector<16xi32> to vector<16xi32>
    %swap3A_299 = vector.shape_cast %get3A_281 : vector<16xi32> to vector<16xi32>
    tpu.vector_store %swap3A_295[%swap3A_296], %swap3A_299 {strides = array<i32>} : memref<80xi32, #tpu.memory_space<vmem>>, vector<16xi32>,
    %add3A_300 = arith.constant 32 : i32
    %add3A_301 = arith.addi %mul3A_227, %add3A_300 : i32
    %get3A_302 = arith.index_cast %add3A_301 : i32 to index
    %get3A_303 = tpu.vector_load %arg8[%get3A_302] {strides = array<i32>} : memref<2000xi32, #tpu.memory_space<vmem>>, vector<16xi32>,
    %get3A_304 = vector.shape_cast %get3A_303 : vector<16xi32> to vector<16xi32>
    %add3A_305 = vector.broadcast %mul3A_0 : i32 to vector<16xi32>
    %add3A_306 = arith.addi %get3A_304, %add3A_305 : vector<16xi32>
    %swap3A_307 = arith.constant 1 : i32
    %swap3A_308 = arith.constant 0 : i32
    %swap3A_309 = tpu.memref_slice %arg10[%swap3A_307, %swap3A_308] : memref<2x80xi32, #tpu.memory_space<vmem>> -> memref<1x80xi32, #tpu.memory_space<vmem>>
    %swap3A_310 = tpu.memref_squeeze %swap3A_309 : memref<1x80xi32, #tpu.memory_space<vmem>> -> memref<80xi32, #tpu.memory_space<vmem>>
    %swap3A_311 = arith.constant 32 : index
    %swap3A_312 = tpu.vector_load %swap3A_310[%swap3A_311] {strides = array<i32>} : memref<80xi32, #tpu.memory_space<vmem>>, vector<16xi32>,
    %swap3A_313 = vector.shape_cast %swap3A_312 : vector<16xi32> to vector<16xi32>
    %swap3A_314 = vector.shape_cast %add3A_306 : vector<16xi32> to vector<16xi32>
    tpu.vector_store %swap3A_310[%swap3A_311], %swap3A_314 {strides = array<i32>} : memref<80xi32, #tpu.memory_space<vmem>>, vector<16xi32>,
    %get3A_315 = arith.index_cast %add3A_301 : i32 to index
    %get3A_316 = tpu.vector_load %arg9[%get3A_315] {strides = array<i32>} : memref<2000xi32, #tpu.memory_space<vmem>>, vector<16xi32>,
    %get3A_317 = vector.shape_cast %get3A_316 : vector<16xi32> to vector<16xi32>
    %add3A_318 = vector.broadcast %mul3A_0 : i32 to vector<16xi32>
    %add3A_319 = arith.addi %get3A_317, %add3A_318 : vector<16xi32>
    %swap3A_320 = arith.constant 1 : i32
    %swap3A_321 = arith.constant 0 : i32
    %swap3A_322 = tpu.memref_slice %arg11[%swap3A_320, %swap3A_321] : memref<2x80xi32, #tpu.memory_space<vmem>> -> memref<1x80xi32, #tpu.memory_space<vmem>>
    %swap3A_323 = tpu.memref_squeeze %swap3A_322 : memref<1x80xi32, #tpu.memory_space<vmem>> -> memref<80xi32, #tpu.memory_space<vmem>>
    %swap3A_324 = arith.constant 32 : index
    %swap3A_325 = tpu.vector_load %swap3A_323[%swap3A_324] {strides = array<i32>} : memref<80xi32, #tpu.memory_space<vmem>>, vector<16xi32>,
    %swap3A_326 = vector.shape_cast %swap3A_325 : vector<16xi32> to vector<16xi32>
    %swap3A_327 = vector.shape_cast %add3A_319 : vector<16xi32> to vector<16xi32>
    tpu.vector_store %swap3A_323[%swap3A_324], %swap3A_327 {strides = array<i32>} : memref<80xi32, #tpu.memory_space<vmem>>, vector<16xi32>,
    %swap3A_328 = arith.constant 1 : i32
    %swap3A_329 = arith.constant 0 : i32
    %swap3A_330 = tpu.memref_slice %arg12[%swap3A_328, %swap3A_329] : memref<2x80xi32, #tpu.memory_space<vmem>> -> memref<1x80xi32, #tpu.memory_space<vmem>>
    %swap3A_331 = tpu.memref_squeeze %swap3A_330 : memref<1x80xi32, #tpu.memory_space<vmem>> -> memref<80xi32, #tpu.memory_space<vmem>>
    %swap3A_332 = arith.constant 32 : index
    %swap3A_333 = tpu.vector_load %swap3A_331[%swap3A_332] {strides = array<i32>} : memref<80xi32, #tpu.memory_space<vmem>>, vector<16xi32>,
    %swap3A_334 = vector.shape_cast %swap3A_333 : vector<16xi32> to vector<16xi32>
    %swap3A_335 = vector.shape_cast %get3A_317 : vector<16xi32> to vector<16xi32>
    tpu.vector_store %swap3A_331[%swap3A_332], %swap3A_335 {strides = array<i32>} : memref<80xi32, #tpu.memory_space<vmem>>, vector<16xi32>,
    %add3A_336 = arith.constant 48 : i32
    %add3A_337 = arith.addi %mul3A_227, %add3A_336 : i32
    %get3A_338 = arith.index_cast %add3A_337 : i32 to index
    %get3A_339 = tpu.vector_load %arg8[%get3A_338] {strides = array<i32>} : memref<2000xi32, #tpu.memory_space<vmem>>, vector<16xi32>,
    %get3A_340 = vector.shape_cast %get3A_339 : vector<16xi32> to vector<16xi32>
    %add3A_341 = vector.broadcast %mul3A_0 : i32 to vector<16xi32>
    %add3A_342 = arith.addi %get3A_340, %add3A_341 : vector<16xi32>
    %swap3A_343 = arith.constant 1 : i32
    %swap3A_344 = arith.constant 0 : i32
    %swap3A_345 = tpu.memref_slice %arg10[%swap3A_343, %swap3A_344] : memref<2x80xi32, #tpu.memory_space<vmem>> -> memref<1x80xi32, #tpu.memory_space<vmem>>
    %swap3A_346 = tpu.memref_squeeze %swap3A_345 : memref<1x80xi32, #tpu.memory_space<vmem>> -> memref<80xi32, #tpu.memory_space<vmem>>
    %swap3A_347 = arith.constant 48 : index
    %swap3A_348 = tpu.vector_load %swap3A_346[%swap3A_347] {strides = array<i32>} : memref<80xi32, #tpu.memory_space<vmem>>, vector<16xi32>,
    %swap3A_349 = vector.shape_cast %swap3A_348 : vector<16xi32> to vector<16xi32>
    %swap3A_350 = vector.shape_cast %add3A_342 : vector<16xi32> to vector<16xi32>
    tpu.vector_store %swap3A_346[%swap3A_347], %swap3A_350 {strides = array<i32>} : memref<80xi32, #tpu.memory_space<vmem>>, vector<16xi32>,
    %get3A_351 = arith.index_cast %add3A_337 : i32 to index
    %get3A_352 = tpu.vector_load %arg9[%get3A_351] {strides = array<i32>} : memref<2000xi32, #tpu.memory_space<vmem>>, vector<16xi32>,
    %get3A_353 = vector.shape_cast %get3A_352 : vector<16xi32> to vector<16xi32>
    %add3A_354 = vector.broadcast %mul3A_0 : i32 to vector<16xi32>
    %add3A_355 = arith.addi %get3A_353, %add3A_354 : vector<16xi32>
    %swap3A_356 = arith.constant 1 : i32
    %swap3A_357 = arith.constant 0 : i32
    %swap3A_358 = tpu.memref_slice %arg11[%swap3A_356, %swap3A_357] : memref<2x80xi32, #tpu.memory_space<vmem>> -> memref<1x80xi32, #tpu.memory_space<vmem>>
    %swap3A_359 = tpu.memref_squeeze %swap3A_358 : memref<1x80xi32, #tpu.memory_space<vmem>> -> memref<80xi32, #tpu.memory_space<vmem>>
    %swap3A_360 = arith.constant 48 : index
    %swap3A_361 = tpu.vector_load %swap3A_359[%swap3A_360] {strides = array<i32>} : memref<80xi32, #tpu.memory_space<vmem>>, vector<16xi32>,
    %swap3A_362 = vector.shape_cast %swap3A_361 : vector<16xi32> to vector<16xi32>
    %swap3A_363 = vector.shape_cast %add3A_355 : vector<16xi32> to vector<16xi32>
    tpu.vector_store %swap3A_359[%swap3A_360], %swap3A_363 {strides = array<i32>} : memref<80xi32, #tpu.memory_space<vmem>>, vector<16xi32>,
    %swap3A_364 = arith.constant 1 : i32
    %swap3A_365 = arith.constant 0 : i32
    %swap3A_366 = tpu.memref_slice %arg12[%swap3A_364, %swap3A_365] : memref<2x80xi32, #tpu.memory_space<vmem>> -> memref<1x80xi32, #tpu.memory_space<vmem>>
    %swap3A_367 = tpu.memref_squeeze %swap3A_366 : memref<1x80xi32, #tpu.memory_space<vmem>> -> memref<80xi32, #tpu.memory_space<vmem>>
    %swap3A_368 = arith.constant 48 : index
    %swap3A_369 = tpu.vector_load %swap3A_367[%swap3A_368] {strides = array<i32>} : memref<80xi32, #tpu.memory_space<vmem>>, vector<16xi32>,
    %swap3A_370 = vector.shape_cast %swap3A_369 : vector<16xi32> to vector<16xi32>
    %swap3A_371 = vector.shape_cast %get3A_353 : vector<16xi32> to vector<16xi32>
    tpu.vector_store %swap3A_367[%swap3A_368], %swap3A_371 {strides = array<i32>} : memref<80xi32, #tpu.memory_space<vmem>>, vector<16xi32>,
    %add3A_372 = arith.constant 64 : i32
    %add3A_373 = arith.addi %mul3A_227, %add3A_372 : i32
    %get3A_374 = arith.index_cast %add3A_373 : i32 to index
    %get3A_375 = tpu.vector_load %arg8[%get3A_374] {strides = array<i32>} : memref<2000xi32, #tpu.memory_space<vmem>>, vector<16xi32>,
    %get3A_376 = vector.shape_cast %get3A_375 : vector<16xi32> to vector<16xi32>
    %add3A_377 = vector.broadcast %mul3A_0 : i32 to vector<16xi32>
    %add3A_378 = arith.addi %get3A_376, %add3A_377 : vector<16xi32>
    %swap3A_379 = arith.constant 1 : i32
    %swap3A_380 = arith.constant 0 : i32
    %swap3A_381 = tpu.memref_slice %arg10[%swap3A_379, %swap3A_380] : memref<2x80xi32, #tpu.memory_space<vmem>> -> memref<1x80xi32, #tpu.memory_space<vmem>>
    %swap3A_382 = tpu.memref_squeeze %swap3A_381 : memref<1x80xi32, #tpu.memory_space<vmem>> -> memref<80xi32, #tpu.memory_space<vmem>>
    %swap3A_383 = arith.constant 64 : index
    %swap3A_384 = tpu.vector_load %swap3A_382[%swap3A_383] {strides = array<i32>} : memref<80xi32, #tpu.memory_space<vmem>>, vector<16xi32>,
    %swap3A_385 = vector.shape_cast %swap3A_384 : vector<16xi32> to vector<16xi32>
    %swap3A_386 = vector.shape_cast %add3A_378 : vector<16xi32> to vector<16xi32>
    tpu.vector_store %swap3A_382[%swap3A_383], %swap3A_386 {strides = array<i32>} : memref<80xi32, #tpu.memory_space<vmem>>, vector<16xi32>,
    %get3A_387 = arith.index_cast %add3A_373 : i32 to index
    %get3A_388 = tpu.vector_load %arg9[%get3A_387] {strides = array<i32>} : memref<2000xi32, #tpu.memory_space<vmem>>, vector<16xi32>,
    %get3A_389 = vector.shape_cast %get3A_388 : vector<16xi32> to vector<16xi32>
    %add3A_390 = vector.broadcast %mul3A_0 : i32 to vector<16xi32>
    %add3A_391 = arith.addi %get3A_389, %add3A_390 : vector<16xi32>
    %swap3A_392 = arith.constant 1 : i32
    %swap3A_393 = arith.constant 0 : i32
    %swap3A_394 = tpu.memref_slice %arg11[%swap3A_392, %swap3A_393] : memref<2x80xi32, #tpu.memory_space<vmem>> -> memref<1x80xi32, #tpu.memory_space<vmem>>
    %swap3A_395 = tpu.memref_squeeze %swap3A_394 : memref<1x80xi32, #tpu.memory_space<vmem>> -> memref<80xi32, #tpu.memory_space<vmem>>
    %swap3A_396 = arith.constant 64 : index
    %swap3A_397 = tpu.vector_load %swap3A_395[%swap3A_396] {strides = array<i32>} : memref<80xi32, #tpu.memory_space<vmem>>, vector<16xi32>,
    %swap3A_398 = vector.shape_cast %swap3A_397 : vector<16xi32> to vector<16xi32>
    %swap3A_399 = vector.shape_cast %add3A_391 : vector<16xi32> to vector<16xi32>
    tpu.vector_store %swap3A_395[%swap3A_396], %swap3A_399 {strides = array<i32>} : memref<80xi32, #tpu.memory_space<vmem>>, vector<16xi32>,
    %swap3A_400 = arith.constant 1 : i32
    %swap3A_401 = arith.constant 0 : i32
    %swap3A_402 = tpu.memref_slice %arg12[%swap3A_400, %swap3A_401] : memref<2x80xi32, #tpu.memory_space<vmem>> -> memref<1x80xi32, #tpu.memory_space<vmem>>
    %swap3A_403 = tpu.memref_squeeze %swap3A_402 : memref<1x80xi32, #tpu.memory_space<vmem>> -> memref<80xi32, #tpu.memory_space<vmem>>
    %swap3A_404 = arith.constant 64 : index
    %swap3A_405 = tpu.vector_load %swap3A_403[%swap3A_404] {strides = array<i32>} : memref<80xi32, #tpu.memory_space<vmem>>, vector<16xi32>,
    %swap3A_406 = vector.shape_cast %swap3A_405 : vector<16xi32> to vector<16xi32>
    %swap3A_407 = vector.shape_cast %get3A_389 : vector<16xi32> to vector<16xi32>
    tpu.vector_store %swap3A_403[%swap3A_404], %swap3A_407 {strides = array<i32>} : memref<80xi32, #tpu.memory_space<vmem>>, vector<16xi32>,
    %dma_start3A_408 = arith.constant 1 : i32
    %dma_start3A_409 = arith.constant 1 : i32
    %dma_start3A_410 = arith.constant 0 : i32
    %dma_start3A_411 = arith.constant 0 : i32
    %dma_start3A_412 = tpu.memref_slice %arg13[%dma_start3A_409, %dma_start3A_410, %dma_start3A_411] : memref<2x80x128xf32, #tpu.memory_space<vmem>> -> memref<1x80x128xf32, #tpu.memory_space<vmem>>
    %dma_start3A_413 = tpu.memref_squeeze %dma_start3A_412 : memref<1x80x128xf32, #tpu.memory_space<vmem>> -> memref<80x128xf32, #tpu.memory_space<vmem>>
    %dma_start3A_414 = arith.constant 0 : i32
    %dma_start3A_415 = tpu.memref_slice %arg10[%dma_start3A_408, %dma_start3A_414] : memref<2x80xi32, #tpu.memory_space<vmem>> -> memref<1x80xi32, #tpu.memory_space<vmem>>
    %dma_start3A_416 = tpu.memref_squeeze %dma_start3A_415 : memref<1x80xi32, #tpu.memory_space<vmem>> -> memref<80xi32, #tpu.memory_space<vmem>>
    %dma_start3A_417 = arith.constant 0 : i32
    %dma_start3A_418 = arith.constant 0 : i32
    %dma_start3A_419 = tpu.memref_slice %arg2[%dma_start3A_417, %dma_start3A_418] : memref<20000x128xf32, #tpu.memory_space<hbm>> -> memref<20000x128xf32, #tpu.memory_space<hbm>>
    tpu.enqueue_indirect_dma source(%dma_start3A_419 : memref<20000x128xf32, #tpu.memory_space<hbm>>) target(%dma_start3A_413 : memref<80x128xf32, #tpu.memory_space<vmem>>) offsets(%dma_start3A_416 : memref<80xi32, #tpu.memory_space<vmem>>) semaphore(%arg17 : memref<!tpu.dma_semaphore, #tpu.memory_space<semaphore_mem>>)
    %dma_start3A_420 = arith.constant 1 : i32
    %dma_start3A_421 = arith.constant 1 : i32
    %dma_start3A_422 = arith.constant 0 : i32
    %dma_start3A_423 = arith.constant 0 : i32
    %dma_start3A_424 = tpu.memref_slice %arg14[%dma_start3A_421, %dma_start3A_422, %dma_start3A_423] : memref<2x80x128xf32, #tpu.memory_space<vmem>> -> memref<1x80x128xf32, #tpu.memory_space<vmem>>
    %dma_start3A_425 = tpu.memref_squeeze %dma_start3A_424 : memref<1x80x128xf32, #tpu.memory_space<vmem>> -> memref<80x128xf32, #tpu.memory_space<vmem>>
    %dma_start3A_426 = arith.constant 0 : i32
    %dma_start3A_427 = tpu.memref_slice %arg11[%dma_start3A_420, %dma_start3A_426] : memref<2x80xi32, #tpu.memory_space<vmem>> -> memref<1x80xi32, #tpu.memory_space<vmem>>
    %dma_start3A_428 = tpu.memref_squeeze %dma_start3A_427 : memref<1x80xi32, #tpu.memory_space<vmem>> -> memref<80xi32, #tpu.memory_space<vmem>>
    %dma_start3A_429 = arith.constant 0 : i32
    %dma_start3A_430 = arith.constant 0 : i32
    %dma_start3A_431 = tpu.memref_slice %arg3[%dma_start3A_429, %dma_start3A_430] : memref<20000x128xf32, #tpu.memory_space<hbm>> -> memref<20000x128xf32, #tpu.memory_space<hbm>>
    tpu.enqueue_indirect_dma source(%dma_start3A_431 : memref<20000x128xf32, #tpu.memory_space<hbm>>) target(%dma_start3A_425 : memref<80x128xf32, #tpu.memory_space<vmem>>) offsets(%dma_start3A_428 : memref<80xi32, #tpu.memory_space<vmem>>) semaphore(%arg17 : memref<!tpu.dma_semaphore, #tpu.memory_space<semaphore_mem>>)
    %scan3A_432 = arith.constant 0 : i32
    %scan3A_433 = arith.constant 0 : i32
    %scan3A_434 = arith.constant 125 : i32
    %scan3A_435 = arith.addi %scan3A_433, %scan3A_434 : i32
    %scan3A_436 = arith.constant 1 : i32
    scf.for %scan3A_449 = %scan3A_433 to %scan3A_435 step %scan3A_436  : i32 {
      %mul3A_450 = arith.constant 2 : i32
      %mul3A_451 = arith.muli %mul3A_450, %scan3A_449 : i32
      %add3A_452 = arith.constant 0 : i32
      %add3A_453 = arith.addi %mul3A_451, %add3A_452 : i32
      %dma_wait3A = arith.constant 0 : i32
      %dma_wait3A_454 = arith.constant 0 : i32
      %dma_wait3A_455 = arith.constant 0 : i32
      %dma_wait3A_456 = arith.constant 0 : i32
      %dma_wait3A_457 = tpu.memref_slice %arg13[%dma_wait3A_454, %dma_wait3A_455, %dma_wait3A_456] : memref<2x80x128xf32, #tpu.memory_space<vmem>> -> memref<1x80x128xf32, #tpu.memory_space<vmem>>
      %dma_wait3A_458 = tpu.memref_squeeze %dma_wait3A_457 : memref<1x80x128xf32, #tpu.memory_space<vmem>> -> memref<80x128xf32, #tpu.memory_space<vmem>>
      %dma_wait3A_459 = arith.constant 0 : i32
      %dma_wait3A_460 = tpu.memref_slice %arg10[%dma_wait3A, %dma_wait3A_459] : memref<2x80xi32, #tpu.memory_space<vmem>> -> memref<1x80xi32, #tpu.memory_space<vmem>>
      %dma_wait3A_461 = tpu.memref_squeeze %dma_wait3A_460 : memref<1x80xi32, #tpu.memory_space<vmem>> -> memref<80xi32, #tpu.memory_space<vmem>>
      %dma_wait3A_462 = arith.constant 0 : i32
      %dma_wait3A_463 = arith.constant 0 : i32
      %dma_wait3A_464 = tpu.memref_slice %arg2[%dma_wait3A_462, %dma_wait3A_463] : memref<20000x128xf32, #tpu.memory_space<hbm>> -> memref<20000x128xf32, #tpu.memory_space<hbm>>
      tpu.wait_indirect_dma semaphore(%arg16 : memref<!tpu.dma_semaphore, #tpu.memory_space<semaphore_mem>>) src(%dma_wait3A_464 : memref<20000x128xf32, #tpu.memory_space<hbm>>) dst(%dma_wait3A_458 : memref<80x128xf32, #tpu.memory_space<vmem>>)
      %dma_wait3A_465 = arith.constant 0 : i32
      %dma_wait3A_466 = arith.constant 0 : i32
      %dma_wait3A_467 = arith.constant 0 : i32
      %dma_wait3A_468 = arith.constant 0 : i32
      %dma_wait3A_469 = tpu.memref_slice %arg14[%dma_wait3A_466, %dma_wait3A_467, %dma_wait3A_468] : memref<2x80x128xf32, #tpu.memory_space<vmem>> -> memref<1x80x128xf32, #tpu.memory_space<vmem>>
      %dma_wait3A_470 = tpu.memref_squeeze %dma_wait3A_469 : memref<1x80x128xf32, #tpu.memory_space<vmem>> -> memref<80x128xf32, #tpu.memory_space<vmem>>
      %dma_wait3A_471 = arith.constant 0 : i32
      %dma_wait3A_472 = tpu.memref_slice %arg11[%dma_wait3A_465, %dma_wait3A_471] : memref<2x80xi32, #tpu.memory_space<vmem>> -> memref<1x80xi32, #tpu.memory_space<vmem>>
      %dma_wait3A_473 = tpu.memref_squeeze %dma_wait3A_472 : memref<1x80xi32, #tpu.memory_space<vmem>> -> memref<80xi32, #tpu.memory_space<vmem>>
      %dma_wait3A_474 = arith.constant 0 : i32
      %dma_wait3A_475 = arith.constant 0 : i32
      %dma_wait3A_476 = tpu.memref_slice %arg3[%dma_wait3A_474, %dma_wait3A_475] : memref<20000x128xf32, #tpu.memory_space<hbm>> -> memref<20000x128xf32, #tpu.memory_space<hbm>>
      tpu.wait_indirect_dma semaphore(%arg16 : memref<!tpu.dma_semaphore, #tpu.memory_space<semaphore_mem>>) src(%dma_wait3A_476 : memref<20000x128xf32, #tpu.memory_space<hbm>>) dst(%dma_wait3A_470 : memref<80x128xf32, #tpu.memory_space<vmem>>)
      %scan3A_477 = arith.constant 0 : i32
      %scan3A_478 = arith.constant 0 : i32
      %scan3A_479 = arith.constant 80 : i32
      %scan3A_480 = arith.addi %scan3A_478, %scan3A_479 : i32
      %scan3A_481 = arith.constant 1 : i32
      scf.for %scan3A_530 = %scan3A_478 to %scan3A_480 step %scan3A_481  : i32 {
        %get3A_531 = arith.constant 0 : i32
        %get3A_532 = arith.constant 0 : i32
        %get3A_533 = arith.constant 0 : i32
        %get3A_534 = tpu.memref_slice %arg13[%get3A_531, %get3A_532, %get3A_533] : memref<2x80x128xf32, #tpu.memory_space<vmem>> -> memref<1x80x128xf32, #tpu.memory_space<vmem>>
        %get3A_535 = tpu.memref_squeeze %get3A_534 : memref<1x80x128xf32, #tpu.memory_space<vmem>> -> memref<80x128xf32, #tpu.memory_space<vmem>>
        %get3A_536 = arith.index_cast %scan3A_530 : i32 to index
        %get3A_537 = arith.constant 0 : index
        %get3A_538 = tpu.vector_load %get3A_535[%get3A_536, %get3A_537] {strides = array<i32>} : memref<80x128xf32, #tpu.memory_space<vmem>>, vector<1x16xf32>,
        %get3A_539 = vector.shape_cast %get3A_538 : vector<1x16xf32> to vector<16xf32>
        %get3A_540 = arith.constant 0 : i32
        %get3A_541 = arith.constant 0 : i32
        %get3A_542 = arith.constant 0 : i32
        %get3A_543 = tpu.memref_slice %arg13[%get3A_540, %get3A_541, %get3A_542] : memref<2x80x128xf32, #tpu.memory_space<vmem>> -> memref<1x80x128xf32, #tpu.memory_space<vmem>>
        %get3A_544 = tpu.memref_squeeze %get3A_543 : memref<1x80x128xf32, #tpu.memory_space<vmem>> -> memref<80x128xf32, #tpu.memory_space<vmem>>
        %get3A_545 = arith.index_cast %scan3A_530 : i32 to index
        %get3A_546 = arith.constant 64 : index
        %get3A_547 = tpu.vector_load %get3A_544[%get3A_545, %get3A_546] {strides = array<i32>} : memref<80x128xf32, #tpu.memory_space<vmem>>, vector<1x16xf32>,
        %get3A_548 = vector.shape_cast %get3A_547 : vector<1x16xf32> to vector<16xf32>
        %get3A_549 = arith.constant 0 : i32
        %get3A_550 = arith.constant 0 : i32
        %get3A_551 = arith.constant 0 : i32
        %get3A_552 = tpu.memref_slice %arg14[%get3A_549, %get3A_550, %get3A_551] : memref<2x80x128xf32, #tpu.memory_space<vmem>> -> memref<1x80x128xf32, #tpu.memory_space<vmem>>
        %get3A_553 = tpu.memref_squeeze %get3A_552 : memref<1x80x128xf32, #tpu.memory_space<vmem>> -> memref<80x128xf32, #tpu.memory_space<vmem>>
        %get3A_554 = arith.index_cast %scan3A_530 : i32 to index
        %get3A_555 = arith.constant 0 : index
        %get3A_556 = tpu.vector_load %get3A_553[%get3A_554, %get3A_555] {strides = array<i32>} : memref<80x128xf32, #tpu.memory_space<vmem>>, vector<1x16xf32>,
        %get3A_557 = vector.shape_cast %get3A_556 : vector<1x16xf32> to vector<16xf32>
        %mul3A_558 = arith.mulf %get3A_548, %get3A_557 : vector<16xf32>
        %add3A_559 = arith.constant 1.000000e+00 : f32
        %add3A_560 = vector.broadcast %add3A_559 : f32 to vector<16xf32>
        %add3A_561 = arith.addf %add3A_560, %mul3A_558 : vector<16xf32>
        %div3A = arith.constant 1.000000e+00 : f32
        %div3A_562 = vector.broadcast %div3A : f32 to vector<16xf32>
        %div3A_563 = arith.divf %div3A_562, %add3A_561 : vector<16xf32>
        %mul3A_564 = arith.mulf %div3A_563, %get3A_539 : vector<16xf32>
        %swap3A_565 = arith.constant 0 : i32
        %swap3A_566 = arith.constant 0 : i32
        %swap3A_567 = arith.constant 0 : i32
        %swap3A_568 = tpu.memref_slice %arg13[%swap3A_565, %swap3A_566, %swap3A_567] : memref<2x80x128xf32, #tpu.memory_space<vmem>> -> memref<1x80x128xf32, #tpu.memory_space<vmem>>
        %swap3A_569 = tpu.memref_squeeze %swap3A_568 : memref<1x80x128xf32, #tpu.memory_space<vmem>> -> memref<80x128xf32, #tpu.memory_space<vmem>>
        %swap3A_570 = arith.index_cast %scan3A_530 : i32 to index
        %swap3A_571 = arith.constant 0 : index
        %swap3A_572 = tpu.vector_load %swap3A_569[%swap3A_570, %swap3A_571] {strides = array<i32>} : memref<80x128xf32, #tpu.memory_space<vmem>>, vector<1x16xf32>,
        %swap3A_573 = vector.shape_cast %swap3A_572 : vector<1x16xf32> to vector<16xf32>
        %swap3A_574 = vector.shape_cast %mul3A_564 : vector<16xf32> to vector<1x16xf32>
        tpu.vector_store %swap3A_569[%swap3A_570, %swap3A_571], %swap3A_574 {strides = array<i32>} : memref<80x128xf32, #tpu.memory_space<vmem>>, vector<1x16xf32>,
        %swap3A_575 = arith.constant 0 : i32
        %swap3A_576 = arith.constant 0 : i32
        %swap3A_577 = arith.constant 0 : i32
        %swap3A_578 = tpu.memref_slice %arg13[%swap3A_575, %swap3A_576, %swap3A_577] : memref<2x80x128xf32, #tpu.memory_space<vmem>> -> memref<1x80x128xf32, #tpu.memory_space<vmem>>
        %swap3A_579 = tpu.memref_squeeze %swap3A_578 : memref<1x80x128xf32, #tpu.memory_space<vmem>> -> memref<80x128xf32, #tpu.memory_space<vmem>>
        %swap3A_580 = arith.index_cast %scan3A_530 : i32 to index
        %swap3A_581 = arith.constant 64 : index
        %swap3A_582 = tpu.vector_load %swap3A_579[%swap3A_580, %swap3A_581] {strides = array<i32>} : memref<80x128xf32, #tpu.memory_space<vmem>>, vector<1x16xf32>,
        %swap3A_583 = vector.shape_cast %swap3A_582 : vector<1x16xf32> to vector<16xf32>
        %swap3A_584 = vector.shape_cast %div3A_563 : vector<16xf32> to vector<1x16xf32>
        tpu.vector_store %swap3A_579[%swap3A_580, %swap3A_581], %swap3A_584 {strides = array<i32>} : memref<80x128xf32, #tpu.memory_space<vmem>>, vector<1x16xf32>,
        %get3A_585 = arith.constant 0 : i32
        %get3A_586 = arith.constant 0 : i32
        %get3A_587 = arith.constant 0 : i32
        %get3A_588 = tpu.memref_slice %arg13[%get3A_585, %get3A_586, %get3A_587] : memref<2x80x128xf32, #tpu.memory_space<vmem>> -> memref<1x80x128xf32, #tpu.memory_space<vmem>>
        %get3A_589 = tpu.memref_squeeze %get3A_588 : memref<1x80x128xf32, #tpu.memory_space<vmem>> -> memref<80x128xf32, #tpu.memory_space<vmem>>
        %get3A_590 = arith.index_cast %scan3A_530 : i32 to index
        %get3A_591 = arith.constant 16 : index
        %get3A_592 = tpu.vector_load %get3A_589[%get3A_590, %get3A_591] {strides = array<i32>} : memref<80x128xf32, #tpu.memory_space<vmem>>, vector<1x16xf32>,
        %get3A_593 = vector.shape_cast %get3A_592 : vector<1x16xf32> to vector<16xf32>
        %get3A_594 = arith.constant 0 : i32
        %get3A_595 = arith.constant 0 : i32
        %get3A_596 = arith.constant 0 : i32
        %get3A_597 = tpu.memref_slice %arg13[%get3A_594, %get3A_595, %get3A_596] : memref<2x80x128xf32, #tpu.memory_space<vmem>> -> memref<1x80x128xf32, #tpu.memory_space<vmem>>
        %get3A_598 = tpu.memref_squeeze %get3A_597 : memref<1x80x128xf32, #tpu.memory_space<vmem>> -> memref<80x128xf32, #tpu.memory_space<vmem>>
        %get3A_599 = arith.index_cast %scan3A_530 : i32 to index
        %get3A_600 = arith.constant 80 : index
        %get3A_601 = tpu.vector_load %get3A_598[%get3A_599, %get3A_600] {strides = array<i32>} : memref<80x128xf32, #tpu.memory_space<vmem>>, vector<1x16xf32>,
        %get3A_602 = vector.shape_cast %get3A_601 : vector<1x16xf32> to vector<16xf32>
        %get3A_603 = arith.constant 0 : i32
        %get3A_604 = arith.constant 0 : i32
        %get3A_605 = arith.constant 0 : i32
        %get3A_606 = tpu.memref_slice %arg14[%get3A_603, %get3A_604, %get3A_605] : memref<2x80x128xf32, #tpu.memory_space<vmem>> -> memref<1x80x128xf32, #tpu.memory_space<vmem>>
        %get3A_607 = tpu.memref_squeeze %get3A_606 : memref<1x80x128xf32, #tpu.memory_space<vmem>> -> memref<80x128xf32, #tpu.memory_space<vmem>>
        %get3A_608 = arith.index_cast %scan3A_530 : i32 to index
        %get3A_609 = arith.constant 16 : index
        %get3A_610 = tpu.vector_load %get3A_607[%get3A_608, %get3A_609] {strides = array<i32>} : memref<80x128xf32, #tpu.memory_space<vmem>>, vector<1x16xf32>,
        %get3A_611 = vector.shape_cast %get3A_610 : vector<1x16xf32> to vector<16xf32>
        %mul3A_612 = arith.mulf %get3A_602, %get3A_611 : vector<16xf32>
        %add3A_613 = arith.constant 1.000000e+00 : f32
        %add3A_614 = vector.broadcast %add3A_613 : f32 to vector<16xf32>
        %add3A_615 = arith.addf %add3A_614, %mul3A_612 : vector<16xf32>
        %div3A_616 = arith.constant 1.000000e+00 : f32
        %div3A_617 = vector.broadcast %div3A_616 : f32 to vector<16xf32>
        %div3A_618 = arith.divf %div3A_617, %add3A_615 : vector<16xf32>
        %mul3A_619 = arith.mulf %div3A_618, %get3A_593 : vector<16xf32>
        %swap3A_620 = arith.constant 0 : i32
        %swap3A_621 = arith.constant 0 : i32
        %swap3A_622 = arith.constant 0 : i32
        %swap3A_623 = tpu.memref_slice %arg13[%swap3A_620, %swap3A_621, %swap3A_622] : memref<2x80x128xf32, #tpu.memory_space<vmem>> -> memref<1x80x128xf32, #tpu.memory_space<vmem>>
        %swap3A_624 = tpu.memref_squeeze %swap3A_623 : memref<1x80x128xf32, #tpu.memory_space<vmem>> -> memref<80x128xf32, #tpu.memory_space<vmem>>
        %swap3A_625 = arith.index_cast %scan3A_530 : i32 to index
        %swap3A_626 = arith.constant 16 : index
        %swap3A_627 = tpu.vector_load %swap3A_624[%swap3A_625, %swap3A_626] {strides = array<i32>} : memref<80x128xf32, #tpu.memory_space<vmem>>, vector<1x16xf32>,
        %swap3A_628 = vector.shape_cast %swap3A_627 : vector<1x16xf32> to vector<16xf32>
        %swap3A_629 = vector.shape_cast %mul3A_619 : vector<16xf32> to vector<1x16xf32>
        tpu.vector_store %swap3A_624[%swap3A_625, %swap3A_626], %swap3A_629 {strides = array<i32>} : memref<80x128xf32, #tpu.memory_space<vmem>>, vector<1x16xf32>,
        %swap3A_630 = arith.constant 0 : i32
        %swap3A_631 = arith.constant 0 : i32
        %swap3A_632 = arith.constant 0 : i32
        %swap3A_633 = tpu.memref_slice %arg13[%swap3A_630, %swap3A_631, %swap3A_632] : memref<2x80x128xf32, #tpu.memory_space<vmem>> -> memref<1x80x128xf32, #tpu.memory_space<vmem>>
        %swap3A_634 = tpu.memref_squeeze %swap3A_633 : memref<1x80x128xf32, #tpu.memory_space<vmem>> -> memref<80x128xf32, #tpu.memory_space<vmem>>
        %swap3A_635 = arith.index_cast %scan3A_530 : i32 to index
        %swap3A_636 = arith.constant 80 : index
        %swap3A_637 = tpu.vector_load %swap3A_634[%swap3A_635, %swap3A_636] {strides = array<i32>} : memref<80x128xf32, #tpu.memory_space<vmem>>, vector<1x16xf32>,
        %swap3A_638 = vector.shape_cast %swap3A_637 : vector<1x16xf32> to vector<16xf32>
        %swap3A_639 = vector.shape_cast %div3A_618 : vector<16xf32> to vector<1x16xf32>
        tpu.vector_store %swap3A_634[%swap3A_635, %swap3A_636], %swap3A_639 {strides = array<i32>} : memref<80x128xf32, #tpu.memory_space<vmem>>, vector<1x16xf32>,
        %get3A_640 = arith.constant 0 : i32
        %get3A_641 = arith.constant 0 : i32
        %get3A_642 = arith.constant 0 : i32
        %get3A_643 = tpu.memref_slice %arg13[%get3A_640, %get3A_641, %get3A_642] : memref<2x80x128xf32, #tpu.memory_space<vmem>> -> memref<1x80x128xf32, #tpu.memory_space<vmem>>
        %get3A_644 = tpu.memref_squeeze %get3A_643 : memref<1x80x128xf32, #tpu.memory_space<vmem>> -> memref<80x128xf32, #tpu.memory_space<vmem>>
        %get3A_645 = arith.index_cast %scan3A_530 : i32 to index
        %get3A_646 = arith.constant 32 : index
        %get3A_647 = tpu.vector_load %get3A_644[%get3A_645, %get3A_646] {strides = array<i32>} : memref<80x128xf32, #tpu.memory_space<vmem>>, vector<1x16xf32>,
        %get3A_648 = vector.shape_cast %get3A_647 : vector<1x16xf32> to vector<16xf32>
        %get3A_649 = arith.constant 0 : i32
        %get3A_650 = arith.constant 0 : i32
        %get3A_651 = arith.constant 0 : i32
        %get3A_652 = tpu.memref_slice %arg13[%get3A_649, %get3A_650, %get3A_651] : memref<2x80x128xf32, #tpu.memory_space<vmem>> -> memref<1x80x128xf32, #tpu.memory_space<vmem>>
        %get3A_653 = tpu.memref_squeeze %get3A_652 : memref<1x80x128xf32, #tpu.memory_space<vmem>> -> memref<80x128xf32, #tpu.memory_space<vmem>>
        %get3A_654 = arith.index_cast %scan3A_530 : i32 to index
        %get3A_655 = arith.constant 96 : index
        %get3A_656 = tpu.vector_load %get3A_653[%get3A_654, %get3A_655] {strides = array<i32>} : memref<80x128xf32, #tpu.memory_space<vmem>>, vector<1x16xf32>,
        %get3A_657 = vector.shape_cast %get3A_656 : vector<1x16xf32> to vector<16xf32>
        %get3A_658 = arith.constant 0 : i32
        %get3A_659 = arith.constant 0 : i32
        %get3A_660 = arith.constant 0 : i32
        %get3A_661 = tpu.memref_slice %arg14[%get3A_658, %get3A_659, %get3A_660] : memref<2x80x128xf32, #tpu.memory_space<vmem>> -> memref<1x80x128xf32, #tpu.memory_space<vmem>>
        %get3A_662 = tpu.memref_squeeze %get3A_661 : memref<1x80x128xf32, #tpu.memory_space<vmem>> -> memref<80x128xf32, #tpu.memory_space<vmem>>
        %get3A_663 = arith.index_cast %scan3A_530 : i32 to index
        %get3A_664 = arith.constant 32 : index
        %get3A_665 = tpu.vector_load %get3A_662[%get3A_663, %get3A_664] {strides = array<i32>} : memref<80x128xf32, #tpu.memory_space<vmem>>, vector<1x16xf32>,
        %get3A_666 = vector.shape_cast %get3A_665 : vector<1x16xf32> to vector<16xf32>
        %mul3A_667 = arith.mulf %get3A_657, %get3A_666 : vector<16xf32>
        %add3A_668 = arith.constant 1.000000e+00 : f32
        %add3A_669 = vector.broadcast %add3A_668 : f32 to vector<16xf32>
        %add3A_670 = arith.addf %add3A_669, %mul3A_667 : vector<16xf32>
        %div3A_671 = arith.constant 1.000000e+00 : f32
        %div3A_672 = vector.broadcast %div3A_671 : f32 to vector<16xf32>
        %div3A_673 = arith.divf %div3A_672, %add3A_670 : vector<16xf32>
        %mul3A_674 = arith.mulf %div3A_673, %get3A_648 : vector<16xf32>
        %swap3A_675 = arith.constant 0 : i32
        %swap3A_676 = arith.constant 0 : i32
        %swap3A_677 = arith.constant 0 : i32
        %swap3A_678 = tpu.memref_slice %arg13[%swap3A_675, %swap3A_676, %swap3A_677] : memref<2x80x128xf32, #tpu.memory_space<vmem>> -> memref<1x80x128xf32, #tpu.memory_space<vmem>>
        %swap3A_679 = tpu.memref_squeeze %swap3A_678 : memref<1x80x128xf32, #tpu.memory_space<vmem>> -> memref<80x128xf32, #tpu.memory_space<vmem>>
        %swap3A_680 = arith.index_cast %scan3A_530 : i32 to index
        %swap3A_681 = arith.constant 32 : index
        %swap3A_682 = tpu.vector_load %swap3A_679[%swap3A_680, %swap3A_681] {strides = array<i32>} : memref<80x128xf32, #tpu.memory_space<vmem>>, vector<1x16xf32>,
        %swap3A_683 = vector.shape_cast %swap3A_682 : vector<1x16xf32> to vector<16xf32>
        %swap3A_684 = vector.shape_cast %mul3A_674 : vector<16xf32> to vector<1x16xf32>
        tpu.vector_store %swap3A_679[%swap3A_680, %swap3A_681], %swap3A_684 {strides = array<i32>} : memref<80x128xf32, #tpu.memory_space<vmem>>, vector<1x16xf32>,
        %swap3A_685 = arith.constant 0 : i32
        %swap3A_686 = arith.constant 0 : i32
        %swap3A_687 = arith.constant 0 : i32
        %swap3A_688 = tpu.memref_slice %arg13[%swap3A_685, %swap3A_686, %swap3A_687] : memref<2x80x128xf32, #tpu.memory_space<vmem>> -> memref<1x80x128xf32, #tpu.memory_space<vmem>>
        %swap3A_689 = tpu.memref_squeeze %swap3A_688 : memref<1x80x128xf32, #tpu.memory_space<vmem>> -> memref<80x128xf32, #tpu.memory_space<vmem>>
        %swap3A_690 = arith.index_cast %scan3A_530 : i32 to index
        %swap3A_691 = arith.constant 96 : index
        %swap3A_692 = tpu.vector_load %swap3A_689[%swap3A_690, %swap3A_691] {strides = array<i32>} : memref<80x128xf32, #tpu.memory_space<vmem>>, vector<1x16xf32>,
        %swap3A_693 = vector.shape_cast %swap3A_692 : vector<1x16xf32> to vector<16xf32>
        %swap3A_694 = vector.shape_cast %div3A_673 : vector<16xf32> to vector<1x16xf32>
        tpu.vector_store %swap3A_689[%swap3A_690, %swap3A_691], %swap3A_694 {strides = array<i32>} : memref<80x128xf32, #tpu.memory_space<vmem>>, vector<1x16xf32>,
        %get3A_695 = arith.constant 0 : i32
        %get3A_696 = arith.constant 0 : i32
        %get3A_697 = arith.constant 0 : i32
        %get3A_698 = tpu.memref_slice %arg13[%get3A_695, %get3A_696, %get3A_697] : memref<2x80x128xf32, #tpu.memory_space<vmem>> -> memref<1x80x128xf32, #tpu.memory_space<vmem>>
        %get3A_699 = tpu.memref_squeeze %get3A_698 : memref<1x80x128xf32, #tpu.memory_space<vmem>> -> memref<80x128xf32, #tpu.memory_space<vmem>>
        %get3A_700 = arith.index_cast %scan3A_530 : i32 to index
        %get3A_701 = arith.constant 48 : index
        %get3A_702 = tpu.vector_load %get3A_699[%get3A_700, %get3A_701] {strides = array<i32>} : memref<80x128xf32, #tpu.memory_space<vmem>>, vector<1x16xf32>,
        %get3A_703 = vector.shape_cast %get3A_702 : vector<1x16xf32> to vector<16xf32>
        %get3A_704 = arith.constant 0 : i32
        %get3A_705 = arith.constant 0 : i32
        %get3A_706 = arith.constant 0 : i32
        %get3A_707 = tpu.memref_slice %arg13[%get3A_704, %get3A_705, %get3A_706] : memref<2x80x128xf32, #tpu.memory_space<vmem>> -> memref<1x80x128xf32, #tpu.memory_space<vmem>>
        %get3A_708 = tpu.memref_squeeze %get3A_707 : memref<1x80x128xf32, #tpu.memory_space<vmem>> -> memref<80x128xf32, #tpu.memory_space<vmem>>
        %get3A_709 = arith.index_cast %scan3A_530 : i32 to index
        %get3A_710 = arith.constant 112 : index
        %get3A_711 = tpu.vector_load %get3A_708[%get3A_709, %get3A_710] {strides = array<i32>} : memref<80x128xf32, #tpu.memory_space<vmem>>, vector<1x16xf32>,
        %get3A_712 = vector.shape_cast %get3A_711 : vector<1x16xf32> to vector<16xf32>
        %get3A_713 = arith.constant 0 : i32
        %get3A_714 = arith.constant 0 : i32
        %get3A_715 = arith.constant 0 : i32
        %get3A_716 = tpu.memref_slice %arg14[%get3A_713, %get3A_714, %get3A_715] : memref<2x80x128xf32, #tpu.memory_space<vmem>> -> memref<1x80x128xf32, #tpu.memory_space<vmem>>
        %get3A_717 = tpu.memref_squeeze %get3A_716 : memref<1x80x128xf32, #tpu.memory_space<vmem>> -> memref<80x128xf32, #tpu.memory_space<vmem>>
        %get3A_718 = arith.index_cast %scan3A_530 : i32 to index
        %get3A_719 = arith.constant 48 : index
        %get3A_720 = tpu.vector_load %get3A_717[%get3A_718, %get3A_719] {strides = array<i32>} : memref<80x128xf32, #tpu.memory_space<vmem>>, vector<1x16xf32>,
        %get3A_721 = vector.shape_cast %get3A_720 : vector<1x16xf32> to vector<16xf32>
        %mul3A_722 = arith.mulf %get3A_712, %get3A_721 : vector<16xf32>
        %add3A_723 = arith.constant 1.000000e+00 : f32
        %add3A_724 = vector.broadcast %add3A_723 : f32 to vector<16xf32>
        %add3A_725 = arith.addf %add3A_724, %mul3A_722 : vector<16xf32>
        %div3A_726 = arith.constant 1.000000e+00 : f32
        %div3A_727 = vector.broadcast %div3A_726 : f32 to vector<16xf32>
        %div3A_728 = arith.divf %div3A_727, %add3A_725 : vector<16xf32>
        %mul3A_729 = arith.mulf %div3A_728, %get3A_703 : vector<16xf32>
        %swap3A_730 = arith.constant 0 : i32
        %swap3A_731 = arith.constant 0 : i32
        %swap3A_732 = arith.constant 0 : i32
        %swap3A_733 = tpu.memref_slice %arg13[%swap3A_730, %swap3A_731, %swap3A_732] : memref<2x80x128xf32, #tpu.memory_space<vmem>> -> memref<1x80x128xf32, #tpu.memory_space<vmem>>
        %swap3A_734 = tpu.memref_squeeze %swap3A_733 : memref<1x80x128xf32, #tpu.memory_space<vmem>> -> memref<80x128xf32, #tpu.memory_space<vmem>>
        %swap3A_735 = arith.index_cast %scan3A_530 : i32 to index
        %swap3A_736 = arith.constant 48 : index
        %swap3A_737 = tpu.vector_load %swap3A_734[%swap3A_735, %swap3A_736] {strides = array<i32>} : memref<80x128xf32, #tpu.memory_space<vmem>>, vector<1x16xf32>,
        %swap3A_738 = vector.shape_cast %swap3A_737 : vector<1x16xf32> to vector<16xf32>
        %swap3A_739 = vector.shape_cast %mul3A_729 : vector<16xf32> to vector<1x16xf32>
        tpu.vector_store %swap3A_734[%swap3A_735, %swap3A_736], %swap3A_739 {strides = array<i32>} : memref<80x128xf32, #tpu.memory_space<vmem>>, vector<1x16xf32>,
        %swap3A_740 = arith.constant 0 : i32
        %swap3A_741 = arith.constant 0 : i32
        %swap3A_742 = arith.constant 0 : i32
        %swap3A_743 = tpu.memref_slice %arg13[%swap3A_740, %swap3A_741, %swap3A_742] : memref<2x80x128xf32, #tpu.memory_space<vmem>> -> memref<1x80x128xf32, #tpu.memory_space<vmem>>
        %swap3A_744 = tpu.memref_squeeze %swap3A_743 : memref<1x80x128xf32, #tpu.memory_space<vmem>> -> memref<80x128xf32, #tpu.memory_space<vmem>>
        %swap3A_745 = arith.index_cast %scan3A_530 : i32 to index
        %swap3A_746 = arith.constant 112 : index
        %swap3A_747 = tpu.vector_load %swap3A_744[%swap3A_745, %swap3A_746] {strides = array<i32>} : memref<80x128xf32, #tpu.memory_space<vmem>>, vector<1x16xf32>,
        %swap3A_748 = vector.shape_cast %swap3A_747 : vector<1x16xf32> to vector<16xf32>
        %swap3A_749 = vector.shape_cast %div3A_728 : vector<16xf32> to vector<1x16xf32>
        tpu.vector_store %swap3A_744[%swap3A_745, %swap3A_746], %swap3A_749 {strides = array<i32>} : memref<80x128xf32, #tpu.memory_space<vmem>>, vector<1x16xf32>,
      }
      %scan3A_482 = arith.constant 80 : i32
      %run_scoped3A = arith.constant 0 : i32
      %run_scoped3A_483 = arith.constant 0 : i32
      "tpu.region"() ({
        %run_scoped3A_530 = tpu.sem_alloc : memref<!tpu.dma_semaphore, #tpu.memory_space<semaphore_mem>>
        %dma_start3A_531 = arith.constant 0 : i32
        %dma_start3A_532 = arith.constant 0 : i32
        %dma_start3A_533 = tpu.memref_slice %arg13[%run_scoped3A, %dma_start3A_531, %dma_start3A_532] : memref<2x80x128xf32, #tpu.memory_space<vmem>> -> memref<1x80x128xf32, #tpu.memory_space<vmem>>
        %dma_start3A_534 = tpu.memref_squeeze %dma_start3A_533 : memref<1x80x128xf32, #tpu.memory_space<vmem>> -> memref<80x128xf32, #tpu.memory_space<vmem>>
        %dma_start3A_535 = arith.constant 0 : i32
        %dma_start3A_536 = tpu.memref_slice %arg12[%run_scoped3A_483, %dma_start3A_535] : memref<2x80xi32, #tpu.memory_space<vmem>> -> memref<1x80xi32, #tpu.memory_space<vmem>>
        %dma_start3A_537 = tpu.memref_squeeze %dma_start3A_536 : memref<1x80xi32, #tpu.memory_space<vmem>> -> memref<80xi32, #tpu.memory_space<vmem>>
        %dma_start3A_538 = arith.constant 0 : i32
        %dma_start3A_539 = arith.constant 0 : i32
        %dma_start3A_540 = tpu.memref_slice %arg15[%dma_start3A_538, %dma_start3A_539] : memref<10000x128xf32, #tpu.memory_space<vmem_shared>> -> memref<10000x128xf32, #tpu.memory_space<vmem_shared>>
        tpu.enqueue_indirect_dma source(%dma_start3A_534 : memref<80x128xf32, #tpu.memory_space<vmem>>) target(%dma_start3A_540 : memref<10000x128xf32, #tpu.memory_space<vmem_shared>>) offsets(%dma_start3A_537 : memref<80xi32, #tpu.memory_space<vmem>>) semaphore(%run_scoped3A_530 : memref<!tpu.dma_semaphore, #tpu.memory_space<semaphore_mem>>) {add = true}
        %dma_wait3A_541 = arith.constant 0 : i32
        %dma_wait3A_542 = arith.constant 0 : i32
        %dma_wait3A_543 = tpu.memref_slice %arg13[%run_scoped3A, %dma_wait3A_541, %dma_wait3A_542] : memref<2x80x128xf32, #tpu.memory_space<vmem>> -> memref<1x80x128xf32, #tpu.memory_space<vmem>>
        %dma_wait3A_544 = tpu.memref_squeeze %dma_wait3A_543 : memref<1x80x128xf32, #tpu.memory_space<vmem>> -> memref<80x128xf32, #tpu.memory_space<vmem>>
        %dma_wait3A_545 = arith.constant 0 : i32
        %dma_wait3A_546 = tpu.memref_slice %arg12[%run_scoped3A_483, %dma_wait3A_545] : memref<2x80xi32, #tpu.memory_space<vmem>> -> memref<1x80xi32, #tpu.memory_space<vmem>>
        %dma_wait3A_547 = tpu.memref_squeeze %dma_wait3A_546 : memref<1x80xi32, #tpu.memory_space<vmem>> -> memref<80xi32, #tpu.memory_space<vmem>>
        %dma_wait3A_548 = arith.constant 0 : i32
        %dma_wait3A_549 = arith.constant 0 : i32
        %dma_wait3A_550 = tpu.memref_slice %arg15[%dma_wait3A_548, %dma_wait3A_549] : memref<10000x128xf32, #tpu.memory_space<vmem_shared>> -> memref<10000x128xf32, #tpu.memory_space<vmem_shared>>
        tpu.wait_indirect_dma semaphore(%run_scoped3A_530 : memref<!tpu.dma_semaphore, #tpu.memory_space<semaphore_mem>>) src(%dma_wait3A_544 : memref<80x128xf32, #tpu.memory_space<vmem>>) dst(%dma_wait3A_550 : memref<10000x128xf32, #tpu.memory_space<vmem_shared>>)
        tpu.yield
      }) : () -> ()
      %lt3A_484 = arith.constant 248 : i32
      %lt3A_485 = arith.cmpi slt, %add3A_453, %lt3A_484 : i32
      %convert_element_type3A_486 = arith.extui %lt3A_485 : i1 to i32
      %cond3A_487 = arith.constant 0 : i32
      %cond3A_488 = arith.cmpi ne, %convert_element_type3A_486, %cond3A_487 : i32
      scf.if %cond3A_488 {
        %add3A_530 = arith.constant 2 : i32
        %add3A_531 = arith.addi %add3A_453, %add3A_530 : i32
        %rem3A_532 = arith.constant 25 : i32
        %rem3A_533 = arith.remsi %add3A_531, %rem3A_532 : i32
        %eq3A_534 = arith.constant 0 : i32
        %eq3A_535 = arith.cmpi eq, %rem3A_533, %eq3A_534 : i32
        %convert_element_type3A_536 = arith.extui %eq3A_535 : i1 to i32
        %cond3A_537 = arith.constant 0 : i32
        %cond3A_538 = arith.cmpi ne, %convert_element_type3A_536, %cond3A_537 : i32
        scf.if %cond3A_538 {
          %add3A_749 = arith.constant 2 : i32
          %add3A_750 = arith.addi %add3A_453, %add3A_749 : i32
          %jit3A = arith.constant 25 : i32
          %div3A = arith.divsi %add3A_750, %jit3A : i32
          %sign3A = arith.constant 0 : i32
          %sign3A_751 = arith.cmpi sgt, %add3A_750, %sign3A : i32
          %sign3A_752 = arith.extui %sign3A_751 : i1 to i32
          %sign3A_753 = arith.constant 0 : i32
          %sign3A_754 = arith.cmpi slt, %add3A_750, %sign3A_753 : i32
          %sign3A_755 = arith.extui %sign3A_754 : i1 to i32
          %sign3A_756 = arith.subi %sign3A_752, %sign3A_755 : i32
          %sign3A_757 = arith.constant 0 : i32
          %sign3A_758 = arith.cmpi sgt, %jit3A, %sign3A_757 : i32
          %sign3A_759 = arith.extui %sign3A_758 : i1 to i32
          %sign3A_760 = arith.constant 0 : i32
          %sign3A_761 = arith.cmpi slt, %jit3A, %sign3A_760 : i32
          %sign3A_762 = arith.extui %sign3A_761 : i1 to i32
          %sign3A_763 = arith.subi %sign3A_759, %sign3A_762 : i32
          %ne3A = arith.cmpi ne, %sign3A_756, %sign3A_763 : i32
          %rem3A_764 = arith.remsi %add3A_750, %jit3A : i32
          %ne3A_765 = arith.constant 0 : i32
          %ne3A_766 = arith.cmpi ne, %rem3A_764, %ne3A_765 : i32
          %and3A = arith.andi %ne3A, %ne3A_766 : i1
          %sub3A = arith.constant 1 : i32
          %sub3A_767 = arith.subi %div3A, %sub3A : i32
          %select_n3A = arith.select %and3A, %sub3A_767, %div3A : i32
          %mul3A_768 = arith.constant 2000 : i32
          %mul3A_769 = arith.muli %select_n3A, %mul3A_768 : i32
          %add3A_770 = arith.addi %mul3A_16, %mul3A_769 : i32
          "tpu.region"() ({
            %run_scoped3A_771 = tpu.sem_alloc : memref<!tpu.dma_semaphore, #tpu.memory_space<semaphore_mem>>
            %dma_start3A_772 = tpu.memref_slice %arg4[%add3A_770] : memref<320000xi32, #tpu.memory_space<hbm>> -> memref<2000xi32, #tpu.memory_space<hbm>>
            %dma_start3A_773 = tpu.memref_slice %arg4[%add3A_770] : memref<320000xi32, #tpu.memory_space<hbm>> -> memref<2000xi32, #tpu.memory_space<hbm>>
            tpu.enqueue_dma source(%dma_start3A_773 : memref<2000xi32, #tpu.memory_space<hbm>>) target(%arg8 : memref<2000xi32, #tpu.memory_space<vmem>>) target_semaphore(%run_scoped3A_771 : memref<!tpu.dma_semaphore, #tpu.memory_space<semaphore_mem>>)
            %dma_wait3A_774 = tpu.memref_slice %arg4[%add3A_770] : memref<320000xi32, #tpu.memory_space<hbm>> -> memref<2000xi32, #tpu.memory_space<hbm>>
            %dma_wait3A_775 = tpu.memref_slice %arg4[%add3A_770] : memref<320000xi32, #tpu.memory_space<hbm>> -> memref<2000xi32, #tpu.memory_space<hbm>>
            tpu.wait_dma2 semaphore(%run_scoped3A_771 : memref<!tpu.dma_semaphore, #tpu.memory_space<semaphore_mem>>) src(%dma_wait3A_775 : memref<2000xi32, #tpu.memory_space<hbm>>) dst(%arg8 : memref<2000xi32, #tpu.memory_space<vmem>>)
            tpu.yield
          }) : () -> ()
          "tpu.region"() ({
            %run_scoped3A_771 = tpu.sem_alloc : memref<!tpu.dma_semaphore, #tpu.memory_space<semaphore_mem>>
            %dma_start3A_772 = tpu.memref_slice %arg5[%add3A_770] : memref<320000xi32, #tpu.memory_space<hbm>> -> memref<2000xi32, #tpu.memory_space<hbm>>
            %dma_start3A_773 = tpu.memref_slice %arg5[%add3A_770] : memref<320000xi32, #tpu.memory_space<hbm>> -> memref<2000xi32, #tpu.memory_space<hbm>>
            tpu.enqueue_dma source(%dma_start3A_773 : memref<2000xi32, #tpu.memory_space<hbm>>) target(%arg9 : memref<2000xi32, #tpu.memory_space<vmem>>) target_semaphore(%run_scoped3A_771 : memref<!tpu.dma_semaphore, #tpu.memory_space<semaphore_mem>>)
            %dma_wait3A_774 = tpu.memref_slice %arg5[%add3A_770] : memref<320000xi32, #tpu.memory_space<hbm>> -> memref<2000xi32, #tpu.memory_space<hbm>>
            %dma_wait3A_775 = tpu.memref_slice %arg5[%add3A_770] : memref<320000xi32, #tpu.memory_space<hbm>> -> memref<2000xi32, #tpu.memory_space<hbm>>
            tpu.wait_dma2 semaphore(%run_scoped3A_771 : memref<!tpu.dma_semaphore, #tpu.memory_space<semaphore_mem>>) src(%dma_wait3A_775 : memref<2000xi32, #tpu.memory_space<hbm>>) dst(%arg9 : memref<2000xi32, #tpu.memory_space<vmem>>)
            tpu.yield
          }) : () -> ()
        } else {
        }
        %add3A_539 = arith.constant 2 : i32
        %add3A_540 = arith.addi %add3A_453, %add3A_539 : i32
        %rem3A_541 = arith.constant 25 : i32
        %rem3A_542 = arith.remsi %add3A_540, %rem3A_541 : i32
        %mul3A_543 = arith.constant 80 : i32
        %mul3A_544 = arith.muli %rem3A_542, %mul3A_543 : i32
        %add3A_545 = arith.constant 0 : i32
        %add3A_546 = arith.addi %mul3A_544, %add3A_545 : i32
        %get3A_547 = arith.index_cast %add3A_546 : i32 to index
        %get3A_548 = tpu.vector_load %arg8[%get3A_547] {strides = array<i32>} : memref<2000xi32, #tpu.memory_space<vmem>>, vector<16xi32>,
        %get3A_549 = vector.shape_cast %get3A_548 : vector<16xi32> to vector<16xi32>
        %add3A_550 = vector.broadcast %mul3A_0 : i32 to vector<16xi32>
        %add3A_551 = arith.addi %get3A_549, %add3A_550 : vector<16xi32>
        %swap3A_552 = arith.constant 0 : i32
        %swap3A_553 = arith.constant 0 : i32
        %swap3A_554 = tpu.memref_slice %arg10[%swap3A_552, %swap3A_553] : memref<2x80xi32, #tpu.memory_space<vmem>> -> memref<1x80xi32, #tpu.memory_space<vmem>>
        %swap3A_555 = tpu.memref_squeeze %swap3A_554 : memref<1x80xi32, #tpu.memory_space<vmem>> -> memref<80xi32, #tpu.memory_space<vmem>>
        %swap3A_556 = arith.constant 0 : index
        %swap3A_557 = tpu.vector_load %swap3A_555[%swap3A_556] {strides = array<i32>} : memref<80xi32, #tpu.memory_space<vmem>>, vector<16xi32>,
        %swap3A_558 = vector.shape_cast %swap3A_557 : vector<16xi32> to vector<16xi32>
        %swap3A_559 = vector.shape_cast %add3A_551 : vector<16xi32> to vector<16xi32>
        tpu.vector_store %swap3A_555[%swap3A_556], %swap3A_559 {strides = array<i32>} : memref<80xi32, #tpu.memory_space<vmem>>, vector<16xi32>,
        %get3A_560 = arith.index_cast %add3A_546 : i32 to index
        %get3A_561 = tpu.vector_load %arg9[%get3A_560] {strides = array<i32>} : memref<2000xi32, #tpu.memory_space<vmem>>, vector<16xi32>,
        %get3A_562 = vector.shape_cast %get3A_561 : vector<16xi32> to vector<16xi32>
        %add3A_563 = vector.broadcast %mul3A_0 : i32 to vector<16xi32>
        %add3A_564 = arith.addi %get3A_562, %add3A_563 : vector<16xi32>
        %swap3A_565 = arith.constant 0 : i32
        %swap3A_566 = arith.constant 0 : i32
        %swap3A_567 = tpu.memref_slice %arg11[%swap3A_565, %swap3A_566] : memref<2x80xi32, #tpu.memory_space<vmem>> -> memref<1x80xi32, #tpu.memory_space<vmem>>
        %swap3A_568 = tpu.memref_squeeze %swap3A_567 : memref<1x80xi32, #tpu.memory_space<vmem>> -> memref<80xi32, #tpu.memory_space<vmem>>
        %swap3A_569 = arith.constant 0 : index
        %swap3A_570 = tpu.vector_load %swap3A_568[%swap3A_569] {strides = array<i32>} : memref<80xi32, #tpu.memory_space<vmem>>, vector<16xi32>,
        %swap3A_571 = vector.shape_cast %swap3A_570 : vector<16xi32> to vector<16xi32>
        %swap3A_572 = vector.shape_cast %add3A_564 : vector<16xi32> to vector<16xi32>
        tpu.vector_store %swap3A_568[%swap3A_569], %swap3A_572 {strides = array<i32>} : memref<80xi32, #tpu.memory_space<vmem>>, vector<16xi32>,
        %swap3A_573 = arith.constant 0 : i32
        %swap3A_574 = arith.constant 0 : i32
        %swap3A_575 = tpu.memref_slice %arg12[%swap3A_573, %swap3A_574] : memref<2x80xi32, #tpu.memory_space<vmem>> -> memref<1x80xi32, #tpu.memory_space<vmem>>
        %swap3A_576 = tpu.memref_squeeze %swap3A_575 : memref<1x80xi32, #tpu.memory_space<vmem>> -> memref<80xi32, #tpu.memory_space<vmem>>
        %swap3A_577 = arith.constant 0 : index
        %swap3A_578 = tpu.vector_load %swap3A_576[%swap3A_577] {strides = array<i32>} : memref<80xi32, #tpu.memory_space<vmem>>, vector<16xi32>,
        %swap3A_579 = vector.shape_cast %swap3A_578 : vector<16xi32> to vector<16xi32>
        %swap3A_580 = vector.shape_cast %get3A_562 : vector<16xi32> to vector<16xi32>
        tpu.vector_store %swap3A_576[%swap3A_577], %swap3A_580 {strides = array<i32>} : memref<80xi32, #tpu.memory_space<vmem>>, vector<16xi32>,
        %add3A_581 = arith.constant 16 : i32
        %add3A_582 = arith.addi %mul3A_544, %add3A_581 : i32
        %get3A_583 = arith.index_cast %add3A_582 : i32 to index
        %get3A_584 = tpu.vector_load %arg8[%get3A_583] {strides = array<i32>} : memref<2000xi32, #tpu.memory_space<vmem>>, vector<16xi32>,
        %get3A_585 = vector.shape_cast %get3A_584 : vector<16xi32> to vector<16xi32>
        %add3A_586 = vector.broadcast %mul3A_0 : i32 to vector<16xi32>
        %add3A_587 = arith.addi %get3A_585, %add3A_586 : vector<16xi32>
        %swap3A_588 = arith.constant 0 : i32
        %swap3A_589 = arith.constant 0 : i32
        %swap3A_590 = tpu.memref_slice %arg10[%swap3A_588, %swap3A_589] : memref<2x80xi32, #tpu.memory_space<vmem>> -> memref<1x80xi32, #tpu.memory_space<vmem>>
        %swap3A_591 = tpu.memref_squeeze %swap3A_590 : memref<1x80xi32, #tpu.memory_space<vmem>> -> memref<80xi32, #tpu.memory_space<vmem>>
        %swap3A_592 = arith.constant 16 : index
        %swap3A_593 = tpu.vector_load %swap3A_591[%swap3A_592] {strides = array<i32>} : memref<80xi32, #tpu.memory_space<vmem>>, vector<16xi32>,
        %swap3A_594 = vector.shape_cast %swap3A_593 : vector<16xi32> to vector<16xi32>
        %swap3A_595 = vector.shape_cast %add3A_587 : vector<16xi32> to vector<16xi32>
        tpu.vector_store %swap3A_591[%swap3A_592], %swap3A_595 {strides = array<i32>} : memref<80xi32, #tpu.memory_space<vmem>>, vector<16xi32>,
        %get3A_596 = arith.index_cast %add3A_582 : i32 to index
        %get3A_597 = tpu.vector_load %arg9[%get3A_596] {strides = array<i32>} : memref<2000xi32, #tpu.memory_space<vmem>>, vector<16xi32>,
        %get3A_598 = vector.shape_cast %get3A_597 : vector<16xi32> to vector<16xi32>
        %add3A_599 = vector.broadcast %mul3A_0 : i32 to vector<16xi32>
        %add3A_600 = arith.addi %get3A_598, %add3A_599 : vector<16xi32>
        %swap3A_601 = arith.constant 0 : i32
        %swap3A_602 = arith.constant 0 : i32
        %swap3A_603 = tpu.memref_slice %arg11[%swap3A_601, %swap3A_602] : memref<2x80xi32, #tpu.memory_space<vmem>> -> memref<1x80xi32, #tpu.memory_space<vmem>>
        %swap3A_604 = tpu.memref_squeeze %swap3A_603 : memref<1x80xi32, #tpu.memory_space<vmem>> -> memref<80xi32, #tpu.memory_space<vmem>>
        %swap3A_605 = arith.constant 16 : index
        %swap3A_606 = tpu.vector_load %swap3A_604[%swap3A_605] {strides = array<i32>} : memref<80xi32, #tpu.memory_space<vmem>>, vector<16xi32>,
        %swap3A_607 = vector.shape_cast %swap3A_606 : vector<16xi32> to vector<16xi32>
        %swap3A_608 = vector.shape_cast %add3A_600 : vector<16xi32> to vector<16xi32>
        tpu.vector_store %swap3A_604[%swap3A_605], %swap3A_608 {strides = array<i32>} : memref<80xi32, #tpu.memory_space<vmem>>, vector<16xi32>,
        %swap3A_609 = arith.constant 0 : i32
        %swap3A_610 = arith.constant 0 : i32
        %swap3A_611 = tpu.memref_slice %arg12[%swap3A_609, %swap3A_610] : memref<2x80xi32, #tpu.memory_space<vmem>> -> memref<1x80xi32, #tpu.memory_space<vmem>>
        %swap3A_612 = tpu.memref_squeeze %swap3A_611 : memref<1x80xi32, #tpu.memory_space<vmem>> -> memref<80xi32, #tpu.memory_space<vmem>>
        %swap3A_613 = arith.constant 16 : index
        %swap3A_614 = tpu.vector_load %swap3A_612[%swap3A_613] {strides = array<i32>} : memref<80xi32, #tpu.memory_space<vmem>>, vector<16xi32>,
        %swap3A_615 = vector.shape_cast %swap3A_614 : vector<16xi32> to vector<16xi32>
        %swap3A_616 = vector.shape_cast %get3A_598 : vector<16xi32> to vector<16xi32>
        tpu.vector_store %swap3A_612[%swap3A_613], %swap3A_616 {strides = array<i32>} : memref<80xi32, #tpu.memory_space<vmem>>, vector<16xi32>,
        %add3A_617 = arith.constant 32 : i32
        %add3A_618 = arith.addi %mul3A_544, %add3A_617 : i32
        %get3A_619 = arith.index_cast %add3A_618 : i32 to index
        %get3A_620 = tpu.vector_load %arg8[%get3A_619] {strides = array<i32>} : memref<2000xi32, #tpu.memory_space<vmem>>, vector<16xi32>,
        %get3A_621 = vector.shape_cast %get3A_620 : vector<16xi32> to vector<16xi32>
        %add3A_622 = vector.broadcast %mul3A_0 : i32 to vector<16xi32>
        %add3A_623 = arith.addi %get3A_621, %add3A_622 : vector<16xi32>
        %swap3A_624 = arith.constant 0 : i32
        %swap3A_625 = arith.constant 0 : i32
        %swap3A_626 = tpu.memref_slice %arg10[%swap3A_624, %swap3A_625] : memref<2x80xi32, #tpu.memory_space<vmem>> -> memref<1x80xi32, #tpu.memory_space<vmem>>
        %swap3A_627 = tpu.memref_squeeze %swap3A_626 : memref<1x80xi32, #tpu.memory_space<vmem>> -> memref<80xi32, #tpu.memory_space<vmem>>
        %swap3A_628 = arith.constant 32 : index
        %swap3A_629 = tpu.vector_load %swap3A_627[%swap3A_628] {strides = array<i32>} : memref<80xi32, #tpu.memory_space<vmem>>, vector<16xi32>,
        %swap3A_630 = vector.shape_cast %swap3A_629 : vector<16xi32> to vector<16xi32>
        %swap3A_631 = vector.shape_cast %add3A_623 : vector<16xi32> to vector<16xi32>
        tpu.vector_store %swap3A_627[%swap3A_628], %swap3A_631 {strides = array<i32>} : memref<80xi32, #tpu.memory_space<vmem>>, vector<16xi32>,
        %get3A_632 = arith.index_cast %add3A_618 : i32 to index
        %get3A_633 = tpu.vector_load %arg9[%get3A_632] {strides = array<i32>} : memref<2000xi32, #tpu.memory_space<vmem>>, vector<16xi32>,
        %get3A_634 = vector.shape_cast %get3A_633 : vector<16xi32> to vector<16xi32>
        %add3A_635 = vector.broadcast %mul3A_0 : i32 to vector<16xi32>
        %add3A_636 = arith.addi %get3A_634, %add3A_635 : vector<16xi32>
        %swap3A_637 = arith.constant 0 : i32
        %swap3A_638 = arith.constant 0 : i32
        %swap3A_639 = tpu.memref_slice %arg11[%swap3A_637, %swap3A_638] : memref<2x80xi32, #tpu.memory_space<vmem>> -> memref<1x80xi32, #tpu.memory_space<vmem>>
        %swap3A_640 = tpu.memref_squeeze %swap3A_639 : memref<1x80xi32, #tpu.memory_space<vmem>> -> memref<80xi32, #tpu.memory_space<vmem>>
        %swap3A_641 = arith.constant 32 : index
        %swap3A_642 = tpu.vector_load %swap3A_640[%swap3A_641] {strides = array<i32>} : memref<80xi32, #tpu.memory_space<vmem>>, vector<16xi32>,
        %swap3A_643 = vector.shape_cast %swap3A_642 : vector<16xi32> to vector<16xi32>
        %swap3A_644 = vector.shape_cast %add3A_636 : vector<16xi32> to vector<16xi32>
        tpu.vector_store %swap3A_640[%swap3A_641], %swap3A_644 {strides = array<i32>} : memref<80xi32, #tpu.memory_space<vmem>>, vector<16xi32>,
        %swap3A_645 = arith.constant 0 : i32
        %swap3A_646 = arith.constant 0 : i32
        %swap3A_647 = tpu.memref_slice %arg12[%swap3A_645, %swap3A_646] : memref<2x80xi32, #tpu.memory_space<vmem>> -> memref<1x80xi32, #tpu.memory_space<vmem>>
        %swap3A_648 = tpu.memref_squeeze %swap3A_647 : memref<1x80xi32, #tpu.memory_space<vmem>> -> memref<80xi32, #tpu.memory_space<vmem>>
        %swap3A_649 = arith.constant 32 : index
        %swap3A_650 = tpu.vector_load %swap3A_648[%swap3A_649] {strides = array<i32>} : memref<80xi32, #tpu.memory_space<vmem>>, vector<16xi32>,
        %swap3A_651 = vector.shape_cast %swap3A_650 : vector<16xi32> to vector<16xi32>
        %swap3A_652 = vector.shape_cast %get3A_634 : vector<16xi32> to vector<16xi32>
        tpu.vector_store %swap3A_648[%swap3A_649], %swap3A_652 {strides = array<i32>} : memref<80xi32, #tpu.memory_space<vmem>>, vector<16xi32>,
        %add3A_653 = arith.constant 48 : i32
        %add3A_654 = arith.addi %mul3A_544, %add3A_653 : i32
        %get3A_655 = arith.index_cast %add3A_654 : i32 to index
        %get3A_656 = tpu.vector_load %arg8[%get3A_655] {strides = array<i32>} : memref<2000xi32, #tpu.memory_space<vmem>>, vector<16xi32>,
        %get3A_657 = vector.shape_cast %get3A_656 : vector<16xi32> to vector<16xi32>
        %add3A_658 = vector.broadcast %mul3A_0 : i32 to vector<16xi32>
        %add3A_659 = arith.addi %get3A_657, %add3A_658 : vector<16xi32>
        %swap3A_660 = arith.constant 0 : i32
        %swap3A_661 = arith.constant 0 : i32
        %swap3A_662 = tpu.memref_slice %arg10[%swap3A_660, %swap3A_661] : memref<2x80xi32, #tpu.memory_space<vmem>> -> memref<1x80xi32, #tpu.memory_space<vmem>>
        %swap3A_663 = tpu.memref_squeeze %swap3A_662 : memref<1x80xi32, #tpu.memory_space<vmem>> -> memref<80xi32, #tpu.memory_space<vmem>>
        %swap3A_664 = arith.constant 48 : index
        %swap3A_665 = tpu.vector_load %swap3A_663[%swap3A_664] {strides = array<i32>} : memref<80xi32, #tpu.memory_space<vmem>>, vector<16xi32>,
        %swap3A_666 = vector.shape_cast %swap3A_665 : vector<16xi32> to vector<16xi32>
        %swap3A_667 = vector.shape_cast %add3A_659 : vector<16xi32> to vector<16xi32>
        tpu.vector_store %swap3A_663[%swap3A_664], %swap3A_667 {strides = array<i32>} : memref<80xi32, #tpu.memory_space<vmem>>, vector<16xi32>,
        %get3A_668 = arith.index_cast %add3A_654 : i32 to index
        %get3A_669 = tpu.vector_load %arg9[%get3A_668] {strides = array<i32>} : memref<2000xi32, #tpu.memory_space<vmem>>, vector<16xi32>,
        %get3A_670 = vector.shape_cast %get3A_669 : vector<16xi32> to vector<16xi32>
        %add3A_671 = vector.broadcast %mul3A_0 : i32 to vector<16xi32>
        %add3A_672 = arith.addi %get3A_670, %add3A_671 : vector<16xi32>
        %swap3A_673 = arith.constant 0 : i32
        %swap3A_674 = arith.constant 0 : i32
        %swap3A_675 = tpu.memref_slice %arg11[%swap3A_673, %swap3A_674] : memref<2x80xi32, #tpu.memory_space<vmem>> -> memref<1x80xi32, #tpu.memory_space<vmem>>
        %swap3A_676 = tpu.memref_squeeze %swap3A_675 : memref<1x80xi32, #tpu.memory_space<vmem>> -> memref<80xi32, #tpu.memory_space<vmem>>
        %swap3A_677 = arith.constant 48 : index
        %swap3A_678 = tpu.vector_load %swap3A_676[%swap3A_677] {strides = array<i32>} : memref<80xi32, #tpu.memory_space<vmem>>, vector<16xi32>,
        %swap3A_679 = vector.shape_cast %swap3A_678 : vector<16xi32> to vector<16xi32>
        %swap3A_680 = vector.shape_cast %add3A_672 : vector<16xi32> to vector<16xi32>
        tpu.vector_store %swap3A_676[%swap3A_677], %swap3A_680 {strides = array<i32>} : memref<80xi32, #tpu.memory_space<vmem>>, vector<16xi32>,
        %swap3A_681 = arith.constant 0 : i32
        %swap3A_682 = arith.constant 0 : i32
        %swap3A_683 = tpu.memref_slice %arg12[%swap3A_681, %swap3A_682] : memref<2x80xi32, #tpu.memory_space<vmem>> -> memref<1x80xi32, #tpu.memory_space<vmem>>
        %swap3A_684 = tpu.memref_squeeze %swap3A_683 : memref<1x80xi32, #tpu.memory_space<vmem>> -> memref<80xi32, #tpu.memory_space<vmem>>
        %swap3A_685 = arith.constant 48 : index
        %swap3A_686 = tpu.vector_load %swap3A_684[%swap3A_685] {strides = array<i32>} : memref<80xi32, #tpu.memory_space<vmem>>, vector<16xi32>,
        %swap3A_687 = vector.shape_cast %swap3A_686 : vector<16xi32> to vector<16xi32>
        %swap3A_688 = vector.shape_cast %get3A_670 : vector<16xi32> to vector<16xi32>
        tpu.vector_store %swap3A_684[%swap3A_685], %swap3A_688 {strides = array<i32>} : memref<80xi32, #tpu.memory_space<vmem>>, vector<16xi32>,
        %add3A_689 = arith.constant 64 : i32
        %add3A_690 = arith.addi %mul3A_544, %add3A_689 : i32
        %get3A_691 = arith.index_cast %add3A_690 : i32 to index
        %get3A_692 = tpu.vector_load %arg8[%get3A_691] {strides = array<i32>} : memref<2000xi32, #tpu.memory_space<vmem>>, vector<16xi32>,
        %get3A_693 = vector.shape_cast %get3A_692 : vector<16xi32> to vector<16xi32>
        %add3A_694 = vector.broadcast %mul3A_0 : i32 to vector<16xi32>
        %add3A_695 = arith.addi %get3A_693, %add3A_694 : vector<16xi32>
        %swap3A_696 = arith.constant 0 : i32
        %swap3A_697 = arith.constant 0 : i32
        %swap3A_698 = tpu.memref_slice %arg10[%swap3A_696, %swap3A_697] : memref<2x80xi32, #tpu.memory_space<vmem>> -> memref<1x80xi32, #tpu.memory_space<vmem>>
        %swap3A_699 = tpu.memref_squeeze %swap3A_698 : memref<1x80xi32, #tpu.memory_space<vmem>> -> memref<80xi32, #tpu.memory_space<vmem>>
        %swap3A_700 = arith.constant 64 : index
        %swap3A_701 = tpu.vector_load %swap3A_699[%swap3A_700] {strides = array<i32>} : memref<80xi32, #tpu.memory_space<vmem>>, vector<16xi32>,
        %swap3A_702 = vector.shape_cast %swap3A_701 : vector<16xi32> to vector<16xi32>
        %swap3A_703 = vector.shape_cast %add3A_695 : vector<16xi32> to vector<16xi32>
        tpu.vector_store %swap3A_699[%swap3A_700], %swap3A_703 {strides = array<i32>} : memref<80xi32, #tpu.memory_space<vmem>>, vector<16xi32>,
        %get3A_704 = arith.index_cast %add3A_690 : i32 to index
        %get3A_705 = tpu.vector_load %arg9[%get3A_704] {strides = array<i32>} : memref<2000xi32, #tpu.memory_space<vmem>>, vector<16xi32>,
        %get3A_706 = vector.shape_cast %get3A_705 : vector<16xi32> to vector<16xi32>
        %add3A_707 = vector.broadcast %mul3A_0 : i32 to vector<16xi32>
        %add3A_708 = arith.addi %get3A_706, %add3A_707 : vector<16xi32>
        %swap3A_709 = arith.constant 0 : i32
        %swap3A_710 = arith.constant 0 : i32
        %swap3A_711 = tpu.memref_slice %arg11[%swap3A_709, %swap3A_710] : memref<2x80xi32, #tpu.memory_space<vmem>> -> memref<1x80xi32, #tpu.memory_space<vmem>>
        %swap3A_712 = tpu.memref_squeeze %swap3A_711 : memref<1x80xi32, #tpu.memory_space<vmem>> -> memref<80xi32, #tpu.memory_space<vmem>>
        %swap3A_713 = arith.constant 64 : index
        %swap3A_714 = tpu.vector_load %swap3A_712[%swap3A_713] {strides = array<i32>} : memref<80xi32, #tpu.memory_space<vmem>>, vector<16xi32>,
        %swap3A_715 = vector.shape_cast %swap3A_714 : vector<16xi32> to vector<16xi32>
        %swap3A_716 = vector.shape_cast %add3A_708 : vector<16xi32> to vector<16xi32>
        tpu.vector_store %swap3A_712[%swap3A_713], %swap3A_716 {strides = array<i32>} : memref<80xi32, #tpu.memory_space<vmem>>, vector<16xi32>,
        %swap3A_717 = arith.constant 0 : i32
        %swap3A_718 = arith.constant 0 : i32
        %swap3A_719 = tpu.memref_slice %arg12[%swap3A_717, %swap3A_718] : memref<2x80xi32, #tpu.memory_space<vmem>> -> memref<1x80xi32, #tpu.memory_space<vmem>>
        %swap3A_720 = tpu.memref_squeeze %swap3A_719 : memref<1x80xi32, #tpu.memory_space<vmem>> -> memref<80xi32, #tpu.memory_space<vmem>>
        %swap3A_721 = arith.constant 64 : index
        %swap3A_722 = tpu.vector_load %swap3A_720[%swap3A_721] {strides = array<i32>} : memref<80xi32, #tpu.memory_space<vmem>>, vector<16xi32>,
        %swap3A_723 = vector.shape_cast %swap3A_722 : vector<16xi32> to vector<16xi32>
        %swap3A_724 = vector.shape_cast %get3A_706 : vector<16xi32> to vector<16xi32>
        tpu.vector_store %swap3A_720[%swap3A_721], %swap3A_724 {strides = array<i32>} : memref<80xi32, #tpu.memory_space<vmem>>, vector<16xi32>,
        %dma_start3A_725 = arith.constant 0 : i32
        %dma_start3A_726 = arith.constant 0 : i32
        %dma_start3A_727 = arith.constant 0 : i32
        %dma_start3A_728 = arith.constant 0 : i32
        %dma_start3A_729 = tpu.memref_slice %arg13[%dma_start3A_726, %dma_start3A_727, %dma_start3A_728] : memref<2x80x128xf32, #tpu.memory_space<vmem>> -> memref<1x80x128xf32, #tpu.memory_space<vmem>>
        %dma_start3A_730 = tpu.memref_squeeze %dma_start3A_729 : memref<1x80x128xf32, #tpu.memory_space<vmem>> -> memref<80x128xf32, #tpu.memory_space<vmem>>
        %dma_start3A_731 = arith.constant 0 : i32
        %dma_start3A_732 = tpu.memref_slice %arg10[%dma_start3A_725, %dma_start3A_731] : memref<2x80xi32, #tpu.memory_space<vmem>> -> memref<1x80xi32, #tpu.memory_space<vmem>>
        %dma_start3A_733 = tpu.memref_squeeze %dma_start3A_732 : memref<1x80xi32, #tpu.memory_space<vmem>> -> memref<80xi32, #tpu.memory_space<vmem>>
        %dma_start3A_734 = arith.constant 0 : i32
        %dma_start3A_735 = arith.constant 0 : i32
        %dma_start3A_736 = tpu.memref_slice %arg2[%dma_start3A_734, %dma_start3A_735] : memref<20000x128xf32, #tpu.memory_space<hbm>> -> memref<20000x128xf32, #tpu.memory_space<hbm>>
        tpu.enqueue_indirect_dma source(%dma_start3A_736 : memref<20000x128xf32, #tpu.memory_space<hbm>>) target(%dma_start3A_730 : memref<80x128xf32, #tpu.memory_space<vmem>>) offsets(%dma_start3A_733 : memref<80xi32, #tpu.memory_space<vmem>>) semaphore(%arg16 : memref<!tpu.dma_semaphore, #tpu.memory_space<semaphore_mem>>)
        %dma_start3A_737 = arith.constant 0 : i32
        %dma_start3A_738 = arith.constant 0 : i32
        %dma_start3A_739 = arith.constant 0 : i32
        %dma_start3A_740 = arith.constant 0 : i32
        %dma_start3A_741 = tpu.memref_slice %arg14[%dma_start3A_738, %dma_start3A_739, %dma_start3A_740] : memref<2x80x128xf32, #tpu.memory_space<vmem>> -> memref<1x80x128xf32, #tpu.memory_space<vmem>>
        %dma_start3A_742 = tpu.memref_squeeze %dma_start3A_741 : memref<1x80x128xf32, #tpu.memory_space<vmem>> -> memref<80x128xf32, #tpu.memory_space<vmem>>
        %dma_start3A_743 = arith.constant 0 : i32
        %dma_start3A_744 = tpu.memref_slice %arg11[%dma_start3A_737, %dma_start3A_743] : memref<2x80xi32, #tpu.memory_space<vmem>> -> memref<1x80xi32, #tpu.memory_space<vmem>>
        %dma_start3A_745 = tpu.memref_squeeze %dma_start3A_744 : memref<1x80xi32, #tpu.memory_space<vmem>> -> memref<80xi32, #tpu.memory_space<vmem>>
        %dma_start3A_746 = arith.constant 0 : i32
        %dma_start3A_747 = arith.constant 0 : i32
        %dma_start3A_748 = tpu.memref_slice %arg3[%dma_start3A_746, %dma_start3A_747] : memref<20000x128xf32, #tpu.memory_space<hbm>> -> memref<20000x128xf32, #tpu.memory_space<hbm>>
        tpu.enqueue_indirect_dma source(%dma_start3A_748 : memref<20000x128xf32, #tpu.memory_space<hbm>>) target(%dma_start3A_742 : memref<80x128xf32, #tpu.memory_space<vmem>>) offsets(%dma_start3A_745 : memref<80xi32, #tpu.memory_space<vmem>>) semaphore(%arg16 : memref<!tpu.dma_semaphore, #tpu.memory_space<semaphore_mem>>)
      } else {
      }
      %mul3A_489 = arith.constant 2 : i32
      %mul3A_490 = arith.muli %mul3A_489, %scan3A_449 : i32
      %add3A_491 = arith.constant 1 : i32
      %add3A_492 = arith.addi %mul3A_490, %add3A_491 : i32
      %dma_wait3A_493 = arith.constant 1 : i32
      %dma_wait3A_494 = arith.constant 1 : i32
      %dma_wait3A_495 = arith.constant 0 : i32
      %dma_wait3A_496 = arith.constant 0 : i32
      %dma_wait3A_497 = tpu.memref_slice %arg13[%dma_wait3A_494, %dma_wait3A_495, %dma_wait3A_496] : memref<2x80x128xf32, #tpu.memory_space<vmem>> -> memref<1x80x128xf32, #tpu.memory_space<vmem>>
      %dma_wait3A_498 = tpu.memref_squeeze %dma_wait3A_497 : memref<1x80x128xf32, #tpu.memory_space<vmem>> -> memref<80x128xf32, #tpu.memory_space<vmem>>
      %dma_wait3A_499 = arith.constant 0 : i32
      %dma_wait3A_500 = tpu.memref_slice %arg10[%dma_wait3A_493, %dma_wait3A_499] : memref<2x80xi32, #tpu.memory_space<vmem>> -> memref<1x80xi32, #tpu.memory_space<vmem>>
      %dma_wait3A_501 = tpu.memref_squeeze %dma_wait3A_500 : memref<1x80xi32, #tpu.memory_space<vmem>> -> memref<80xi32, #tpu.memory_space<vmem>>
      %dma_wait3A_502 = arith.constant 0 : i32
      %dma_wait3A_503 = arith.constant 0 : i32
      %dma_wait3A_504 = tpu.memref_slice %arg2[%dma_wait3A_502, %dma_wait3A_503] : memref<20000x128xf32, #tpu.memory_space<hbm>> -> memref<20000x128xf32, #tpu.memory_space<hbm>>
      tpu.wait_indirect_dma semaphore(%arg17 : memref<!tpu.dma_semaphore, #tpu.memory_space<semaphore_mem>>) src(%dma_wait3A_504 : memref<20000x128xf32, #tpu.memory_space<hbm>>) dst(%dma_wait3A_498 : memref<80x128xf32, #tpu.memory_space<vmem>>)
      %dma_wait3A_505 = arith.constant 1 : i32
      %dma_wait3A_506 = arith.constant 1 : i32
      %dma_wait3A_507 = arith.constant 0 : i32
      %dma_wait3A_508 = arith.constant 0 : i32
      %dma_wait3A_509 = tpu.memref_slice %arg14[%dma_wait3A_506, %dma_wait3A_507, %dma_wait3A_508] : memref<2x80x128xf32, #tpu.memory_space<vmem>> -> memref<1x80x128xf32, #tpu.memory_space<vmem>>
      %dma_wait3A_510 = tpu.memref_squeeze %dma_wait3A_509 : memref<1x80x128xf32, #tpu.memory_space<vmem>> -> memref<80x128xf32, #tpu.memory_space<vmem>>
      %dma_wait3A_511 = arith.constant 0 : i32
      %dma_wait3A_512 = tpu.memref_slice %arg11[%dma_wait3A_505, %dma_wait3A_511] : memref<2x80xi32, #tpu.memory_space<vmem>> -> memref<1x80xi32, #tpu.memory_space<vmem>>
      %dma_wait3A_513 = tpu.memref_squeeze %dma_wait3A_512 : memref<1x80xi32, #tpu.memory_space<vmem>> -> memref<80xi32, #tpu.memory_space<vmem>>
      %dma_wait3A_514 = arith.constant 0 : i32
      %dma_wait3A_515 = arith.constant 0 : i32
      %dma_wait3A_516 = tpu.memref_slice %arg3[%dma_wait3A_514, %dma_wait3A_515] : memref<20000x128xf32, #tpu.memory_space<hbm>> -> memref<20000x128xf32, #tpu.memory_space<hbm>>
      tpu.wait_indirect_dma semaphore(%arg17 : memref<!tpu.dma_semaphore, #tpu.memory_space<semaphore_mem>>) src(%dma_wait3A_516 : memref<20000x128xf32, #tpu.memory_space<hbm>>) dst(%dma_wait3A_510 : memref<80x128xf32, #tpu.memory_space<vmem>>)
      %scan3A_517 = arith.constant 0 : i32
      %scan3A_518 = arith.constant 0 : i32
      %scan3A_519 = arith.constant 80 : i32
      %scan3A_520 = arith.addi %scan3A_518, %scan3A_519 : i32
      %scan3A_521 = arith.constant 1 : i32
      scf.for %scan3A_530 = %scan3A_518 to %scan3A_520 step %scan3A_521  : i32 {
        %get3A_531 = arith.constant 1 : i32
        %get3A_532 = arith.constant 0 : i32
        %get3A_533 = arith.constant 0 : i32
        %get3A_534 = tpu.memref_slice %arg13[%get3A_531, %get3A_532, %get3A_533] : memref<2x80x128xf32, #tpu.memory_space<vmem>> -> memref<1x80x128xf32, #tpu.memory_space<vmem>>
        %get3A_535 = tpu.memref_squeeze %get3A_534 : memref<1x80x128xf32, #tpu.memory_space<vmem>> -> memref<80x128xf32, #tpu.memory_space<vmem>>
        %get3A_536 = arith.index_cast %scan3A_530 : i32 to index
        %get3A_537 = arith.constant 0 : index
        %get3A_538 = tpu.vector_load %get3A_535[%get3A_536, %get3A_537] {strides = array<i32>} : memref<80x128xf32, #tpu.memory_space<vmem>>, vector<1x16xf32>,
        %get3A_539 = vector.shape_cast %get3A_538 : vector<1x16xf32> to vector<16xf32>
        %get3A_540 = arith.constant 1 : i32
        %get3A_541 = arith.constant 0 : i32
        %get3A_542 = arith.constant 0 : i32
        %get3A_543 = tpu.memref_slice %arg13[%get3A_540, %get3A_541, %get3A_542] : memref<2x80x128xf32, #tpu.memory_space<vmem>> -> memref<1x80x128xf32, #tpu.memory_space<vmem>>
        %get3A_544 = tpu.memref_squeeze %get3A_543 : memref<1x80x128xf32, #tpu.memory_space<vmem>> -> memref<80x128xf32, #tpu.memory_space<vmem>>
        %get3A_545 = arith.index_cast %scan3A_530 : i32 to index
        %get3A_546 = arith.constant 64 : index
        %get3A_547 = tpu.vector_load %get3A_544[%get3A_545, %get3A_546] {strides = array<i32>} : memref<80x128xf32, #tpu.memory_space<vmem>>, vector<1x16xf32>,
        %get3A_548 = vector.shape_cast %get3A_547 : vector<1x16xf32> to vector<16xf32>
        %get3A_549 = arith.constant 1 : i32
        %get3A_550 = arith.constant 0 : i32
        %get3A_551 = arith.constant 0 : i32
        %get3A_552 = tpu.memref_slice %arg14[%get3A_549, %get3A_550, %get3A_551] : memref<2x80x128xf32, #tpu.memory_space<vmem>> -> memref<1x80x128xf32, #tpu.memory_space<vmem>>
        %get3A_553 = tpu.memref_squeeze %get3A_552 : memref<1x80x128xf32, #tpu.memory_space<vmem>> -> memref<80x128xf32, #tpu.memory_space<vmem>>
        %get3A_554 = arith.index_cast %scan3A_530 : i32 to index
        %get3A_555 = arith.constant 0 : index
        %get3A_556 = tpu.vector_load %get3A_553[%get3A_554, %get3A_555] {strides = array<i32>} : memref<80x128xf32, #tpu.memory_space<vmem>>, vector<1x16xf32>,
        %get3A_557 = vector.shape_cast %get3A_556 : vector<1x16xf32> to vector<16xf32>
        %mul3A_558 = arith.mulf %get3A_548, %get3A_557 : vector<16xf32>
        %add3A_559 = arith.constant 1.000000e+00 : f32
        %add3A_560 = vector.broadcast %add3A_559 : f32 to vector<16xf32>
        %add3A_561 = arith.addf %add3A_560, %mul3A_558 : vector<16xf32>
        %div3A = arith.constant 1.000000e+00 : f32
        %div3A_562 = vector.broadcast %div3A : f32 to vector<16xf32>
        %div3A_563 = arith.divf %div3A_562, %add3A_561 : vector<16xf32>
        %mul3A_564 = arith.mulf %div3A_563, %get3A_539 : vector<16xf32>
        %swap3A_565 = arith.constant 1 : i32
        %swap3A_566 = arith.constant 0 : i32
        %swap3A_567 = arith.constant 0 : i32
        %swap3A_568 = tpu.memref_slice %arg13[%swap3A_565, %swap3A_566, %swap3A_567] : memref<2x80x128xf32, #tpu.memory_space<vmem>> -> memref<1x80x128xf32, #tpu.memory_space<vmem>>
        %swap3A_569 = tpu.memref_squeeze %swap3A_568 : memref<1x80x128xf32, #tpu.memory_space<vmem>> -> memref<80x128xf32, #tpu.memory_space<vmem>>
        %swap3A_570 = arith.index_cast %scan3A_530 : i32 to index
        %swap3A_571 = arith.constant 0 : index
        %swap3A_572 = tpu.vector_load %swap3A_569[%swap3A_570, %swap3A_571] {strides = array<i32>} : memref<80x128xf32, #tpu.memory_space<vmem>>, vector<1x16xf32>,
        %swap3A_573 = vector.shape_cast %swap3A_572 : vector<1x16xf32> to vector<16xf32>
        %swap3A_574 = vector.shape_cast %mul3A_564 : vector<16xf32> to vector<1x16xf32>
        tpu.vector_store %swap3A_569[%swap3A_570, %swap3A_571], %swap3A_574 {strides = array<i32>} : memref<80x128xf32, #tpu.memory_space<vmem>>, vector<1x16xf32>,
        %swap3A_575 = arith.constant 1 : i32
        %swap3A_576 = arith.constant 0 : i32
        %swap3A_577 = arith.constant 0 : i32
        %swap3A_578 = tpu.memref_slice %arg13[%swap3A_575, %swap3A_576, %swap3A_577] : memref<2x80x128xf32, #tpu.memory_space<vmem>> -> memref<1x80x128xf32, #tpu.memory_space<vmem>>
        %swap3A_579 = tpu.memref_squeeze %swap3A_578 : memref<1x80x128xf32, #tpu.memory_space<vmem>> -> memref<80x128xf32, #tpu.memory_space<vmem>>
        %swap3A_580 = arith.index_cast %scan3A_530 : i32 to index
        %swap3A_581 = arith.constant 64 : index
        %swap3A_582 = tpu.vector_load %swap3A_579[%swap3A_580, %swap3A_581] {strides = array<i32>} : memref<80x128xf32, #tpu.memory_space<vmem>>, vector<1x16xf32>,
        %swap3A_583 = vector.shape_cast %swap3A_582 : vector<1x16xf32> to vector<16xf32>
        %swap3A_584 = vector.shape_cast %div3A_563 : vector<16xf32> to vector<1x16xf32>
        tpu.vector_store %swap3A_579[%swap3A_580, %swap3A_581], %swap3A_584 {strides = array<i32>} : memref<80x128xf32, #tpu.memory_space<vmem>>, vector<1x16xf32>,
        %get3A_585 = arith.constant 1 : i32
        %get3A_586 = arith.constant 0 : i32
        %get3A_587 = arith.constant 0 : i32
        %get3A_588 = tpu.memref_slice %arg13[%get3A_585, %get3A_586, %get3A_587] : memref<2x80x128xf32, #tpu.memory_space<vmem>> -> memref<1x80x128xf32, #tpu.memory_space<vmem>>
        %get3A_589 = tpu.memref_squeeze %get3A_588 : memref<1x80x128xf32, #tpu.memory_space<vmem>> -> memref<80x128xf32, #tpu.memory_space<vmem>>
        %get3A_590 = arith.index_cast %scan3A_530 : i32 to index
        %get3A_591 = arith.constant 16 : index
        %get3A_592 = tpu.vector_load %get3A_589[%get3A_590, %get3A_591] {strides = array<i32>} : memref<80x128xf32, #tpu.memory_space<vmem>>, vector<1x16xf32>,
        %get3A_593 = vector.shape_cast %get3A_592 : vector<1x16xf32> to vector<16xf32>
        %get3A_594 = arith.constant 1 : i32
        %get3A_595 = arith.constant 0 : i32
        %get3A_596 = arith.constant 0 : i32
        %get3A_597 = tpu.memref_slice %arg13[%get3A_594, %get3A_595, %get3A_596] : memref<2x80x128xf32, #tpu.memory_space<vmem>> -> memref<1x80x128xf32, #tpu.memory_space<vmem>>
        %get3A_598 = tpu.memref_squeeze %get3A_597 : memref<1x80x128xf32, #tpu.memory_space<vmem>> -> memref<80x128xf32, #tpu.memory_space<vmem>>
        %get3A_599 = arith.index_cast %scan3A_530 : i32 to index
        %get3A_600 = arith.constant 80 : index
        %get3A_601 = tpu.vector_load %get3A_598[%get3A_599, %get3A_600] {strides = array<i32>} : memref<80x128xf32, #tpu.memory_space<vmem>>, vector<1x16xf32>,
        %get3A_602 = vector.shape_cast %get3A_601 : vector<1x16xf32> to vector<16xf32>
        %get3A_603 = arith.constant 1 : i32
        %get3A_604 = arith.constant 0 : i32
        %get3A_605 = arith.constant 0 : i32
        %get3A_606 = tpu.memref_slice %arg14[%get3A_603, %get3A_604, %get3A_605] : memref<2x80x128xf32, #tpu.memory_space<vmem>> -> memref<1x80x128xf32, #tpu.memory_space<vmem>>
        %get3A_607 = tpu.memref_squeeze %get3A_606 : memref<1x80x128xf32, #tpu.memory_space<vmem>> -> memref<80x128xf32, #tpu.memory_space<vmem>>
        %get3A_608 = arith.index_cast %scan3A_530 : i32 to index
        %get3A_609 = arith.constant 16 : index
        %get3A_610 = tpu.vector_load %get3A_607[%get3A_608, %get3A_609] {strides = array<i32>} : memref<80x128xf32, #tpu.memory_space<vmem>>, vector<1x16xf32>,
        %get3A_611 = vector.shape_cast %get3A_610 : vector<1x16xf32> to vector<16xf32>
        %mul3A_612 = arith.mulf %get3A_602, %get3A_611 : vector<16xf32>
        %add3A_613 = arith.constant 1.000000e+00 : f32
        %add3A_614 = vector.broadcast %add3A_613 : f32 to vector<16xf32>
        %add3A_615 = arith.addf %add3A_614, %mul3A_612 : vector<16xf32>
        %div3A_616 = arith.constant 1.000000e+00 : f32
        %div3A_617 = vector.broadcast %div3A_616 : f32 to vector<16xf32>
        %div3A_618 = arith.divf %div3A_617, %add3A_615 : vector<16xf32>
        %mul3A_619 = arith.mulf %div3A_618, %get3A_593 : vector<16xf32>
        %swap3A_620 = arith.constant 1 : i32
        %swap3A_621 = arith.constant 0 : i32
        %swap3A_622 = arith.constant 0 : i32
        %swap3A_623 = tpu.memref_slice %arg13[%swap3A_620, %swap3A_621, %swap3A_622] : memref<2x80x128xf32, #tpu.memory_space<vmem>> -> memref<1x80x128xf32, #tpu.memory_space<vmem>>
        %swap3A_624 = tpu.memref_squeeze %swap3A_623 : memref<1x80x128xf32, #tpu.memory_space<vmem>> -> memref<80x128xf32, #tpu.memory_space<vmem>>
        %swap3A_625 = arith.index_cast %scan3A_530 : i32 to index
        %swap3A_626 = arith.constant 16 : index
        %swap3A_627 = tpu.vector_load %swap3A_624[%swap3A_625, %swap3A_626] {strides = array<i32>} : memref<80x128xf32, #tpu.memory_space<vmem>>, vector<1x16xf32>,
        %swap3A_628 = vector.shape_cast %swap3A_627 : vector<1x16xf32> to vector<16xf32>
        %swap3A_629 = vector.shape_cast %mul3A_619 : vector<16xf32> to vector<1x16xf32>
        tpu.vector_store %swap3A_624[%swap3A_625, %swap3A_626], %swap3A_629 {strides = array<i32>} : memref<80x128xf32, #tpu.memory_space<vmem>>, vector<1x16xf32>,
        %swap3A_630 = arith.constant 1 : i32
        %swap3A_631 = arith.constant 0 : i32
        %swap3A_632 = arith.constant 0 : i32
        %swap3A_633 = tpu.memref_slice %arg13[%swap3A_630, %swap3A_631, %swap3A_632] : memref<2x80x128xf32, #tpu.memory_space<vmem>> -> memref<1x80x128xf32, #tpu.memory_space<vmem>>
        %swap3A_634 = tpu.memref_squeeze %swap3A_633 : memref<1x80x128xf32, #tpu.memory_space<vmem>> -> memref<80x128xf32, #tpu.memory_space<vmem>>
        %swap3A_635 = arith.index_cast %scan3A_530 : i32 to index
        %swap3A_636 = arith.constant 80 : index
        %swap3A_637 = tpu.vector_load %swap3A_634[%swap3A_635, %swap3A_636] {strides = array<i32>} : memref<80x128xf32, #tpu.memory_space<vmem>>, vector<1x16xf32>,
        %swap3A_638 = vector.shape_cast %swap3A_637 : vector<1x16xf32> to vector<16xf32>
        %swap3A_639 = vector.shape_cast %div3A_618 : vector<16xf32> to vector<1x16xf32>
        tpu.vector_store %swap3A_634[%swap3A_635, %swap3A_636], %swap3A_639 {strides = array<i32>} : memref<80x128xf32, #tpu.memory_space<vmem>>, vector<1x16xf32>,
        %get3A_640 = arith.constant 1 : i32
        %get3A_641 = arith.constant 0 : i32
        %get3A_642 = arith.constant 0 : i32
        %get3A_643 = tpu.memref_slice %arg13[%get3A_640, %get3A_641, %get3A_642] : memref<2x80x128xf32, #tpu.memory_space<vmem>> -> memref<1x80x128xf32, #tpu.memory_space<vmem>>
        %get3A_644 = tpu.memref_squeeze %get3A_643 : memref<1x80x128xf32, #tpu.memory_space<vmem>> -> memref<80x128xf32, #tpu.memory_space<vmem>>
        %get3A_645 = arith.index_cast %scan3A_530 : i32 to index
        %get3A_646 = arith.constant 32 : index
        %get3A_647 = tpu.vector_load %get3A_644[%get3A_645, %get3A_646] {strides = array<i32>} : memref<80x128xf32, #tpu.memory_space<vmem>>, vector<1x16xf32>,
        %get3A_648 = vector.shape_cast %get3A_647 : vector<1x16xf32> to vector<16xf32>
        %get3A_649 = arith.constant 1 : i32
        %get3A_650 = arith.constant 0 : i32
        %get3A_651 = arith.constant 0 : i32
        %get3A_652 = tpu.memref_slice %arg13[%get3A_649, %get3A_650, %get3A_651] : memref<2x80x128xf32, #tpu.memory_space<vmem>> -> memref<1x80x128xf32, #tpu.memory_space<vmem>>
        %get3A_653 = tpu.memref_squeeze %get3A_652 : memref<1x80x128xf32, #tpu.memory_space<vmem>> -> memref<80x128xf32, #tpu.memory_space<vmem>>
        %get3A_654 = arith.index_cast %scan3A_530 : i32 to index
        %get3A_655 = arith.constant 96 : index
        %get3A_656 = tpu.vector_load %get3A_653[%get3A_654, %get3A_655] {strides = array<i32>} : memref<80x128xf32, #tpu.memory_space<vmem>>, vector<1x16xf32>,
        %get3A_657 = vector.shape_cast %get3A_656 : vector<1x16xf32> to vector<16xf32>
        %get3A_658 = arith.constant 1 : i32
        %get3A_659 = arith.constant 0 : i32
        %get3A_660 = arith.constant 0 : i32
        %get3A_661 = tpu.memref_slice %arg14[%get3A_658, %get3A_659, %get3A_660] : memref<2x80x128xf32, #tpu.memory_space<vmem>> -> memref<1x80x128xf32, #tpu.memory_space<vmem>>
        %get3A_662 = tpu.memref_squeeze %get3A_661 : memref<1x80x128xf32, #tpu.memory_space<vmem>> -> memref<80x128xf32, #tpu.memory_space<vmem>>
        %get3A_663 = arith.index_cast %scan3A_530 : i32 to index
        %get3A_664 = arith.constant 32 : index
        %get3A_665 = tpu.vector_load %get3A_662[%get3A_663, %get3A_664] {strides = array<i32>} : memref<80x128xf32, #tpu.memory_space<vmem>>, vector<1x16xf32>,
        %get3A_666 = vector.shape_cast %get3A_665 : vector<1x16xf32> to vector<16xf32>
        %mul3A_667 = arith.mulf %get3A_657, %get3A_666 : vector<16xf32>
        %add3A_668 = arith.constant 1.000000e+00 : f32
        %add3A_669 = vector.broadcast %add3A_668 : f32 to vector<16xf32>
        %add3A_670 = arith.addf %add3A_669, %mul3A_667 : vector<16xf32>
        %div3A_671 = arith.constant 1.000000e+00 : f32
        %div3A_672 = vector.broadcast %div3A_671 : f32 to vector<16xf32>
        %div3A_673 = arith.divf %div3A_672, %add3A_670 : vector<16xf32>
        %mul3A_674 = arith.mulf %div3A_673, %get3A_648 : vector<16xf32>
        %swap3A_675 = arith.constant 1 : i32
        %swap3A_676 = arith.constant 0 : i32
        %swap3A_677 = arith.constant 0 : i32
        %swap3A_678 = tpu.memref_slice %arg13[%swap3A_675, %swap3A_676, %swap3A_677] : memref<2x80x128xf32, #tpu.memory_space<vmem>> -> memref<1x80x128xf32, #tpu.memory_space<vmem>>
        %swap3A_679 = tpu.memref_squeeze %swap3A_678 : memref<1x80x128xf32, #tpu.memory_space<vmem>> -> memref<80x128xf32, #tpu.memory_space<vmem>>
        %swap3A_680 = arith.index_cast %scan3A_530 : i32 to index
        %swap3A_681 = arith.constant 32 : index
        %swap3A_682 = tpu.vector_load %swap3A_679[%swap3A_680, %swap3A_681] {strides = array<i32>} : memref<80x128xf32, #tpu.memory_space<vmem>>, vector<1x16xf32>,
        %swap3A_683 = vector.shape_cast %swap3A_682 : vector<1x16xf32> to vector<16xf32>
        %swap3A_684 = vector.shape_cast %mul3A_674 : vector<16xf32> to vector<1x16xf32>
        tpu.vector_store %swap3A_679[%swap3A_680, %swap3A_681], %swap3A_684 {strides = array<i32>} : memref<80x128xf32, #tpu.memory_space<vmem>>, vector<1x16xf32>,
        %swap3A_685 = arith.constant 1 : i32
        %swap3A_686 = arith.constant 0 : i32
        %swap3A_687 = arith.constant 0 : i32
        %swap3A_688 = tpu.memref_slice %arg13[%swap3A_685, %swap3A_686, %swap3A_687] : memref<2x80x128xf32, #tpu.memory_space<vmem>> -> memref<1x80x128xf32, #tpu.memory_space<vmem>>
        %swap3A_689 = tpu.memref_squeeze %swap3A_688 : memref<1x80x128xf32, #tpu.memory_space<vmem>> -> memref<80x128xf32, #tpu.memory_space<vmem>>
        %swap3A_690 = arith.index_cast %scan3A_530 : i32 to index
        %swap3A_691 = arith.constant 96 : index
        %swap3A_692 = tpu.vector_load %swap3A_689[%swap3A_690, %swap3A_691] {strides = array<i32>} : memref<80x128xf32, #tpu.memory_space<vmem>>, vector<1x16xf32>,
        %swap3A_693 = vector.shape_cast %swap3A_692 : vector<1x16xf32> to vector<16xf32>
        %swap3A_694 = vector.shape_cast %div3A_673 : vector<16xf32> to vector<1x16xf32>
        tpu.vector_store %swap3A_689[%swap3A_690, %swap3A_691], %swap3A_694 {strides = array<i32>} : memref<80x128xf32, #tpu.memory_space<vmem>>, vector<1x16xf32>,
        %get3A_695 = arith.constant 1 : i32
        %get3A_696 = arith.constant 0 : i32
        %get3A_697 = arith.constant 0 : i32
        %get3A_698 = tpu.memref_slice %arg13[%get3A_695, %get3A_696, %get3A_697] : memref<2x80x128xf32, #tpu.memory_space<vmem>> -> memref<1x80x128xf32, #tpu.memory_space<vmem>>
        %get3A_699 = tpu.memref_squeeze %get3A_698 : memref<1x80x128xf32, #tpu.memory_space<vmem>> -> memref<80x128xf32, #tpu.memory_space<vmem>>
        %get3A_700 = arith.index_cast %scan3A_530 : i32 to index
        %get3A_701 = arith.constant 48 : index
        %get3A_702 = tpu.vector_load %get3A_699[%get3A_700, %get3A_701] {strides = array<i32>} : memref<80x128xf32, #tpu.memory_space<vmem>>, vector<1x16xf32>,
        %get3A_703 = vector.shape_cast %get3A_702 : vector<1x16xf32> to vector<16xf32>
        %get3A_704 = arith.constant 1 : i32
        %get3A_705 = arith.constant 0 : i32
        %get3A_706 = arith.constant 0 : i32
        %get3A_707 = tpu.memref_slice %arg13[%get3A_704, %get3A_705, %get3A_706] : memref<2x80x128xf32, #tpu.memory_space<vmem>> -> memref<1x80x128xf32, #tpu.memory_space<vmem>>
        %get3A_708 = tpu.memref_squeeze %get3A_707 : memref<1x80x128xf32, #tpu.memory_space<vmem>> -> memref<80x128xf32, #tpu.memory_space<vmem>>
        %get3A_709 = arith.index_cast %scan3A_530 : i32 to index
        %get3A_710 = arith.constant 112 : index
        %get3A_711 = tpu.vector_load %get3A_708[%get3A_709, %get3A_710] {strides = array<i32>} : memref<80x128xf32, #tpu.memory_space<vmem>>, vector<1x16xf32>,
        %get3A_712 = vector.shape_cast %get3A_711 : vector<1x16xf32> to vector<16xf32>
        %get3A_713 = arith.constant 1 : i32
        %get3A_714 = arith.constant 0 : i32
        %get3A_715 = arith.constant 0 : i32
        %get3A_716 = tpu.memref_slice %arg14[%get3A_713, %get3A_714, %get3A_715] : memref<2x80x128xf32, #tpu.memory_space<vmem>> -> memref<1x80x128xf32, #tpu.memory_space<vmem>>
        %get3A_717 = tpu.memref_squeeze %get3A_716 : memref<1x80x128xf32, #tpu.memory_space<vmem>> -> memref<80x128xf32, #tpu.memory_space<vmem>>
        %get3A_718 = arith.index_cast %scan3A_530 : i32 to index
        %get3A_719 = arith.constant 48 : index
        %get3A_720 = tpu.vector_load %get3A_717[%get3A_718, %get3A_719] {strides = array<i32>} : memref<80x128xf32, #tpu.memory_space<vmem>>, vector<1x16xf32>,
        %get3A_721 = vector.shape_cast %get3A_720 : vector<1x16xf32> to vector<16xf32>
        %mul3A_722 = arith.mulf %get3A_712, %get3A_721 : vector<16xf32>
        %add3A_723 = arith.constant 1.000000e+00 : f32
        %add3A_724 = vector.broadcast %add3A_723 : f32 to vector<16xf32>
        %add3A_725 = arith.addf %add3A_724, %mul3A_722 : vector<16xf32>
        %div3A_726 = arith.constant 1.000000e+00 : f32
        %div3A_727 = vector.broadcast %div3A_726 : f32 to vector<16xf32>
        %div3A_728 = arith.divf %div3A_727, %add3A_725 : vector<16xf32>
        %mul3A_729 = arith.mulf %div3A_728, %get3A_703 : vector<16xf32>
        %swap3A_730 = arith.constant 1 : i32
        %swap3A_731 = arith.constant 0 : i32
        %swap3A_732 = arith.constant 0 : i32
        %swap3A_733 = tpu.memref_slice %arg13[%swap3A_730, %swap3A_731, %swap3A_732] : memref<2x80x128xf32, #tpu.memory_space<vmem>> -> memref<1x80x128xf32, #tpu.memory_space<vmem>>
        %swap3A_734 = tpu.memref_squeeze %swap3A_733 : memref<1x80x128xf32, #tpu.memory_space<vmem>> -> memref<80x128xf32, #tpu.memory_space<vmem>>
        %swap3A_735 = arith.index_cast %scan3A_530 : i32 to index
        %swap3A_736 = arith.constant 48 : index
        %swap3A_737 = tpu.vector_load %swap3A_734[%swap3A_735, %swap3A_736] {strides = array<i32>} : memref<80x128xf32, #tpu.memory_space<vmem>>, vector<1x16xf32>,
        %swap3A_738 = vector.shape_cast %swap3A_737 : vector<1x16xf32> to vector<16xf32>
        %swap3A_739 = vector.shape_cast %mul3A_729 : vector<16xf32> to vector<1x16xf32>
        tpu.vector_store %swap3A_734[%swap3A_735, %swap3A_736], %swap3A_739 {strides = array<i32>} : memref<80x128xf32, #tpu.memory_space<vmem>>, vector<1x16xf32>,
        %swap3A_740 = arith.constant 1 : i32
        %swap3A_741 = arith.constant 0 : i32
        %swap3A_742 = arith.constant 0 : i32
        %swap3A_743 = tpu.memref_slice %arg13[%swap3A_740, %swap3A_741, %swap3A_742] : memref<2x80x128xf32, #tpu.memory_space<vmem>> -> memref<1x80x128xf32, #tpu.memory_space<vmem>>
        %swap3A_744 = tpu.memref_squeeze %swap3A_743 : memref<1x80x128xf32, #tpu.memory_space<vmem>> -> memref<80x128xf32, #tpu.memory_space<vmem>>
        %swap3A_745 = arith.index_cast %scan3A_530 : i32 to index
        %swap3A_746 = arith.constant 112 : index
        %swap3A_747 = tpu.vector_load %swap3A_744[%swap3A_745, %swap3A_746] {strides = array<i32>} : memref<80x128xf32, #tpu.memory_space<vmem>>, vector<1x16xf32>,
        %swap3A_748 = vector.shape_cast %swap3A_747 : vector<1x16xf32> to vector<16xf32>
        %swap3A_749 = vector.shape_cast %div3A_728 : vector<16xf32> to vector<1x16xf32>
        tpu.vector_store %swap3A_744[%swap3A_745, %swap3A_746], %swap3A_749 {strides = array<i32>} : memref<80x128xf32, #tpu.memory_space<vmem>>, vector<1x16xf32>,
      }
      %scan3A_522 = arith.constant 80 : i32
      %run_scoped3A_523 = arith.constant 1 : i32
      %run_scoped3A_524 = arith.constant 1 : i32
      "tpu.region"() ({
        %run_scoped3A_530 = tpu.sem_alloc : memref<!tpu.dma_semaphore, #tpu.memory_space<semaphore_mem>>
        %dma_start3A_531 = arith.constant 0 : i32
        %dma_start3A_532 = arith.constant 0 : i32
        %dma_start3A_533 = tpu.memref_slice %arg13[%run_scoped3A_523, %dma_start3A_531, %dma_start3A_532] : memref<2x80x128xf32, #tpu.memory_space<vmem>> -> memref<1x80x128xf32, #tpu.memory_space<vmem>>
        %dma_start3A_534 = tpu.memref_squeeze %dma_start3A_533 : memref<1x80x128xf32, #tpu.memory_space<vmem>> -> memref<80x128xf32, #tpu.memory_space<vmem>>
        %dma_start3A_535 = arith.constant 0 : i32
        %dma_start3A_536 = tpu.memref_slice %arg12[%run_scoped3A_524, %dma_start3A_535] : memref<2x80xi32, #tpu.memory_space<vmem>> -> memref<1x80xi32, #tpu.memory_space<vmem>>
        %dma_start3A_537 = tpu.memref_squeeze %dma_start3A_536 : memref<1x80xi32, #tpu.memory_space<vmem>> -> memref<80xi32, #tpu.memory_space<vmem>>
        %dma_start3A_538 = arith.constant 0 : i32
        %dma_start3A_539 = arith.constant 0 : i32
        %dma_start3A_540 = tpu.memref_slice %arg15[%dma_start3A_538, %dma_start3A_539] : memref<10000x128xf32, #tpu.memory_space<vmem_shared>> -> memref<10000x128xf32, #tpu.memory_space<vmem_shared>>
        tpu.enqueue_indirect_dma source(%dma_start3A_534 : memref<80x128xf32, #tpu.memory_space<vmem>>) target(%dma_start3A_540 : memref<10000x128xf32, #tpu.memory_space<vmem_shared>>) offsets(%dma_start3A_537 : memref<80xi32, #tpu.memory_space<vmem>>) semaphore(%run_scoped3A_530 : memref<!tpu.dma_semaphore, #tpu.memory_space<semaphore_mem>>) {add = true}
        %dma_wait3A_541 = arith.constant 0 : i32
        %dma_wait3A_542 = arith.constant 0 : i32
        %dma_wait3A_543 = tpu.memref_slice %arg13[%run_scoped3A_523, %dma_wait3A_541, %dma_wait3A_542] : memref<2x80x128xf32, #tpu.memory_space<vmem>> -> memref<1x80x128xf32, #tpu.memory_space<vmem>>
        %dma_wait3A_544 = tpu.memref_squeeze %dma_wait3A_543 : memref<1x80x128xf32, #tpu.memory_space<vmem>> -> memref<80x128xf32, #tpu.memory_space<vmem>>
        %dma_wait3A_545 = arith.constant 0 : i32
        %dma_wait3A_546 = tpu.memref_slice %arg12[%run_scoped3A_524, %dma_wait3A_545] : memref<2x80xi32, #tpu.memory_space<vmem>> -> memref<1x80xi32, #tpu.memory_space<vmem>>
        %dma_wait3A_547 = tpu.memref_squeeze %dma_wait3A_546 : memref<1x80xi32, #tpu.memory_space<vmem>> -> memref<80xi32, #tpu.memory_space<vmem>>
        %dma_wait3A_548 = arith.constant 0 : i32
        %dma_wait3A_549 = arith.constant 0 : i32
        %dma_wait3A_550 = tpu.memref_slice %arg15[%dma_wait3A_548, %dma_wait3A_549] : memref<10000x128xf32, #tpu.memory_space<vmem_shared>> -> memref<10000x128xf32, #tpu.memory_space<vmem_shared>>
        tpu.wait_indirect_dma semaphore(%run_scoped3A_530 : memref<!tpu.dma_semaphore, #tpu.memory_space<semaphore_mem>>) src(%dma_wait3A_544 : memref<80x128xf32, #tpu.memory_space<vmem>>) dst(%dma_wait3A_550 : memref<10000x128xf32, #tpu.memory_space<vmem_shared>>)
        tpu.yield
      }) : () -> ()
      %lt3A_525 = arith.constant 248 : i32
      %lt3A_526 = arith.cmpi slt, %add3A_492, %lt3A_525 : i32
      %convert_element_type3A_527 = arith.extui %lt3A_526 : i1 to i32
      %cond3A_528 = arith.constant 0 : i32
      %cond3A_529 = arith.cmpi ne, %convert_element_type3A_527, %cond3A_528 : i32
      scf.if %cond3A_529 {
        %add3A_530 = arith.constant 2 : i32
        %add3A_531 = arith.addi %add3A_492, %add3A_530 : i32
        %rem3A_532 = arith.constant 25 : i32
        %rem3A_533 = arith.remsi %add3A_531, %rem3A_532 : i32
        %eq3A_534 = arith.constant 0 : i32
        %eq3A_535 = arith.cmpi eq, %rem3A_533, %eq3A_534 : i32
        %convert_element_type3A_536 = arith.extui %eq3A_535 : i1 to i32
        %cond3A_537 = arith.constant 0 : i32
        %cond3A_538 = arith.cmpi ne, %convert_element_type3A_536, %cond3A_537 : i32
        scf.if %cond3A_538 {
          %add3A_749 = arith.constant 2 : i32
          %add3A_750 = arith.addi %add3A_492, %add3A_749 : i32
          %jit3A = arith.constant 25 : i32
          %div3A = arith.divsi %add3A_750, %jit3A : i32
          %sign3A = arith.constant 0 : i32
          %sign3A_751 = arith.cmpi sgt, %add3A_750, %sign3A : i32
          %sign3A_752 = arith.extui %sign3A_751 : i1 to i32
          %sign3A_753 = arith.constant 0 : i32
          %sign3A_754 = arith.cmpi slt, %add3A_750, %sign3A_753 : i32
          %sign3A_755 = arith.extui %sign3A_754 : i1 to i32
          %sign3A_756 = arith.subi %sign3A_752, %sign3A_755 : i32
          %sign3A_757 = arith.constant 0 : i32
          %sign3A_758 = arith.cmpi sgt, %jit3A, %sign3A_757 : i32
          %sign3A_759 = arith.extui %sign3A_758 : i1 to i32
          %sign3A_760 = arith.constant 0 : i32
          %sign3A_761 = arith.cmpi slt, %jit3A, %sign3A_760 : i32
          %sign3A_762 = arith.extui %sign3A_761 : i1 to i32
          %sign3A_763 = arith.subi %sign3A_759, %sign3A_762 : i32
          %ne3A = arith.cmpi ne, %sign3A_756, %sign3A_763 : i32
          %rem3A_764 = arith.remsi %add3A_750, %jit3A : i32
          %ne3A_765 = arith.constant 0 : i32
          %ne3A_766 = arith.cmpi ne, %rem3A_764, %ne3A_765 : i32
          %and3A = arith.andi %ne3A, %ne3A_766 : i1
          %sub3A = arith.constant 1 : i32
          %sub3A_767 = arith.subi %div3A, %sub3A : i32
          %select_n3A = arith.select %and3A, %sub3A_767, %div3A : i32
          %mul3A_768 = arith.constant 2000 : i32
          %mul3A_769 = arith.muli %select_n3A, %mul3A_768 : i32
          %add3A_770 = arith.addi %mul3A_16, %mul3A_769 : i32
          "tpu.region"() ({
            %run_scoped3A_771 = tpu.sem_alloc : memref<!tpu.dma_semaphore, #tpu.memory_space<semaphore_mem>>
            %dma_start3A_772 = tpu.memref_slice %arg4[%add3A_770] : memref<320000xi32, #tpu.memory_space<hbm>> -> memref<2000xi32, #tpu.memory_space<hbm>>
            %dma_start3A_773 = tpu.memref_slice %arg4[%add3A_770] : memref<320000xi32, #tpu.memory_space<hbm>> -> memref<2000xi32, #tpu.memory_space<hbm>>
            tpu.enqueue_dma source(%dma_start3A_773 : memref<2000xi32, #tpu.memory_space<hbm>>) target(%arg8 : memref<2000xi32, #tpu.memory_space<vmem>>) target_semaphore(%run_scoped3A_771 : memref<!tpu.dma_semaphore, #tpu.memory_space<semaphore_mem>>)
            %dma_wait3A_774 = tpu.memref_slice %arg4[%add3A_770] : memref<320000xi32, #tpu.memory_space<hbm>> -> memref<2000xi32, #tpu.memory_space<hbm>>
            %dma_wait3A_775 = tpu.memref_slice %arg4[%add3A_770] : memref<320000xi32, #tpu.memory_space<hbm>> -> memref<2000xi32, #tpu.memory_space<hbm>>
            tpu.wait_dma2 semaphore(%run_scoped3A_771 : memref<!tpu.dma_semaphore, #tpu.memory_space<semaphore_mem>>) src(%dma_wait3A_775 : memref<2000xi32, #tpu.memory_space<hbm>>) dst(%arg8 : memref<2000xi32, #tpu.memory_space<vmem>>)
            tpu.yield
          }) : () -> ()
          "tpu.region"() ({
            %run_scoped3A_771 = tpu.sem_alloc : memref<!tpu.dma_semaphore, #tpu.memory_space<semaphore_mem>>
            %dma_start3A_772 = tpu.memref_slice %arg5[%add3A_770] : memref<320000xi32, #tpu.memory_space<hbm>> -> memref<2000xi32, #tpu.memory_space<hbm>>
            %dma_start3A_773 = tpu.memref_slice %arg5[%add3A_770] : memref<320000xi32, #tpu.memory_space<hbm>> -> memref<2000xi32, #tpu.memory_space<hbm>>
            tpu.enqueue_dma source(%dma_start3A_773 : memref<2000xi32, #tpu.memory_space<hbm>>) target(%arg9 : memref<2000xi32, #tpu.memory_space<vmem>>) target_semaphore(%run_scoped3A_771 : memref<!tpu.dma_semaphore, #tpu.memory_space<semaphore_mem>>)
            %dma_wait3A_774 = tpu.memref_slice %arg5[%add3A_770] : memref<320000xi32, #tpu.memory_space<hbm>> -> memref<2000xi32, #tpu.memory_space<hbm>>
            %dma_wait3A_775 = tpu.memref_slice %arg5[%add3A_770] : memref<320000xi32, #tpu.memory_space<hbm>> -> memref<2000xi32, #tpu.memory_space<hbm>>
            tpu.wait_dma2 semaphore(%run_scoped3A_771 : memref<!tpu.dma_semaphore, #tpu.memory_space<semaphore_mem>>) src(%dma_wait3A_775 : memref<2000xi32, #tpu.memory_space<hbm>>) dst(%arg9 : memref<2000xi32, #tpu.memory_space<vmem>>)
            tpu.yield
          }) : () -> ()
        } else {
        }
        %add3A_539 = arith.constant 2 : i32
        %add3A_540 = arith.addi %add3A_492, %add3A_539 : i32
        %rem3A_541 = arith.constant 25 : i32
        %rem3A_542 = arith.remsi %add3A_540, %rem3A_541 : i32
        %mul3A_543 = arith.constant 80 : i32
        %mul3A_544 = arith.muli %rem3A_542, %mul3A_543 : i32
        %add3A_545 = arith.constant 0 : i32
        %add3A_546 = arith.addi %mul3A_544, %add3A_545 : i32
        %get3A_547 = arith.index_cast %add3A_546 : i32 to index
        %get3A_548 = tpu.vector_load %arg8[%get3A_547] {strides = array<i32>} : memref<2000xi32, #tpu.memory_space<vmem>>, vector<16xi32>,
        %get3A_549 = vector.shape_cast %get3A_548 : vector<16xi32> to vector<16xi32>
        %add3A_550 = vector.broadcast %mul3A_0 : i32 to vector<16xi32>
        %add3A_551 = arith.addi %get3A_549, %add3A_550 : vector<16xi32>
        %swap3A_552 = arith.constant 1 : i32
        %swap3A_553 = arith.constant 0 : i32
        %swap3A_554 = tpu.memref_slice %arg10[%swap3A_552, %swap3A_553] : memref<2x80xi32, #tpu.memory_space<vmem>> -> memref<1x80xi32, #tpu.memory_space<vmem>>
        %swap3A_555 = tpu.memref_squeeze %swap3A_554 : memref<1x80xi32, #tpu.memory_space<vmem>> -> memref<80xi32, #tpu.memory_space<vmem>>
        %swap3A_556 = arith.constant 0 : index
        %swap3A_557 = tpu.vector_load %swap3A_555[%swap3A_556] {strides = array<i32>} : memref<80xi32, #tpu.memory_space<vmem>>, vector<16xi32>,
        %swap3A_558 = vector.shape_cast %swap3A_557 : vector<16xi32> to vector<16xi32>
        %swap3A_559 = vector.shape_cast %add3A_551 : vector<16xi32> to vector<16xi32>
        tpu.vector_store %swap3A_555[%swap3A_556], %swap3A_559 {strides = array<i32>} : memref<80xi32, #tpu.memory_space<vmem>>, vector<16xi32>,
        %get3A_560 = arith.index_cast %add3A_546 : i32 to index
        %get3A_561 = tpu.vector_load %arg9[%get3A_560] {strides = array<i32>} : memref<2000xi32, #tpu.memory_space<vmem>>, vector<16xi32>,
        %get3A_562 = vector.shape_cast %get3A_561 : vector<16xi32> to vector<16xi32>
        %add3A_563 = vector.broadcast %mul3A_0 : i32 to vector<16xi32>
        %add3A_564 = arith.addi %get3A_562, %add3A_563 : vector<16xi32>
        %swap3A_565 = arith.constant 1 : i32
        %swap3A_566 = arith.constant 0 : i32
        %swap3A_567 = tpu.memref_slice %arg11[%swap3A_565, %swap3A_566] : memref<2x80xi32, #tpu.memory_space<vmem>> -> memref<1x80xi32, #tpu.memory_space<vmem>>
        %swap3A_568 = tpu.memref_squeeze %swap3A_567 : memref<1x80xi32, #tpu.memory_space<vmem>> -> memref<80xi32, #tpu.memory_space<vmem>>
        %swap3A_569 = arith.constant 0 : index
        %swap3A_570 = tpu.vector_load %swap3A_568[%swap3A_569] {strides = array<i32>} : memref<80xi32, #tpu.memory_space<vmem>>, vector<16xi32>,
        %swap3A_571 = vector.shape_cast %swap3A_570 : vector<16xi32> to vector<16xi32>
        %swap3A_572 = vector.shape_cast %add3A_564 : vector<16xi32> to vector<16xi32>
        tpu.vector_store %swap3A_568[%swap3A_569], %swap3A_572 {strides = array<i32>} : memref<80xi32, #tpu.memory_space<vmem>>, vector<16xi32>,
        %swap3A_573 = arith.constant 1 : i32
        %swap3A_574 = arith.constant 0 : i32
        %swap3A_575 = tpu.memref_slice %arg12[%swap3A_573, %swap3A_574] : memref<2x80xi32, #tpu.memory_space<vmem>> -> memref<1x80xi32, #tpu.memory_space<vmem>>
        %swap3A_576 = tpu.memref_squeeze %swap3A_575 : memref<1x80xi32, #tpu.memory_space<vmem>> -> memref<80xi32, #tpu.memory_space<vmem>>
        %swap3A_577 = arith.constant 0 : index
        %swap3A_578 = tpu.vector_load %swap3A_576[%swap3A_577] {strides = array<i32>} : memref<80xi32, #tpu.memory_space<vmem>>, vector<16xi32>,
        %swap3A_579 = vector.shape_cast %swap3A_578 : vector<16xi32> to vector<16xi32>
        %swap3A_580 = vector.shape_cast %get3A_562 : vector<16xi32> to vector<16xi32>
        tpu.vector_store %swap3A_576[%swap3A_577], %swap3A_580 {strides = array<i32>} : memref<80xi32, #tpu.memory_space<vmem>>, vector<16xi32>,
        %add3A_581 = arith.constant 16 : i32
        %add3A_582 = arith.addi %mul3A_544, %add3A_581 : i32
        %get3A_583 = arith.index_cast %add3A_582 : i32 to index
        %get3A_584 = tpu.vector_load %arg8[%get3A_583] {strides = array<i32>} : memref<2000xi32, #tpu.memory_space<vmem>>, vector<16xi32>,
        %get3A_585 = vector.shape_cast %get3A_584 : vector<16xi32> to vector<16xi32>
        %add3A_586 = vector.broadcast %mul3A_0 : i32 to vector<16xi32>
        %add3A_587 = arith.addi %get3A_585, %add3A_586 : vector<16xi32>
        %swap3A_588 = arith.constant 1 : i32
        %swap3A_589 = arith.constant 0 : i32
        %swap3A_590 = tpu.memref_slice %arg10[%swap3A_588, %swap3A_589] : memref<2x80xi32, #tpu.memory_space<vmem>> -> memref<1x80xi32, #tpu.memory_space<vmem>>
        %swap3A_591 = tpu.memref_squeeze %swap3A_590 : memref<1x80xi32, #tpu.memory_space<vmem>> -> memref<80xi32, #tpu.memory_space<vmem>>
        %swap3A_592 = arith.constant 16 : index
        %swap3A_593 = tpu.vector_load %swap3A_591[%swap3A_592] {strides = array<i32>} : memref<80xi32, #tpu.memory_space<vmem>>, vector<16xi32>,
        %swap3A_594 = vector.shape_cast %swap3A_593 : vector<16xi32> to vector<16xi32>
        %swap3A_595 = vector.shape_cast %add3A_587 : vector<16xi32> to vector<16xi32>
        tpu.vector_store %swap3A_591[%swap3A_592], %swap3A_595 {strides = array<i32>} : memref<80xi32, #tpu.memory_space<vmem>>, vector<16xi32>,
        %get3A_596 = arith.index_cast %add3A_582 : i32 to index
        %get3A_597 = tpu.vector_load %arg9[%get3A_596] {strides = array<i32>} : memref<2000xi32, #tpu.memory_space<vmem>>, vector<16xi32>,
        %get3A_598 = vector.shape_cast %get3A_597 : vector<16xi32> to vector<16xi32>
        %add3A_599 = vector.broadcast %mul3A_0 : i32 to vector<16xi32>
        %add3A_600 = arith.addi %get3A_598, %add3A_599 : vector<16xi32>
        %swap3A_601 = arith.constant 1 : i32
        %swap3A_602 = arith.constant 0 : i32
        %swap3A_603 = tpu.memref_slice %arg11[%swap3A_601, %swap3A_602] : memref<2x80xi32, #tpu.memory_space<vmem>> -> memref<1x80xi32, #tpu.memory_space<vmem>>
        %swap3A_604 = tpu.memref_squeeze %swap3A_603 : memref<1x80xi32, #tpu.memory_space<vmem>> -> memref<80xi32, #tpu.memory_space<vmem>>
        %swap3A_605 = arith.constant 16 : index
        %swap3A_606 = tpu.vector_load %swap3A_604[%swap3A_605] {strides = array<i32>} : memref<80xi32, #tpu.memory_space<vmem>>, vector<16xi32>,
        %swap3A_607 = vector.shape_cast %swap3A_606 : vector<16xi32> to vector<16xi32>
        %swap3A_608 = vector.shape_cast %add3A_600 : vector<16xi32> to vector<16xi32>
        tpu.vector_store %swap3A_604[%swap3A_605], %swap3A_608 {strides = array<i32>} : memref<80xi32, #tpu.memory_space<vmem>>, vector<16xi32>,
        %swap3A_609 = arith.constant 1 : i32
        %swap3A_610 = arith.constant 0 : i32
        %swap3A_611 = tpu.memref_slice %arg12[%swap3A_609, %swap3A_610] : memref<2x80xi32, #tpu.memory_space<vmem>> -> memref<1x80xi32, #tpu.memory_space<vmem>>
        %swap3A_612 = tpu.memref_squeeze %swap3A_611 : memref<1x80xi32, #tpu.memory_space<vmem>> -> memref<80xi32, #tpu.memory_space<vmem>>
        %swap3A_613 = arith.constant 16 : index
        %swap3A_614 = tpu.vector_load %swap3A_612[%swap3A_613] {strides = array<i32>} : memref<80xi32, #tpu.memory_space<vmem>>, vector<16xi32>,
        %swap3A_615 = vector.shape_cast %swap3A_614 : vector<16xi32> to vector<16xi32>
        %swap3A_616 = vector.shape_cast %get3A_598 : vector<16xi32> to vector<16xi32>
        tpu.vector_store %swap3A_612[%swap3A_613], %swap3A_616 {strides = array<i32>} : memref<80xi32, #tpu.memory_space<vmem>>, vector<16xi32>,
        %add3A_617 = arith.constant 32 : i32
        %add3A_618 = arith.addi %mul3A_544, %add3A_617 : i32
        %get3A_619 = arith.index_cast %add3A_618 : i32 to index
        %get3A_620 = tpu.vector_load %arg8[%get3A_619] {strides = array<i32>} : memref<2000xi32, #tpu.memory_space<vmem>>, vector<16xi32>,
        %get3A_621 = vector.shape_cast %get3A_620 : vector<16xi32> to vector<16xi32>
        %add3A_622 = vector.broadcast %mul3A_0 : i32 to vector<16xi32>
        %add3A_623 = arith.addi %get3A_621, %add3A_622 : vector<16xi32>
        %swap3A_624 = arith.constant 1 : i32
        %swap3A_625 = arith.constant 0 : i32
        %swap3A_626 = tpu.memref_slice %arg10[%swap3A_624, %swap3A_625] : memref<2x80xi32, #tpu.memory_space<vmem>> -> memref<1x80xi32, #tpu.memory_space<vmem>>
        %swap3A_627 = tpu.memref_squeeze %swap3A_626 : memref<1x80xi32, #tpu.memory_space<vmem>> -> memref<80xi32, #tpu.memory_space<vmem>>
        %swap3A_628 = arith.constant 32 : index
        %swap3A_629 = tpu.vector_load %swap3A_627[%swap3A_628] {strides = array<i32>} : memref<80xi32, #tpu.memory_space<vmem>>, vector<16xi32>,
        %swap3A_630 = vector.shape_cast %swap3A_629 : vector<16xi32> to vector<16xi32>
        %swap3A_631 = vector.shape_cast %add3A_623 : vector<16xi32> to vector<16xi32>
        tpu.vector_store %swap3A_627[%swap3A_628], %swap3A_631 {strides = array<i32>} : memref<80xi32, #tpu.memory_space<vmem>>, vector<16xi32>,
        %get3A_632 = arith.index_cast %add3A_618 : i32 to index
        %get3A_633 = tpu.vector_load %arg9[%get3A_632] {strides = array<i32>} : memref<2000xi32, #tpu.memory_space<vmem>>, vector<16xi32>,
        %get3A_634 = vector.shape_cast %get3A_633 : vector<16xi32> to vector<16xi32>
        %add3A_635 = vector.broadcast %mul3A_0 : i32 to vector<16xi32>
        %add3A_636 = arith.addi %get3A_634, %add3A_635 : vector<16xi32>
        %swap3A_637 = arith.constant 1 : i32
        %swap3A_638 = arith.constant 0 : i32
        %swap3A_639 = tpu.memref_slice %arg11[%swap3A_637, %swap3A_638] : memref<2x80xi32, #tpu.memory_space<vmem>> -> memref<1x80xi32, #tpu.memory_space<vmem>>
        %swap3A_640 = tpu.memref_squeeze %swap3A_639 : memref<1x80xi32, #tpu.memory_space<vmem>> -> memref<80xi32, #tpu.memory_space<vmem>>
        %swap3A_641 = arith.constant 32 : index
        %swap3A_642 = tpu.vector_load %swap3A_640[%swap3A_641] {strides = array<i32>} : memref<80xi32, #tpu.memory_space<vmem>>, vector<16xi32>,
        %swap3A_643 = vector.shape_cast %swap3A_642 : vector<16xi32> to vector<16xi32>
        %swap3A_644 = vector.shape_cast %add3A_636 : vector<16xi32> to vector<16xi32>
        tpu.vector_store %swap3A_640[%swap3A_641], %swap3A_644 {strides = array<i32>} : memref<80xi32, #tpu.memory_space<vmem>>, vector<16xi32>,
        %swap3A_645 = arith.constant 1 : i32
        %swap3A_646 = arith.constant 0 : i32
        %swap3A_647 = tpu.memref_slice %arg12[%swap3A_645, %swap3A_646] : memref<2x80xi32, #tpu.memory_space<vmem>> -> memref<1x80xi32, #tpu.memory_space<vmem>>
        %swap3A_648 = tpu.memref_squeeze %swap3A_647 : memref<1x80xi32, #tpu.memory_space<vmem>> -> memref<80xi32, #tpu.memory_space<vmem>>
        %swap3A_649 = arith.constant 32 : index
        %swap3A_650 = tpu.vector_load %swap3A_648[%swap3A_649] {strides = array<i32>} : memref<80xi32, #tpu.memory_space<vmem>>, vector<16xi32>,
        %swap3A_651 = vector.shape_cast %swap3A_650 : vector<16xi32> to vector<16xi32>
        %swap3A_652 = vector.shape_cast %get3A_634 : vector<16xi32> to vector<16xi32>
        tpu.vector_store %swap3A_648[%swap3A_649], %swap3A_652 {strides = array<i32>} : memref<80xi32, #tpu.memory_space<vmem>>, vector<16xi32>,
        %add3A_653 = arith.constant 48 : i32
        %add3A_654 = arith.addi %mul3A_544, %add3A_653 : i32
        %get3A_655 = arith.index_cast %add3A_654 : i32 to index
        %get3A_656 = tpu.vector_load %arg8[%get3A_655] {strides = array<i32>} : memref<2000xi32, #tpu.memory_space<vmem>>, vector<16xi32>,
        %get3A_657 = vector.shape_cast %get3A_656 : vector<16xi32> to vector<16xi32>
        %add3A_658 = vector.broadcast %mul3A_0 : i32 to vector<16xi32>
        %add3A_659 = arith.addi %get3A_657, %add3A_658 : vector<16xi32>
        %swap3A_660 = arith.constant 1 : i32
        %swap3A_661 = arith.constant 0 : i32
        %swap3A_662 = tpu.memref_slice %arg10[%swap3A_660, %swap3A_661] : memref<2x80xi32, #tpu.memory_space<vmem>> -> memref<1x80xi32, #tpu.memory_space<vmem>>
        %swap3A_663 = tpu.memref_squeeze %swap3A_662 : memref<1x80xi32, #tpu.memory_space<vmem>> -> memref<80xi32, #tpu.memory_space<vmem>>
        %swap3A_664 = arith.constant 48 : index
        %swap3A_665 = tpu.vector_load %swap3A_663[%swap3A_664] {strides = array<i32>} : memref<80xi32, #tpu.memory_space<vmem>>, vector<16xi32>,
        %swap3A_666 = vector.shape_cast %swap3A_665 : vector<16xi32> to vector<16xi32>
        %swap3A_667 = vector.shape_cast %add3A_659 : vector<16xi32> to vector<16xi32>
        tpu.vector_store %swap3A_663[%swap3A_664], %swap3A_667 {strides = array<i32>} : memref<80xi32, #tpu.memory_space<vmem>>, vector<16xi32>,
        %get3A_668 = arith.index_cast %add3A_654 : i32 to index
        %get3A_669 = tpu.vector_load %arg9[%get3A_668] {strides = array<i32>} : memref<2000xi32, #tpu.memory_space<vmem>>, vector<16xi32>,
        %get3A_670 = vector.shape_cast %get3A_669 : vector<16xi32> to vector<16xi32>
        %add3A_671 = vector.broadcast %mul3A_0 : i32 to vector<16xi32>
        %add3A_672 = arith.addi %get3A_670, %add3A_671 : vector<16xi32>
        %swap3A_673 = arith.constant 1 : i32
        %swap3A_674 = arith.constant 0 : i32
        %swap3A_675 = tpu.memref_slice %arg11[%swap3A_673, %swap3A_674] : memref<2x80xi32, #tpu.memory_space<vmem>> -> memref<1x80xi32, #tpu.memory_space<vmem>>
        %swap3A_676 = tpu.memref_squeeze %swap3A_675 : memref<1x80xi32, #tpu.memory_space<vmem>> -> memref<80xi32, #tpu.memory_space<vmem>>
        %swap3A_677 = arith.constant 48 : index
        %swap3A_678 = tpu.vector_load %swap3A_676[%swap3A_677] {strides = array<i32>} : memref<80xi32, #tpu.memory_space<vmem>>, vector<16xi32>,
        %swap3A_679 = vector.shape_cast %swap3A_678 : vector<16xi32> to vector<16xi32>
        %swap3A_680 = vector.shape_cast %add3A_672 : vector<16xi32> to vector<16xi32>
        tpu.vector_store %swap3A_676[%swap3A_677], %swap3A_680 {strides = array<i32>} : memref<80xi32, #tpu.memory_space<vmem>>, vector<16xi32>,
        %swap3A_681 = arith.constant 1 : i32
        %swap3A_682 = arith.constant 0 : i32
        %swap3A_683 = tpu.memref_slice %arg12[%swap3A_681, %swap3A_682] : memref<2x80xi32, #tpu.memory_space<vmem>> -> memref<1x80xi32, #tpu.memory_space<vmem>>
        %swap3A_684 = tpu.memref_squeeze %swap3A_683 : memref<1x80xi32, #tpu.memory_space<vmem>> -> memref<80xi32, #tpu.memory_space<vmem>>
        %swap3A_685 = arith.constant 48 : index
        %swap3A_686 = tpu.vector_load %swap3A_684[%swap3A_685] {strides = array<i32>} : memref<80xi32, #tpu.memory_space<vmem>>, vector<16xi32>,
        %swap3A_687 = vector.shape_cast %swap3A_686 : vector<16xi32> to vector<16xi32>
        %swap3A_688 = vector.shape_cast %get3A_670 : vector<16xi32> to vector<16xi32>
        tpu.vector_store %swap3A_684[%swap3A_685], %swap3A_688 {strides = array<i32>} : memref<80xi32, #tpu.memory_space<vmem>>, vector<16xi32>,
        %add3A_689 = arith.constant 64 : i32
        %add3A_690 = arith.addi %mul3A_544, %add3A_689 : i32
        %get3A_691 = arith.index_cast %add3A_690 : i32 to index
        %get3A_692 = tpu.vector_load %arg8[%get3A_691] {strides = array<i32>} : memref<2000xi32, #tpu.memory_space<vmem>>, vector<16xi32>,
        %get3A_693 = vector.shape_cast %get3A_692 : vector<16xi32> to vector<16xi32>
        %add3A_694 = vector.broadcast %mul3A_0 : i32 to vector<16xi32>
        %add3A_695 = arith.addi %get3A_693, %add3A_694 : vector<16xi32>
        %swap3A_696 = arith.constant 1 : i32
        %swap3A_697 = arith.constant 0 : i32
        %swap3A_698 = tpu.memref_slice %arg10[%swap3A_696, %swap3A_697] : memref<2x80xi32, #tpu.memory_space<vmem>> -> memref<1x80xi32, #tpu.memory_space<vmem>>
        %swap3A_699 = tpu.memref_squeeze %swap3A_698 : memref<1x80xi32, #tpu.memory_space<vmem>> -> memref<80xi32, #tpu.memory_space<vmem>>
        %swap3A_700 = arith.constant 64 : index
        %swap3A_701 = tpu.vector_load %swap3A_699[%swap3A_700] {strides = array<i32>} : memref<80xi32, #tpu.memory_space<vmem>>, vector<16xi32>,
        %swap3A_702 = vector.shape_cast %swap3A_701 : vector<16xi32> to vector<16xi32>
        %swap3A_703 = vector.shape_cast %add3A_695 : vector<16xi32> to vector<16xi32>
        tpu.vector_store %swap3A_699[%swap3A_700], %swap3A_703 {strides = array<i32>} : memref<80xi32, #tpu.memory_space<vmem>>, vector<16xi32>,
        %get3A_704 = arith.index_cast %add3A_690 : i32 to index
        %get3A_705 = tpu.vector_load %arg9[%get3A_704] {strides = array<i32>} : memref<2000xi32, #tpu.memory_space<vmem>>, vector<16xi32>,
        %get3A_706 = vector.shape_cast %get3A_705 : vector<16xi32> to vector<16xi32>
        %add3A_707 = vector.broadcast %mul3A_0 : i32 to vector<16xi32>
        %add3A_708 = arith.addi %get3A_706, %add3A_707 : vector<16xi32>
        %swap3A_709 = arith.constant 1 : i32
        %swap3A_710 = arith.constant 0 : i32
        %swap3A_711 = tpu.memref_slice %arg11[%swap3A_709, %swap3A_710] : memref<2x80xi32, #tpu.memory_space<vmem>> -> memref<1x80xi32, #tpu.memory_space<vmem>>
        %swap3A_712 = tpu.memref_squeeze %swap3A_711 : memref<1x80xi32, #tpu.memory_space<vmem>> -> memref<80xi32, #tpu.memory_space<vmem>>
        %swap3A_713 = arith.constant 64 : index
        %swap3A_714 = tpu.vector_load %swap3A_712[%swap3A_713] {strides = array<i32>} : memref<80xi32, #tpu.memory_space<vmem>>, vector<16xi32>,
        %swap3A_715 = vector.shape_cast %swap3A_714 : vector<16xi32> to vector<16xi32>
        %swap3A_716 = vector.shape_cast %add3A_708 : vector<16xi32> to vector<16xi32>
        tpu.vector_store %swap3A_712[%swap3A_713], %swap3A_716 {strides = array<i32>} : memref<80xi32, #tpu.memory_space<vmem>>, vector<16xi32>,
        %swap3A_717 = arith.constant 1 : i32
        %swap3A_718 = arith.constant 0 : i32
        %swap3A_719 = tpu.memref_slice %arg12[%swap3A_717, %swap3A_718] : memref<2x80xi32, #tpu.memory_space<vmem>> -> memref<1x80xi32, #tpu.memory_space<vmem>>
        %swap3A_720 = tpu.memref_squeeze %swap3A_719 : memref<1x80xi32, #tpu.memory_space<vmem>> -> memref<80xi32, #tpu.memory_space<vmem>>
        %swap3A_721 = arith.constant 64 : index
        %swap3A_722 = tpu.vector_load %swap3A_720[%swap3A_721] {strides = array<i32>} : memref<80xi32, #tpu.memory_space<vmem>>, vector<16xi32>,
        %swap3A_723 = vector.shape_cast %swap3A_722 : vector<16xi32> to vector<16xi32>
        %swap3A_724 = vector.shape_cast %get3A_706 : vector<16xi32> to vector<16xi32>
        tpu.vector_store %swap3A_720[%swap3A_721], %swap3A_724 {strides = array<i32>} : memref<80xi32, #tpu.memory_space<vmem>>, vector<16xi32>,
        %dma_start3A_725 = arith.constant 1 : i32
        %dma_start3A_726 = arith.constant 1 : i32
        %dma_start3A_727 = arith.constant 0 : i32
        %dma_start3A_728 = arith.constant 0 : i32
        %dma_start3A_729 = tpu.memref_slice %arg13[%dma_start3A_726, %dma_start3A_727, %dma_start3A_728] : memref<2x80x128xf32, #tpu.memory_space<vmem>> -> memref<1x80x128xf32, #tpu.memory_space<vmem>>
        %dma_start3A_730 = tpu.memref_squeeze %dma_start3A_729 : memref<1x80x128xf32, #tpu.memory_space<vmem>> -> memref<80x128xf32, #tpu.memory_space<vmem>>
        %dma_start3A_731 = arith.constant 0 : i32
        %dma_start3A_732 = tpu.memref_slice %arg10[%dma_start3A_725, %dma_start3A_731] : memref<2x80xi32, #tpu.memory_space<vmem>> -> memref<1x80xi32, #tpu.memory_space<vmem>>
        %dma_start3A_733 = tpu.memref_squeeze %dma_start3A_732 : memref<1x80xi32, #tpu.memory_space<vmem>> -> memref<80xi32, #tpu.memory_space<vmem>>
        %dma_start3A_734 = arith.constant 0 : i32
        %dma_start3A_735 = arith.constant 0 : i32
        %dma_start3A_736 = tpu.memref_slice %arg2[%dma_start3A_734, %dma_start3A_735] : memref<20000x128xf32, #tpu.memory_space<hbm>> -> memref<20000x128xf32, #tpu.memory_space<hbm>>
        tpu.enqueue_indirect_dma source(%dma_start3A_736 : memref<20000x128xf32, #tpu.memory_space<hbm>>) target(%dma_start3A_730 : memref<80x128xf32, #tpu.memory_space<vmem>>) offsets(%dma_start3A_733 : memref<80xi32, #tpu.memory_space<vmem>>) semaphore(%arg17 : memref<!tpu.dma_semaphore, #tpu.memory_space<semaphore_mem>>)
        %dma_start3A_737 = arith.constant 1 : i32
        %dma_start3A_738 = arith.constant 1 : i32
        %dma_start3A_739 = arith.constant 0 : i32
        %dma_start3A_740 = arith.constant 0 : i32
        %dma_start3A_741 = tpu.memref_slice %arg14[%dma_start3A_738, %dma_start3A_739, %dma_start3A_740] : memref<2x80x128xf32, #tpu.memory_space<vmem>> -> memref<1x80x128xf32, #tpu.memory_space<vmem>>
        %dma_start3A_742 = tpu.memref_squeeze %dma_start3A_741 : memref<1x80x128xf32, #tpu.memory_space<vmem>> -> memref<80x128xf32, #tpu.memory_space<vmem>>
        %dma_start3A_743 = arith.constant 0 : i32
        %dma_start3A_744 = tpu.memref_slice %arg11[%dma_start3A_737, %dma_start3A_743] : memref<2x80xi32, #tpu.memory_space<vmem>> -> memref<1x80xi32, #tpu.memory_space<vmem>>
        %dma_start3A_745 = tpu.memref_squeeze %dma_start3A_744 : memref<1x80xi32, #tpu.memory_space<vmem>> -> memref<80xi32, #tpu.memory_space<vmem>>
        %dma_start3A_746 = arith.constant 0 : i32
        %dma_start3A_747 = arith.constant 0 : i32
        %dma_start3A_748 = tpu.memref_slice %arg3[%dma_start3A_746, %dma_start3A_747] : memref<20000x128xf32, #tpu.memory_space<hbm>> -> memref<20000x128xf32, #tpu.memory_space<hbm>>
        tpu.enqueue_indirect_dma source(%dma_start3A_748 : memref<20000x128xf32, #tpu.memory_space<hbm>>) target(%dma_start3A_742 : memref<80x128xf32, #tpu.memory_space<vmem>>) offsets(%dma_start3A_745 : memref<80xi32, #tpu.memory_space<vmem>>) semaphore(%arg17 : memref<!tpu.dma_semaphore, #tpu.memory_space<semaphore_mem>>)
      } else {
      }
    }
    %scan3A_437 = arith.constant 125 : i32
    %barrier3A_438 = arith.constant 0 : index
    tpu.barrier barrier_id(%barrier3A_438)
    %eq3A_439 = arith.constant 0 : i32
    %eq3A_440 = arith.cmpi eq, %arg0, %eq3A_439 : i32
    %convert_element_type3A_441 = arith.extui %eq3A_440 : i1 to i32
    %cond3A_442 = arith.constant 0 : i32
    %cond3A_443 = arith.cmpi ne, %convert_element_type3A_441, %cond3A_442 : i32
    scf.if %cond3A_443 {
      %lt3A_449 = arith.constant 15 : i32
      %lt3A_450 = arith.cmpi slt, %arg1, %lt3A_449 : i32
      %convert_element_type3A_451 = arith.extui %lt3A_450 : i1 to i32
      %cond3A_452 = arith.constant 0 : i32
      %cond3A_453 = arith.cmpi ne, %convert_element_type3A_451, %cond3A_452 : i32
      scf.if %cond3A_453 {
        "tpu.region"() ({
          %run_scoped3A = tpu.sem_alloc : memref<!tpu.dma_semaphore, #tpu.memory_space<semaphore_mem>>
          %dma_start3A_459 = arith.constant 0 : i32
          %dma_start3A_460 = tpu.memref_slice %arg6[%mul3A_2, %dma_start3A_459] : memref<10000x128xf32, #tpu.memory_space<hbm>> -> memref<632x128xf32, #tpu.memory_space<hbm>>
          %dma_start3A_461 = arith.constant 0 : i32
          %dma_start3A_462 = tpu.memref_slice %arg15[%mul3A_2, %dma_start3A_461] : memref<10000x128xf32, #tpu.memory_space<vmem_shared>> -> memref<632x128xf32, #tpu.memory_space<vmem_shared>>
          tpu.enqueue_dma source(%dma_start3A_462 : memref<632x128xf32, #tpu.memory_space<vmem_shared>>) target(%dma_start3A_460 : memref<632x128xf32, #tpu.memory_space<hbm>>) target_semaphore(%run_scoped3A : memref<!tpu.dma_semaphore, #tpu.memory_space<semaphore_mem>>)
          %dma_wait3A = arith.constant 0 : i32
          %dma_wait3A_463 = tpu.memref_slice %arg6[%mul3A_2, %dma_wait3A] : memref<10000x128xf32, #tpu.memory_space<hbm>> -> memref<632x128xf32, #tpu.memory_space<hbm>>
          %dma_wait3A_464 = arith.constant 0 : i32
          %dma_wait3A_465 = tpu.memref_slice %arg15[%mul3A_2, %dma_wait3A_464] : memref<10000x128xf32, #tpu.memory_space<vmem_shared>> -> memref<632x128xf32, #tpu.memory_space<vmem_shared>>
          tpu.wait_dma2 semaphore(%run_scoped3A : memref<!tpu.dma_semaphore, #tpu.memory_space<semaphore_mem>>) src(%dma_wait3A_465 : memref<632x128xf32, #tpu.memory_space<vmem_shared>>) dst(%dma_wait3A_463 : memref<632x128xf32, #tpu.memory_space<hbm>>)
          tpu.yield
        }) : () -> ()
      } else {
      }
      %eq3A_454 = arith.constant 15 : i32
      %eq3A_455 = arith.cmpi eq, %arg1, %eq3A_454 : i32
      %convert_element_type3A_456 = arith.extui %eq3A_455 : i1 to i32
      %cond3A_457 = arith.constant 0 : i32
      %cond3A_458 = arith.cmpi ne, %convert_element_type3A_456, %cond3A_457 : i32
      scf.if %cond3A_458 {
        "tpu.region"() ({
          %run_scoped3A = tpu.sem_alloc : memref<!tpu.dma_semaphore, #tpu.memory_space<semaphore_mem>>
          %dma_start3A_459 = arith.constant 0 : i32
          %dma_start3A_460 = tpu.memref_slice %arg6[%mul3A_2, %dma_start3A_459] : memref<10000x128xf32, #tpu.memory_space<hbm>> -> memref<520x128xf32, #tpu.memory_space<hbm>>
          %dma_start3A_461 = arith.constant 0 : i32
          %dma_start3A_462 = tpu.memref_slice %arg15[%mul3A_2, %dma_start3A_461] : memref<10000x128xf32, #tpu.memory_space<vmem_shared>> -> memref<520x128xf32, #tpu.memory_space<vmem_shared>>
          tpu.enqueue_dma source(%dma_start3A_462 : memref<520x128xf32, #tpu.memory_space<vmem_shared>>) target(%dma_start3A_460 : memref<520x128xf32, #tpu.memory_space<hbm>>) target_semaphore(%run_scoped3A : memref<!tpu.dma_semaphore, #tpu.memory_space<semaphore_mem>>)
          %dma_wait3A = arith.constant 0 : i32
          %dma_wait3A_463 = tpu.memref_slice %arg6[%mul3A_2, %dma_wait3A] : memref<10000x128xf32, #tpu.memory_space<hbm>> -> memref<520x128xf32, #tpu.memory_space<hbm>>
          %dma_wait3A_464 = arith.constant 0 : i32
          %dma_wait3A_465 = tpu.memref_slice %arg15[%mul3A_2, %dma_wait3A_464] : memref<10000x128xf32, #tpu.memory_space<vmem_shared>> -> memref<520x128xf32, #tpu.memory_space<vmem_shared>>
          tpu.wait_dma2 semaphore(%run_scoped3A : memref<!tpu.dma_semaphore, #tpu.memory_space<semaphore_mem>>) src(%dma_wait3A_465 : memref<520x128xf32, #tpu.memory_space<vmem_shared>>) dst(%dma_wait3A_463 : memref<520x128xf32, #tpu.memory_space<hbm>>)
          tpu.yield
        }) : () -> ()
      } else {
      }
    } else {
    }
    %eq3A_444 = arith.constant 1 : i32
    %eq3A_445 = arith.cmpi eq, %arg0, %eq3A_444 : i32
    %convert_element_type3A_446 = arith.extui %eq3A_445 : i1 to i32
    %cond3A_447 = arith.constant 0 : i32
    %cond3A_448 = arith.cmpi ne, %convert_element_type3A_446, %cond3A_447 : i32
    scf.if %cond3A_448 {
      %lt3A_449 = arith.constant 15 : i32
      %lt3A_450 = arith.cmpi slt, %arg1, %lt3A_449 : i32
      %convert_element_type3A_451 = arith.extui %lt3A_450 : i1 to i32
      %cond3A_452 = arith.constant 0 : i32
      %cond3A_453 = arith.cmpi ne, %convert_element_type3A_451, %cond3A_452 : i32
      scf.if %cond3A_453 {
        "tpu.region"() ({
          %run_scoped3A = tpu.sem_alloc : memref<!tpu.dma_semaphore, #tpu.memory_space<semaphore_mem>>
          %dma_start3A_459 = arith.constant 0 : i32
          %dma_start3A_460 = tpu.memref_slice %arg7[%mul3A_2, %dma_start3A_459] : memref<10000x128xf32, #tpu.memory_space<hbm>> -> memref<632x128xf32, #tpu.memory_space<hbm>>
          %dma_start3A_461 = arith.constant 0 : i32
          %dma_start3A_462 = tpu.memref_slice %arg15[%mul3A_2, %dma_start3A_461] : memref<10000x128xf32, #tpu.memory_space<vmem_shared>> -> memref<632x128xf32, #tpu.memory_space<vmem_shared>>
          tpu.enqueue_dma source(%dma_start3A_462 : memref<632x128xf32, #tpu.memory_space<vmem_shared>>) target(%dma_start3A_460 : memref<632x128xf32, #tpu.memory_space<hbm>>) target_semaphore(%run_scoped3A : memref<!tpu.dma_semaphore, #tpu.memory_space<semaphore_mem>>)
          %dma_wait3A = arith.constant 0 : i32
          %dma_wait3A_463 = tpu.memref_slice %arg7[%mul3A_2, %dma_wait3A] : memref<10000x128xf32, #tpu.memory_space<hbm>> -> memref<632x128xf32, #tpu.memory_space<hbm>>
          %dma_wait3A_464 = arith.constant 0 : i32
          %dma_wait3A_465 = tpu.memref_slice %arg15[%mul3A_2, %dma_wait3A_464] : memref<10000x128xf32, #tpu.memory_space<vmem_shared>> -> memref<632x128xf32, #tpu.memory_space<vmem_shared>>
          tpu.wait_dma2 semaphore(%run_scoped3A : memref<!tpu.dma_semaphore, #tpu.memory_space<semaphore_mem>>) src(%dma_wait3A_465 : memref<632x128xf32, #tpu.memory_space<vmem_shared>>) dst(%dma_wait3A_463 : memref<632x128xf32, #tpu.memory_space<hbm>>)
          tpu.yield
        }) : () -> ()
      } else {
      }
      %eq3A_454 = arith.constant 15 : i32
      %eq3A_455 = arith.cmpi eq, %arg1, %eq3A_454 : i32
      %convert_element_type3A_456 = arith.extui %eq3A_455 : i1 to i32
      %cond3A_457 = arith.constant 0 : i32
      %cond3A_458 = arith.cmpi ne, %convert_element_type3A_456, %cond3A_457 : i32
      scf.if %cond3A_458 {
        "tpu.region"() ({
          %run_scoped3A = tpu.sem_alloc : memref<!tpu.dma_semaphore, #tpu.memory_space<semaphore_mem>>
          %dma_start3A_459 = arith.constant 0 : i32
          %dma_start3A_460 = tpu.memref_slice %arg7[%mul3A_2, %dma_start3A_459] : memref<10000x128xf32, #tpu.memory_space<hbm>> -> memref<520x128xf32, #tpu.memory_space<hbm>>
          %dma_start3A_461 = arith.constant 0 : i32
          %dma_start3A_462 = tpu.memref_slice %arg15[%mul3A_2, %dma_start3A_461] : memref<10000x128xf32, #tpu.memory_space<vmem_shared>> -> memref<520x128xf32, #tpu.memory_space<vmem_shared>>
          tpu.enqueue_dma source(%dma_start3A_462 : memref<520x128xf32, #tpu.memory_space<vmem_shared>>) target(%dma_start3A_460 : memref<520x128xf32, #tpu.memory_space<hbm>>) target_semaphore(%run_scoped3A : memref<!tpu.dma_semaphore, #tpu.memory_space<semaphore_mem>>)
          %dma_wait3A = arith.constant 0 : i32
          %dma_wait3A_463 = tpu.memref_slice %arg7[%mul3A_2, %dma_wait3A] : memref<10000x128xf32, #tpu.memory_space<hbm>> -> memref<520x128xf32, #tpu.memory_space<hbm>>
          %dma_wait3A_464 = arith.constant 0 : i32
          %dma_wait3A_465 = tpu.memref_slice %arg15[%mul3A_2, %dma_wait3A_464] : memref<10000x128xf32, #tpu.memory_space<vmem_shared>> -> memref<520x128xf32, #tpu.memory_space<vmem_shared>>
          tpu.wait_dma2 semaphore(%run_scoped3A : memref<!tpu.dma_semaphore, #tpu.memory_space<semaphore_mem>>) src(%dma_wait3A_465 : memref<520x128xf32, #tpu.memory_space<vmem_shared>>) dst(%dma_wait3A_463 : memref<520x128xf32, #tpu.memory_space<hbm>>)
          tpu.yield
        }) : () -> ()
      } else {
      }
    } else {
    }
    return
  }
}

module attributes {stable_mosaic.version = 14 : i64} {
  func.func @_mm_body(%arg0: i32, %arg1: memref<1000x128xf32, #tpu.memory_space<vmem>>, %arg2: memref<1000x1xf32, #tpu.memory_space<vmem>>, %arg3: memref<128x512xf32, #tpu.memory_space<vmem>>, %arg4: memref<1x512xf32, #tpu.memory_space<vmem>>, %arg5: memref<1000x128xf32, #tpu.memory_space<vmem>>, %arg6: memref<2x1000x128xf32, #tpu.memory_space<vmem>>, %arg7: memref<2x1000x128xf32, #tpu.memory_space<vmem>>) attributes {dimension_semantics = [#tpu.dimension_semantics<arbitrary>], iteration_bounds = array<i64: 10>, scalar_prefetch = 0 : i64, scratch_operands = 0 : i64, tpu.core_type = #tpu.core_type<tc>, window_params = [{transform_indices = @transform_0, window_bounds = array<i64: 1000, 128>}, {transform_indices = @transform_1, window_bounds = array<i64: 1000, 1>}, {pipeline_mode = #tpu.pipeline_mode<synchronous>, transform_indices = @transform_2, window_bounds = array<i64: 128, 512>}, {pipeline_mode = #tpu.pipeline_mode<synchronous>, transform_indices = @transform_3, window_bounds = array<i64: 1, 512>}, {transform_indices = @transform_4, window_bounds = array<i64: 1000, 128>}, {transform_indices = @transform_5, window_bounds = array<i64: 2, 1000, 128>}, {transform_indices = @transform_6, window_bounds = array<i64: 2, 1000, 128>}]} {
    %get3A = arith.constant 0 : index
    %get3A_0 = arith.constant 0 : index
    %get3A_1 = vector.load %arg1[%get3A, %get3A_0] : memref<1000x128xf32, #tpu.memory_space<vmem>>, vector<1000x128xf32>
    %get3A_2 = arith.constant 0 : index
    %get3A_3 = arith.constant 0 : index
    %get3A_4 = vector.load %arg2[%get3A_2, %get3A_3] : memref<1000x1xf32, #tpu.memory_space<vmem>>, vector<1000x1xf32>
    %mul3A = vector.broadcast %get3A_4 : vector<1000x1xf32> to vector<1000x128xf32>
    %mul3A_5 = arith.mulf %get3A_1, %mul3A : vector<1000x128xf32>
    %get3A_6 = arith.constant 0 : index
    %get3A_7 = arith.constant 0 : index
    %get3A_8 = vector.load %arg3[%get3A_6, %get3A_7] : memref<128x512xf32, #tpu.memory_space<vmem>>, vector<128x512xf32>
    %dot_general3A = arith.constant dense<0.000000e+00> : vector<1000x512xf32>
    %dot_general3A_9 = tpu.matmul %mul3A_5, %get3A_8, %dot_general3A {dimension_numbers = #tpu.dot_dimension_numbers<[1], [0], [0], [1], [0, 0, 1, 1], [], []>, transpose_lhs_hint = false} : vector<1000x128xf32>, vector<128x512xf32>, vector<1000x512xf32> -> vector<1000x512xf32>
    %get3A_10 = arith.constant 0 : index
    %get3A_11 = arith.constant 0 : index
    %get3A_12 = vector.load %arg4[%get3A_10, %get3A_11] : memref<1x512xf32, #tpu.memory_space<vmem>>, vector<1x512xf32>
    %add3A = vector.broadcast %get3A_12 : vector<1x512xf32> to vector<1000x512xf32>
    %add3A_13 = arith.addf %dot_general3A_9, %add3A : vector<1000x512xf32>
    %slice3A = vector.extract_strided_slice %add3A_13 {offsets = [0, 0], sizes = [1000, 128], strides = [1, 1]} : vector<1000x512xf32> to vector<1000x128xf32>
    %swap3A = arith.constant 0 : index
    %swap3A_14 = arith.constant 0 : index
    %swap3A_15 = vector.load %arg5[%swap3A, %swap3A_14] : memref<1000x128xf32, #tpu.memory_space<vmem>>, vector<1000x128xf32>
    tpu.vector_store %arg5[%swap3A, %swap3A_14], %slice3A {strides = array<i32>} : memref<1000x128xf32, #tpu.memory_space<vmem>>, vector<1000x128xf32>,
    %slice3A_16 = vector.extract_strided_slice %add3A_13 {offsets = [0, 128], sizes = [1000, 128], strides = [1, 1]} : vector<1000x512xf32> to vector<1000x128xf32>
    %slice3A_17 = vector.extract_strided_slice %add3A_13 {offsets = [0, 256], sizes = [1000, 128], strides = [1, 1]} : vector<1000x512xf32> to vector<1000x128xf32>
    %neg3A = arith.constant 0.000000e+00 : f32
    %neg3A_18 = vector.broadcast %neg3A : f32 to vector<1000x128xf32>
    %neg3A_19 = arith.subf %neg3A_18, %slice3A_17 : vector<1000x128xf32>
    %exp3A = math.exp %neg3A_19 : vector<1000x128xf32>
    %slice3A_20 = vector.extract_strided_slice %add3A_13 {offsets = [0, 384], sizes = [1000, 128], strides = [1, 1]} : vector<1000x512xf32> to vector<1000x128xf32>
    %neg3A_21 = arith.constant 0.000000e+00 : f32
    %neg3A_22 = vector.broadcast %neg3A_21 : f32 to vector<1000x128xf32>
    %neg3A_23 = arith.subf %neg3A_22, %slice3A_20 : vector<1000x128xf32>
    %exp3A_24 = math.exp %neg3A_23 : vector<1000x128xf32>
    %slice3A_25 = vector.extract_strided_slice %slice3A_16 {offsets = [0, 0], sizes = [1000, 64], strides = [1, 1]} : vector<1000x128xf32> to vector<1000x64xf32>
    %slice3A_26 = vector.extract_strided_slice %exp3A {offsets = [0, 0], sizes = [1000, 64], strides = [1, 1]} : vector<1000x128xf32> to vector<1000x64xf32>
    %concatenate3A = tpu.concatenate %slice3A_25, %slice3A_26 in 1 : vector<1000x64xf32>, vector<1000x64xf32> -> vector<1000x128xf32>
    %swap3A_27 = arith.constant 0 : index
    %swap3A_28 = arith.constant 0 : index
    %swap3A_29 = arith.constant 0 : index
    %swap3A_30 = vector.load %arg6[%swap3A_27, %swap3A_28, %swap3A_29] : memref<2x1000x128xf32, #tpu.memory_space<vmem>>, vector<1x1000x128xf32>
    %swap3A_31 = vector.shape_cast %swap3A_30 : vector<1x1000x128xf32> to vector<1000x128xf32>
    %swap3A_32 = vector.shape_cast %concatenate3A : vector<1000x128xf32> to vector<1x1000x128xf32>
    tpu.vector_store %arg6[%swap3A_27, %swap3A_28, %swap3A_29], %swap3A_32 {strides = array<i32>} : memref<2x1000x128xf32, #tpu.memory_space<vmem>>, vector<1x1000x128xf32>,
    %slice3A_33 = vector.extract_strided_slice %slice3A_16 {offsets = [0, 64], sizes = [1000, 64], strides = [1, 1]} : vector<1000x128xf32> to vector<1000x64xf32>
    %slice3A_34 = vector.extract_strided_slice %exp3A {offsets = [0, 64], sizes = [1000, 64], strides = [1, 1]} : vector<1000x128xf32> to vector<1000x64xf32>
    %concatenate3A_35 = tpu.concatenate %slice3A_33, %slice3A_34 in 1 : vector<1000x64xf32>, vector<1000x64xf32> -> vector<1000x128xf32>
    %swap3A_36 = arith.constant 1 : index
    %swap3A_37 = arith.constant 0 : index
    %swap3A_38 = arith.constant 0 : index
    %swap3A_39 = vector.load %arg6[%swap3A_36, %swap3A_37, %swap3A_38] : memref<2x1000x128xf32, #tpu.memory_space<vmem>>, vector<1x1000x128xf32>
    %swap3A_40 = vector.shape_cast %swap3A_39 : vector<1x1000x128xf32> to vector<1000x128xf32>
    %swap3A_41 = vector.shape_cast %concatenate3A_35 : vector<1000x128xf32> to vector<1x1000x128xf32>
    tpu.vector_store %arg6[%swap3A_36, %swap3A_37, %swap3A_38], %swap3A_41 {strides = array<i32>} : memref<2x1000x128xf32, #tpu.memory_space<vmem>>, vector<1x1000x128xf32>,
    %swap3A_42 = arith.constant 0 : index
    %swap3A_43 = arith.constant 0 : index
    %swap3A_44 = arith.constant 0 : index
    %swap3A_45 = vector.load %arg7[%swap3A_42, %swap3A_43, %swap3A_44] : memref<2x1000x128xf32, #tpu.memory_space<vmem>>, vector<1x1000x128xf32>
    %swap3A_46 = vector.shape_cast %swap3A_45 : vector<1x1000x128xf32> to vector<1000x128xf32>
    %swap3A_47 = vector.shape_cast %exp3A_24 : vector<1000x128xf32> to vector<1x1000x128xf32>
    tpu.vector_store %arg7[%swap3A_42, %swap3A_43, %swap3A_44], %swap3A_47 {strides = array<i32>} : memref<2x1000x128xf32, #tpu.memory_space<vmem>>, vector<1x1000x128xf32>,
    %slice3A_48 = vector.extract_strided_slice %exp3A_24 {offsets = [0, 64], sizes = [1000, 64], strides = [1, 1]} : vector<1000x128xf32> to vector<1000x64xf32>
    %slice3A_49 = vector.extract_strided_slice %exp3A_24 {offsets = [0, 0], sizes = [1000, 64], strides = [1, 1]} : vector<1000x128xf32> to vector<1000x64xf32>
    %concatenate3A_50 = tpu.concatenate %slice3A_48, %slice3A_49 in 1 : vector<1000x64xf32>, vector<1000x64xf32> -> vector<1000x128xf32>
    %swap3A_51 = arith.constant 1 : index
    %swap3A_52 = arith.constant 0 : index
    %swap3A_53 = arith.constant 0 : index
    %swap3A_54 = vector.load %arg7[%swap3A_51, %swap3A_52, %swap3A_53] : memref<2x1000x128xf32, #tpu.memory_space<vmem>>, vector<1x1000x128xf32>
    %swap3A_55 = vector.shape_cast %swap3A_54 : vector<1x1000x128xf32> to vector<1000x128xf32>
    %swap3A_56 = vector.shape_cast %concatenate3A_50 : vector<1000x128xf32> to vector<1x1000x128xf32>
    tpu.vector_store %arg7[%swap3A_51, %swap3A_52, %swap3A_53], %swap3A_56 {strides = array<i32>} : memref<2x1000x128xf32, #tpu.memory_space<vmem>>, vector<1x1000x128xf32>,
    return
  }
  func.func @transform_0(%arg0: i32) -> (i32, i32) {
    %c0_i32 = arith.constant 0 : i32
    %c0_i32_0 = arith.constant 0 : i32
    return %arg0, %c0_i32 : i32, i32
  }
  func.func @transform_1(%arg0: i32) -> (i32, i32) {
    %c0_i32 = arith.constant 0 : i32
    %c0_i32_0 = arith.constant 0 : i32
    return %arg0, %c0_i32 : i32, i32
  }
  func.func @transform_2(%arg0: i32) -> (i32, i32) {
    %c0_i32 = arith.constant 0 : i32
    %c0_i32_0 = arith.constant 0 : i32
    %c0_i32_1 = arith.constant 0 : i32
    return %c0_i32, %c0_i32_0 : i32, i32
  }
  func.func @transform_3(%arg0: i32) -> (i32, i32) {
    %c0_i32 = arith.constant 0 : i32
    %c0_i32_0 = arith.constant 0 : i32
    %c0_i32_1 = arith.constant 0 : i32
    return %c0_i32, %c0_i32_0 : i32, i32
  }
  func.func @transform_4(%arg0: i32) -> (i32, i32) {
    %c0_i32 = arith.constant 0 : i32
    %c0_i32_0 = arith.constant 0 : i32
    return %arg0, %c0_i32 : i32, i32
  }
  func.func @transform_5(%arg0: i32) -> (i32, i32, i32) {
    %c0_i32 = arith.constant 0 : i32
    %c0_i32_0 = arith.constant 0 : i32
    %c0_i32_1 = arith.constant 0 : i32
    return %c0_i32, %arg0, %c0_i32_0 : i32, i32, i32
  }
  func.func @transform_6(%arg0: i32) -> (i32, i32, i32) {
    %c0_i32 = arith.constant 0 : i32
    %c0_i32_0 = arith.constant 0 : i32
    %c0_i32_1 = arith.constant 0 : i32
    return %c0_i32, %arg0, %c0_i32_0 : i32, i32, i32
  }
}

module attributes {stable_mosaic.version = 14 : i64} {
  func.func @_fin_body(%arg0: i32, %arg1: i32, %arg2: memref<1000x128xf32, #tpu.memory_space<vmem>>, %arg3: memref<1000x128xf32, #tpu.memory_space<vmem>>, %arg4: memref<1000x128xf32, #tpu.memory_space<vmem>>, %arg5: memref<1000x1xf32, #tpu.memory_space<vmem>>, %arg6: memref<1000x128xf32, #tpu.memory_space<vmem>>, %arg7: memref<1x128xf32, #tpu.memory_space<vmem>>, %arg8: memref<1x128xf32, #tpu.memory_space<vmem>>, %arg9: memref<1000x128xf32, #tpu.memory_space<vmem>>, %arg10: memref<10000x128xf32, #tpu.memory_space<vmem>>, %arg11: memref<1x128xf32, #tpu.memory_space<vmem>>, %arg12: memref<1x128xf32, #tpu.memory_space<vmem>>) attributes {dimension_semantics = [#tpu.dimension_semantics<arbitrary>, #tpu.dimension_semantics<arbitrary>], iteration_bounds = array<i64: 2, 10>, scalar_prefetch = 0 : i64, scratch_operands = 3 : i64, tpu.core_type = #tpu.core_type<tc>, window_params = [{transform_indices = @transform_0, window_bounds = array<i64: 1000, 128>}, {transform_indices = @transform_1, window_bounds = array<i64: 1000, 128>}, {transform_indices = @transform_2, window_bounds = array<i64: 1000, 128>}, {transform_indices = @transform_3, window_bounds = array<i64: 1000, 1>}, {transform_indices = @transform_4, window_bounds = array<i64: 1000, 128>}, {pipeline_mode = #tpu.pipeline_mode<synchronous>, transform_indices = @transform_5, window_bounds = array<i64: 1, 128>}, {pipeline_mode = #tpu.pipeline_mode<synchronous>, transform_indices = @transform_6, window_bounds = array<i64: 1, 128>}, {transform_indices = @transform_7, window_bounds = array<i64: 1000, 128>}]} {
    %eq3A = arith.constant 0 : i32
    %eq3A_0 = arith.cmpi eq, %arg0, %eq3A : i32
    %convert_element_type3A = arith.extui %eq3A_0 : i1 to i32
    %cond3A = arith.constant 0 : i32
    %cond3A_1 = arith.cmpi ne, %convert_element_type3A, %cond3A : i32
    scf.if %cond3A_1 {
      %get3A = arith.constant 0 : index
      %get3A_7 = arith.constant 0 : index
      %get3A_8 = vector.load %arg3[%get3A, %get3A_7] : memref<1000x128xf32, #tpu.memory_space<vmem>>, vector<1000x64xf32>
      %get3A_9 = arith.constant 0 : index
      %get3A_10 = arith.constant 0 : index
      %get3A_11 = vector.load %arg4[%get3A_9, %get3A_10] : memref<1000x128xf32, #tpu.memory_space<vmem>>, vector<1000x64xf32>
      %concatenate3A = tpu.concatenate %get3A_8, %get3A_11 in 1 : vector<1000x64xf32>, vector<1000x64xf32> -> vector<1000x128xf32>
      %get3A_12 = arith.constant 0 : index
      %get3A_13 = arith.constant 64 : index
      %get3A_14 = vector.load %arg3[%get3A_12, %get3A_13] : memref<1000x128xf32, #tpu.memory_space<vmem>>, vector<1000x64xf32>
      %get3A_15 = arith.constant 0 : index
      %get3A_16 = arith.constant 64 : index
      %get3A_17 = vector.load %arg4[%get3A_15, %get3A_16] : memref<1000x128xf32, #tpu.memory_space<vmem>>, vector<1000x64xf32>
      %concatenate3A_18 = tpu.concatenate %get3A_14, %get3A_17 in 1 : vector<1000x64xf32>, vector<1000x64xf32> -> vector<1000x128xf32>
      %get3A_19 = arith.constant 0 : index
      %get3A_20 = arith.constant 0 : index
      %get3A_21 = vector.load %arg2[%get3A_19, %get3A_20] : memref<1000x128xf32, #tpu.memory_space<vmem>>, vector<1000x128xf32>
      %add3A = arith.constant 9.99999997E-7 : f32
      %add3A_22 = vector.broadcast %add3A : f32 to vector<1000x128xf32>
      %add3A_23 = arith.addf %concatenate3A_18, %add3A_22 : vector<1000x128xf32>
      %div3A = arith.divf %concatenate3A, %add3A_23 : vector<1000x128xf32>
      %add3A_24 = arith.addf %get3A_21, %div3A : vector<1000x128xf32>
      %get3A_25 = arith.constant 0 : index
      %get3A_26 = arith.constant 0 : index
      %get3A_27 = vector.load %arg5[%get3A_25, %get3A_26] : memref<1000x1xf32, #tpu.memory_space<vmem>>, vector<1000x1xf32>
      %mul3A = vector.broadcast %get3A_27 : vector<1000x1xf32> to vector<1000x128xf32>
      %mul3A_28 = arith.mulf %add3A_24, %mul3A : vector<1000x128xf32>
      %mul3A_29 = arith.constant 1000 : i32
      %mul3A_30 = arith.muli %arg1, %mul3A_29 : i32
      %swap3A = arith.index_cast %mul3A_30 : i32 to index
      %swap3A_31 = arith.constant 0 : index
      %swap3A_32 = vector.load %arg10[%swap3A, %swap3A_31] : memref<10000x128xf32, #tpu.memory_space<vmem>>, vector<1000x128xf32>
      tpu.vector_store %arg10[%swap3A, %swap3A_31], %mul3A_28 {strides = array<i32>} : memref<10000x128xf32, #tpu.memory_space<vmem>>, vector<1000x128xf32>,
      %eq3A_33 = arith.constant 0 : i32
      %eq3A_34 = arith.cmpi eq, %arg1, %eq3A_33 : i32
      %convert_element_type3A_35 = arith.extui %eq3A_34 : i1 to i32
      %cond3A_36 = arith.constant 0 : i32
      %cond3A_37 = arith.cmpi ne, %convert_element_type3A_35, %cond3A_36 : i32
      scf.if %cond3A_37 {
        %broadcast_in_dim3A_57 = arith.constant 0.000000e+00 : f32
        %broadcast_in_dim3A_58 = vector.broadcast %broadcast_in_dim3A_57 : f32 to vector<1x128xf32>
        %swap3A_59 = arith.constant 0 : index
        %swap3A_60 = arith.constant 0 : index
        %swap3A_61 = vector.load %arg11[%swap3A_59, %swap3A_60] : memref<1x128xf32, #tpu.memory_space<vmem>>, vector<1x128xf32>
        tpu.vector_store %arg11[%swap3A_59, %swap3A_60], %broadcast_in_dim3A_58 {strides = array<i32>} : memref<1x128xf32, #tpu.memory_space<vmem>>, vector<1x128xf32>,
        %broadcast_in_dim3A_62 = arith.constant 0.000000e+00 : f32
        %broadcast_in_dim3A_63 = vector.broadcast %broadcast_in_dim3A_62 : f32 to vector<1x128xf32>
        %swap3A_64 = arith.constant 0 : index
        %swap3A_65 = arith.constant 0 : index
        %swap3A_66 = vector.load %arg12[%swap3A_64, %swap3A_65] : memref<1x128xf32, #tpu.memory_space<vmem>>, vector<1x128xf32>
        tpu.vector_store %arg12[%swap3A_64, %swap3A_65], %broadcast_in_dim3A_63 {strides = array<i32>} : memref<1x128xf32, #tpu.memory_space<vmem>>, vector<1x128xf32>,
      } else {
      }
      %get3A_38 = arith.constant 0 : index
      %get3A_39 = arith.constant 0 : index
      %get3A_40 = vector.load %arg11[%get3A_38, %get3A_39] : memref<1x128xf32, #tpu.memory_space<vmem>>, vector<1x128xf32>
      %reduce_sum3A = arith.constant dense<0.000000e+00> : vector<128xf32>
      %reduce_sum3A_41 = vector.multi_reduction <add>, %mul3A_28, %reduce_sum3A [0] : vector<1000x128xf32> to vector<128xf32>
      %broadcast_in_dim3A = vector.shape_cast %reduce_sum3A_41 : vector<128xf32> to vector<1x128xf32>
      %add3A_42 = arith.addf %get3A_40, %broadcast_in_dim3A : vector<1x128xf32>
      %swap3A_43 = arith.constant 0 : index
      %swap3A_44 = arith.constant 0 : index
      %swap3A_45 = vector.load %arg11[%swap3A_43, %swap3A_44] : memref<1x128xf32, #tpu.memory_space<vmem>>, vector<1x128xf32>
      tpu.vector_store %arg11[%swap3A_43, %swap3A_44], %add3A_42 {strides = array<i32>} : memref<1x128xf32, #tpu.memory_space<vmem>>, vector<1x128xf32>,
      %get3A_46 = arith.constant 0 : index
      %get3A_47 = arith.constant 0 : index
      %get3A_48 = vector.load %arg12[%get3A_46, %get3A_47] : memref<1x128xf32, #tpu.memory_space<vmem>>, vector<1x128xf32>
      %mul3A_49 = arith.mulf %mul3A_28, %mul3A_28 : vector<1000x128xf32>
      %reduce_sum3A_50 = arith.constant dense<0.000000e+00> : vector<128xf32>
      %reduce_sum3A_51 = vector.multi_reduction <add>, %mul3A_49, %reduce_sum3A_50 [0] : vector<1000x128xf32> to vector<128xf32>
      %broadcast_in_dim3A_52 = vector.shape_cast %reduce_sum3A_51 : vector<128xf32> to vector<1x128xf32>
      %add3A_53 = arith.addf %get3A_48, %broadcast_in_dim3A_52 : vector<1x128xf32>
      %swap3A_54 = arith.constant 0 : index
      %swap3A_55 = arith.constant 0 : index
      %swap3A_56 = vector.load %arg12[%swap3A_54, %swap3A_55] : memref<1x128xf32, #tpu.memory_space<vmem>>, vector<1x128xf32>
      tpu.vector_store %arg12[%swap3A_54, %swap3A_55], %add3A_53 {strides = array<i32>} : memref<1x128xf32, #tpu.memory_space<vmem>>, vector<1x128xf32>,
    } else {
    }
    %eq3A_2 = arith.constant 1 : i32
    %eq3A_3 = arith.cmpi eq, %arg0, %eq3A_2 : i32
    %convert_element_type3A_4 = arith.extui %eq3A_3 : i1 to i32
    %cond3A_5 = arith.constant 0 : i32
    %cond3A_6 = arith.cmpi ne, %convert_element_type3A_4, %cond3A_5 : i32
    scf.if %cond3A_6 {
      %get3A = arith.constant 0 : index
      %get3A_7 = arith.constant 0 : index
      %get3A_8 = vector.load %arg11[%get3A, %get3A_7] : memref<1x128xf32, #tpu.memory_space<vmem>>, vector<1x128xf32>
      %div3A = arith.constant 1.000000e+04 : f32
      %div3A_9 = vector.broadcast %div3A : f32 to vector<1x128xf32>
      %div3A_10 = arith.divf %get3A_8, %div3A_9 : vector<1x128xf32>
      %get3A_11 = arith.constant 0 : index
      %get3A_12 = arith.constant 0 : index
      %get3A_13 = vector.load %arg12[%get3A_11, %get3A_12] : memref<1x128xf32, #tpu.memory_space<vmem>>, vector<1x128xf32>
      %div3A_14 = arith.constant 1.000000e+04 : f32
      %div3A_15 = vector.broadcast %div3A_14 : f32 to vector<1x128xf32>
      %div3A_16 = arith.divf %get3A_13, %div3A_15 : vector<1x128xf32>
      %mul3A = arith.mulf %div3A_10, %div3A_10 : vector<1x128xf32>
      %sub3A = arith.subf %div3A_16, %mul3A : vector<1x128xf32>
      %add3A = arith.constant 9.99999974E-6 : f32
      %add3A_17 = vector.broadcast %add3A : f32 to vector<1x128xf32>
      %add3A_18 = arith.addf %sub3A, %add3A_17 : vector<1x128xf32>
      %rsqrt3A = math.rsqrt %add3A_18 : vector<1x128xf32>
      %mul3A_19 = arith.constant 1000 : i32
      %mul3A_20 = arith.muli %arg1, %mul3A_19 : i32
      %get3A_21 = arith.index_cast %mul3A_20 : i32 to index
      %get3A_22 = arith.constant 0 : index
      %get3A_23 = vector.load %arg10[%get3A_21, %get3A_22] : memref<10000x128xf32, #tpu.memory_space<vmem>>, vector<1000x128xf32>
      %get3A_24 = arith.constant 0 : index
      %get3A_25 = arith.constant 0 : index
      %get3A_26 = vector.load %arg6[%get3A_24, %get3A_25] : memref<1000x128xf32, #tpu.memory_space<vmem>>, vector<1000x128xf32>
      %sub3A_27 = vector.broadcast %div3A_10 : vector<1x128xf32> to vector<1000x128xf32>
      %sub3A_28 = arith.subf %get3A_23, %sub3A_27 : vector<1000x128xf32>
      %mul3A_29 = vector.broadcast %rsqrt3A : vector<1x128xf32> to vector<1000x128xf32>
      %mul3A_30 = arith.mulf %sub3A_28, %mul3A_29 : vector<1000x128xf32>
      %get3A_31 = arith.constant 0 : index
      %get3A_32 = arith.constant 0 : index
      %get3A_33 = vector.load %arg7[%get3A_31, %get3A_32] : memref<1x128xf32, #tpu.memory_space<vmem>>, vector<1x128xf32>
      %mul3A_34 = vector.broadcast %get3A_33 : vector<1x128xf32> to vector<1000x128xf32>
      %mul3A_35 = arith.mulf %mul3A_30, %mul3A_34 : vector<1000x128xf32>
      %add3A_36 = arith.addf %get3A_26, %mul3A_35 : vector<1000x128xf32>
      %get3A_37 = arith.constant 0 : index
      %get3A_38 = arith.constant 0 : index
      %get3A_39 = vector.load %arg8[%get3A_37, %get3A_38] : memref<1x128xf32, #tpu.memory_space<vmem>>, vector<1x128xf32>
      %add3A_40 = vector.broadcast %get3A_39 : vector<1x128xf32> to vector<1000x128xf32>
      %add3A_41 = arith.addf %add3A_36, %add3A_40 : vector<1000x128xf32>
      %swap3A = arith.constant 0 : index
      %swap3A_42 = arith.constant 0 : index
      %swap3A_43 = vector.load %arg9[%swap3A, %swap3A_42] : memref<1000x128xf32, #tpu.memory_space<vmem>>, vector<1000x128xf32>
      tpu.vector_store %arg9[%swap3A, %swap3A_42], %add3A_41 {strides = array<i32>} : memref<1000x128xf32, #tpu.memory_space<vmem>>, vector<1000x128xf32>,
    } else {
    }
    return
  }
  func.func @transform_0(%arg0: i32, %arg1: i32) -> (i32, i32) {
    %c0_i32 = arith.constant 0 : i32
    %c0_i32_0 = arith.constant 0 : i32
    return %arg1, %c0_i32 : i32, i32
  }
  func.func @transform_1(%arg0: i32, %arg1: i32) -> (i32, i32) {
    %c0_i32 = arith.constant 0 : i32
    %c0_i32_0 = arith.constant 0 : i32
    return %arg1, %c0_i32 : i32, i32
  }
  func.func @transform_2(%arg0: i32, %arg1: i32) -> (i32, i32) {
    %c0_i32 = arith.constant 0 : i32
    %c0_i32_0 = arith.constant 0 : i32
    return %arg1, %c0_i32 : i32, i32
  }
  func.func @transform_3(%arg0: i32, %arg1: i32) -> (i32, i32) {
    %c0_i32 = arith.constant 0 : i32
    %c0_i32_0 = arith.constant 0 : i32
    return %arg1, %c0_i32 : i32, i32
  }
  func.func @transform_4(%arg0: i32, %arg1: i32) -> (i32, i32) {
    %c0_i32 = arith.constant 0 : i32
    %c0_i32_0 = arith.constant 0 : i32
    return %arg1, %c0_i32 : i32, i32
  }
  func.func @transform_5(%arg0: i32, %arg1: i32) -> (i32, i32) {
    %c0_i32 = arith.constant 0 : i32
    %c0_i32_0 = arith.constant 0 : i32
    %c0_i32_1 = arith.constant 0 : i32
    return %c0_i32, %c0_i32_0 : i32, i32
  }
  func.func @transform_6(%arg0: i32, %arg1: i32) -> (i32, i32) {
    %c0_i32 = arith.constant 0 : i32
    %c0_i32_0 = arith.constant 0 : i32
    %c0_i32_1 = arith.constant 0 : i32
    return %c0_i32, %c0_i32_0 : i32, i32
  }
  func.func @transform_7(%arg0: i32, %arg1: i32) -> (i32, i32) {
    %c0_i32 = arith.constant 0 : i32
    %c0_i32_0 = arith.constant 0 : i32
    return %arg1, %c0_i32 : i32, i32
  }
}

</mosaic_0001>

<sc_bundles>
// kernel: kernel.5.cloned.1.call-start
scs
__scs_entry_jumppad:
0x0: {  	(pc) =	sbr.rel $0x88, $3  }
0x1: {  	(tag) =	ssettag $0x0;
	lr =	simm.s32 $0x1  }
0x2: {  	[smem:$0x3F93] =	sst lr;
	_ =	strace $0xD0000000  }
0x3: {  	_ = 	snop  }
0x4: {  	_ = 	snop  }
0x5: {  	_ = 	snop  }
0x6: {  	_ = 	snop  }
0x7: {  	_ = 	snop  }
__scs_overlays_trampoline_lowered:
0x8: {  	[smem:$0x3FA2] =	sst s0  }
0x9: {  	[smem:$0x3FA3] =	sst s1  }
0xa: {  	[smem:$0x3FA4] =	sst s2  }
0xb: {  	[smem:$0x3FA5] =	sst s3  }
0xc: {  	[smem:$0x3FA6] =	sst s4  }
0xd: {  	[smem:$0x3FA7] =	sst s5  }
0xe: {  	[smem:$0x3FA8] =	sst s6  }
0xf: {  	[smem:$0x3FA9] =	sst s7  }
0x10: {  	[smem:$0x3FAA] =	sst s8  }
0x11: {  	[smem:$0x3FAB] =	sst s9;
	s0 =	simm.s32 @!p0 $0x0  }
0x12: {  	s1 =	sld [smem:$0x3F91];
	s0 =	simm.s32 @p0 $0x1  }
0x13: {  	[smem:$0x3FAC] =	sst s0;
	s0 =	simm.s32 @!p1 $0x0  }
0x14: {  	s2 =	sld [smem:$0x3F90];
	s0 =	simm.s32 @p1 $0x1  }
0x15: {  	[smem:$0x3FAD] =	sst s0;
	s0 =	simm.s32 @!p2 $0x0  }
0x16: {  	s3 =	sld [smem:$0x3FDB];
	s0 =	simm.s32 @p2 $0x1  }
0x17: {  	s4 =	simm.s32 $0x1BF5;
	[smem:$0x3FAF] =	sst s0  }
0x18: {  	s0 =	sld [smem:$0x3F92];
	_ =	swait.ge [sflag:s4], $0x0  }
0x19: {  	s7 =	sld [smem:$0x3F93]  }
0x1a: {  	s8 =	sadd.s32 $0xFFFFE003, lr  }
0x1b: {  	s9 =	sadd.s32 $0xFFFFFEF7, lr;
	s5 =	simm.s32 $0xFFFFFFFF;
	p2 =	slt.u32 s8, $0xFFFFF086  }
0x1c: {  	p1 =	slt.u32 s9, $0xF7A;
	s5 =	simm.s32 @!p2 $0x0  }
0x1d: {  	s5 =	simm.s32 @p1 $0x1;
	p0 =	seq.s32 s7, s2  }
0x1e: {  	s7 =	smul.u32 @!p0 $0xF7A, s2;
	p2 =	seq.s32 @!p0 s5, $0x0  }
0x1f: {  	s9 =	smul.u32 $0xF7A, s1;
	s8 =	simm.s32 @!p0 $0x1BF5;
	p2 =	por !p2, p0  }
0x20: {  	[sflag:s8] =	ssyncset.s32 @!p0 $0xFFFFF086;
	s6 =	sadd.s32 @!p0 s3, s7;
	s7 =	simm.s32 @!p0 $0x108  }
0x21: {  	s3 =	sadd.s32 s3, s9;
	s6 =	sadd.s32 @!p0 $0x88, s6;
	s7 =	simm.s32 @p2 $0x1082  }
0x22: {  	[simem:s7], [sflag:s8] =	dma.local @!p0 [hbm:s6], $0xF7A  }
0x23: {  	s9 =	sor.u32 $0xD0000000, s2;
	s6 =	simm.s32 $0x108;
	_ =	swait.ge @!p0 [sflag:s8], $0x0  }
0x24: {  	s3 =	sadd.s32 $0x88, s3;
	s6 =	simm.s32 @!p1 $0x1082;
	[sflag:s4] =	ssyncset.s32 $0xFFFFF086  }
0x25: {  	[simem:s6], [sflag:s4] =	dma.local [hbm:s3], $0xF7A  }
0x26: {  	[smem:$0x3F93] =	sst s1;
	(tag) =	ssettag s2;
	_ =	strace s9  }
0x27: {  	s1 =	sld [smem:$0x3FA3]  }
0x28: {  	s2 =	sld [smem:$0x3FA4]  }
0x29: {  	s4 =	sld [smem:$0x3FA6]  }
0x2a: {  	p0 =	seq.s32 s5, $0x0;
	s5 =	sld [smem:$0x3FA7]  }
0x2b: {  	s6 =	sld [smem:$0x3FA8]  }
0x2c: {  	s7 =	sld [smem:$0x3FA9]  }
0x2d: {  	s3 =	simm.s32 $0x108;
	s8 =	sld [smem:$0x3FAA]  }
0x2e: {  	s3 =	simm.s32 @!p0 $0x1082;
	s9 =	sld [smem:$0x3FAB]  }
0x2f: {  	lr =	sadd.s32 s0, s3;
	s0 =	sld [smem:$0x3FA2]  }
0x30: {  	s3 =	sld [smem:$0x3FA5]  }
0x31: {  	[smem:$0x3FAE] =	sst s10  }
0x32: {  	s10 =	sld [smem:$0x3FAC];
	_ =	sdelay $0x3  }
0x33: {  	p0 =	seq.s32 s10, $0x1;
	s10 =	sld [smem:$0x3FAE];
	_ =	sdelay $0x3  }
0x34: {  	[smem:$0x3FAE] =	sst s10  }
0x35: {  	s10 =	sld [smem:$0x3FAD];
	_ =	sdelay $0x3  }
0x36: {  	p1 =	seq.s32 s10, $0x1;
	s10 =	sld [smem:$0x3FAE];
	_ =	sdelay $0x3  }
0x37: {  	[smem:$0x3FAE] =	sst s10  }
0x38: {  	s10 =	sld [smem:$0x3FAF]  }
0x39: {  	_ = 	snop;
	(pc) =	sbr.ind lr, $3  }
0x3a: {  	_ = 	snop  }
0x3b: {  	_ = 	snop  }
0x3c: {  	p2 =	seq.s32 s10, $0x1;
	s10 =	sld [smem:$0x3FAE]  }
0x3d: {  	_ =	shalt  }
0x3e: {  	_ =	shalt  }
0x3f: {  	_ =	shalt  }
0x40: {  	_ =	shalt  }
0x41: {  	_ =	shalt  }
0x42: {  	_ =	shalt  }
0x43: {  	_ =	shalt  }
0x44: {  	_ =	shalt  }
0x45: {  	_ =	shalt  }
0x46: {  	_ =	shalt  }
0x47: {  	_ =	shalt  }
0x48: {  	_ =	shalt  }
0x49: {  	_ =	shalt  }
0x4a: {  	_ =	shalt  }
0x4b: {  	_ =	shalt  }
0x4c: {  	_ =	shalt  }
0x4d: {  	_ =	shalt  }
0x4e: {  	_ =	shalt  }
0x4f: {  	_ =	shalt  }
0x50: {  	_ =	shalt  }
0x51: {  	_ =	shalt  }
0x52: {  	_ =	shalt  }
0x53: {  	_ =	shalt  }
0x54: {  	_ =	shalt  }
0x55: {  	_ =	shalt  }
0x56: {  	_ =	shalt  }
0x57: {  	_ =	shalt  }
0x58: {  	_ =	shalt  }
0x59: {  	_ =	shalt  }
0x5a: {  	_ =	shalt  }
0x5b: {  	_ =	shalt  }
0x5c: {  	_ =	shalt  }
0x5d: {  	_ =	shalt  }
0x5e: {  	_ =	shalt  }
0x5f: {  	_ =	shalt  }
0x60: {  	_ =	shalt  }
0x61: {  	_ =	shalt  }
0x62: {  	_ =	shalt  }
0x63: {  	_ =	shalt  }
0x64: {  	_ =	shalt  }
0x65: {  	_ =	shalt  }
0x66: {  	_ =	shalt  }
0x67: {  	_ =	shalt  }
0x68: {  	_ =	shalt  }
0x69: {  	_ =	shalt  }
0x6a: {  	_ =	shalt  }
0x6b: {  	_ =	shalt  }
0x6c: {  	_ =	shalt  }
0x6d: {  	_ =	shalt  }
0x6e: {  	_ =	shalt  }
0x6f: {  	_ =	shalt  }
0x70: {  	_ =	shalt  }
0x71: {  	_ =	shalt  }
0x72: {  	_ =	shalt  }
0x73: {  	_ =	shalt  }
0x74: {  	_ =	shalt  }
0x75: {  	_ =	shalt  }
0x76: {  	_ =	shalt  }
0x77: {  	_ =	shalt  }
0x78: {  	_ =	shalt  }
0x79: {  	_ =	shalt  }
0x7a: {  	_ =	shalt  }
0x7b: {  	_ =	shalt  }
0x7c: {  	_ =	shalt  }
0x7d: {  	_ =	shalt  }
0x7e: {  	_ =	shalt  }
0x7f: {  	_ =	shalt  }
0x80: {  	_ =	shalt  }
0x81: {  	_ =	shalt  }
0x82: {  	_ =	shalt  }
0x83: {  	_ =	shalt  }
0x84: {  	_ =	shalt  }
0x85: {  	_ =	shalt  }
0x86: {  	_ =	shalt  }
0x87: {  	_ =	shalt  }
.Lfunc_end0:
.L_simem_size_0:
called_computation_lowered:
.L_overlay_start_0:
0x88: {  	s2 =	sld [smem:$0x3FD9]  }
0x89: {  	s3 =	sld [smem:$0x3FFE];
	_ =	sdelay $0x1  }
0x8a: {  	s1 =	srdreg.scid  }
0x8b: {  	s0 =	sand.u32 $0x1, s1  }
0x8c: {  	s14 =	sshll.u32 s0, $0xA;
	s2 =	sadd.s32 s3, s2  }
0x8d: {  	s2 =	sadd.s32 s2, s14  }
0x8e: {  	[smem:$0x3FBA] =	sst s2  }
0x8f: {  	_ = 	snop  }
0x90: {  	s2 =	sld [smem:$0x3FD0];
	_ =	sdelay $0x2  }
0x91: {  	s15 =	simm.s32 $0xA;
	s4 =	simm.s32 $0x10  }
0x92: {  	[smem:s4], [sflag:s15] =	dma.local [hbm:s2], $0x1  }
0x93: {  	_ =	swait.eq [sflag:s15], $0x1  }
0x94: {  	[sflag:s15] =	ssyncset.done $0x0  }
0x95: {  	s16 =	sld [smem:$0x10];
	[sflag:s15] =	ssyncadd.s32 $0xFFFFFFFF  }
0x96: {  	s17 =	sld [smem:$0x11];
	(tm) =	ssettm $0x1  }
0x97: {  	s18 =	sld [smem:$0x3FFB];
	_ =	sdelay $0x3  }
0x98: {  	_ =	strace s18  }
0x99: {  	s4 =	sld [smem:$0x3FFC];
	_ =	sdelay $0x3  }
0x9a: {  	_ =	strace s4  }
0x9b: {  	s4 =	sld [smem:$0x3FFD];
	_ =	sdelay $0x3  }
0x9c: {  	_ =	strace s4  }
0x9d: {  	_ =	strace $0x8FFFFFFF  }
0x9e: {  	s19 =	sld [smem:$0x3FDB];
	_ =	sdelay $0x1  }
0x9f: {  	s5 =	simm.s32 $_scs_section_size  }
0xa0: {  	s6 =	simm.s32 $_size__tile_overlayer_lowered;
	s7 =	simm.s32 $_tile_overlayer_lowered  }
0xa1: {  	s22 =	simm.s32 $0x1BFF;
	s21 =	sshll.u32 s7, $0x1;
	s4 =	sadd.s32 s5, s19  }
0xa2: {  	s8 =	simm.s32 $0x0;
	s20 =	sshll.u32 s6, $0x1;
	s6 =	sadd.s32 s21, s4  }
0xa3: {  	[timem:s8], [sflag:s22] =	dma.local [hbm:s6], s20  }
0xa4: {  	_ =	swait.ge [sflag:s22], s20  }
0xa5: {  	s5 =	ssub.s32 $0x0, s20;
	[sflag:s22] =	ssyncset.done $0x0  }
0xa6: {  	[sflag:s22] =	ssyncadd.s32 s5;
	_ =	sdelay $0x1  }
0xa7: {  	s23 =	simm.s32 $0x1B8B  }
0xa8: {  	_ =	swait.ge [sflag:s23], $0x1  }
0xa9: {  	[sflag:s23] =	ssyncset.done $0x0  }
0xaa: {  	s25 =	simm.s32 $0x1B8E;
	s24 =	sld [smem:$0x3FFE];
	[sflag:s23] =	ssyncadd.s32 $0xFFFFFFFF  }
0xab: {  	s26 =	simm.s32 $execute0_lowered;
	[smem:$0x3FD2] =	sst s25  }
0xac: {  	s6 =	sshll.u32 s26, $0x1;
	_ =	strace $0x80000046;
	[dreg:$0x1] =	wrdreg $0xFFFFFFFF  }
0xad: {  	s28 =	simm.s32 $_size_execute0_lowered;
	s4 =	sadd.s32 s4, s6;
	[dreg:$0x0] =	wrdreg $0x0  }
0xae: {  	s6 =	sshll.u32 s28, $0x1;
	[dreg:$0x2] =	wrdreg s4  }
0xaf: {  	[dreg:$0x3] =	wrdreg s6  }
0xb0: {  	[dreg:$0x4] =	wrdreg $0xC0  }
0xb1: {  	_ =	task [dreg:s8], $0x5FFFF  }
0xb2: {  	[dreg:$0x1] =	wrdreg $0xFFFFFFFF  }
0xb3: {  	[dreg:$0x0] =	wrdreg $0x60  }
0xb4: {  	[dreg:$0x2] =	wrdreg s17  }
0xb5: {  	[dreg:$0x3] =	wrdreg s24  }
0xb6: {  	[dreg:$0x4] =	wrdreg s16  }
0xb7: {  	[dreg:$0x5] =	wrdreg $0xB3000  }
0xb8: {  	[dreg:$0x6] =	wrdreg $0x9  }
0xb9: {  	_ =	task.clear_ibuf [dreg:s8], $0x7FFFF;
	_ =	strace $0x90000046  }
0xba: {  	s29 =	simm.s32 $0x9;
	_ =	strace $0x80000048  }
0xbb: {  	_ =	swait.ge [sflag:s29], $0x1  }
0xbc: {  	[sflag:s29] =	ssyncadd.s32 $0xFFFFFFFF  }
0xbd: {  	_ =	strace $0x90000048  }
0xbe: {  	_ =	sfence  }
0xbf: {  	s30 =	sld [smem:$0x0];
	_ =	sdelay $0x2  }
0xc0: {  	s31 =	sshll.u32 s1, $0xD;
	s1 =	sshrl.u32 s1, $0x2  }
0xc1: {  	s3 =	sand.u32 $0x4000, s31;
	s1 =	sadd.s32 s1, s30  }
0xc2: {  	s0 =	sor.u32 s3, s0;
	s1 =	sshll.u32 s1, $0x11  }
0xc3: {  	s0 =	sor.u32 s1, s0  }
0xc4: {  	s0 =	sadd.s32 $0x8F2B, s0  }
0xc5: {  	[sflag:s0] =	ssyncadd.remote.s32 $0x1  }
0xc6: {  	_ =	sfence.sel $0xFFFF  }
0xc7: {  	[dreg:$0x0] =	wrdreg $0xFFFFFFFF;
	(pc) =	sbr.abs _section_cstart, $3  }
0xc8: {  	[dreg:$0x1] =	wrdreg $0xFFFFFFFF  }
0xc9: {  	_ =	task.clear_ibuf [dreg:s8], $0x2FFFF;
	_ =	strace $0x9FFFFFFF  }
0xca: {  	(tm) =	ssettm $0x7FFFFFFF  }
0xcb: {  	_ =	shalt  }
tec
execute0_lowered:
.L_overlay_start_1:
0x0: {  	(tag) =	ssettag $0x1  }
0x1: {  	s1 =	rddreg [dreg:$0x0]  }
0x2: {  	s0 =	rddreg [dreg:$0x1]  }
0x3: {  	s9 =	rddreg [dreg:$0x2]  }
0x4: {  	s2 =	rddreg [dreg:$0x3]  }
0x5: {  	s4 =	simm.s32 $0x0;
	s3 =	stileid.u32;
	s7 =	srdreg.scid  }
0x6: {  	[smem:$0x7FF] =	sst s4;
	s5 =	sadd.s32 $0x15A00, s0;
	s8 =	smul.u32 $0x4F000, s3  }
0x7: {  	s6 =	sadd.s32 $0xBC00, s0;
	s10 =	smul.u32 $0x2780, s3;
	s11 =	sand.u32 $0x1, s7  }
0x8: {  	s7 =	sadd.s32 $0x1E00, s0;
	p0 =	seq.s32 s3, $0xF;
	s25 =	sadd.s32 $0x12AC00, s2  }
0x9: {  	s26 =	sadd.s32 $0x12D400, s2;
	_ =	strace $0x80000047;
	[dreg:$0x13] =	wrdreg s25  }
0xa: {  	s28 =	sadd.s32 $0x12FC00, s2;
	s29 =	sadd.s32 $0x132400, s2;
	[dreg:$0x14] =	wrdreg s26  }
0xb: {  	s12 =	ssub.s32 $0x2, s11;
	s21 =	smul.u32 $0x2710, s11;
	[dreg:$0x15] =	wrdreg s28  }
0xc: {  	p4 =	seq.s32 s11, $0x1;
	[dreg:$0x16] =	wrdreg s29;
	s11 =	simm.s32 $0x1300  }
0xd: {  	s8 =	sshrl.u32 s8, $0x2;
	s13 =	sadd.s32 s10, s0;
	s14 =	sshrl.u32 s12, $0x1  }
0xe: {  	s10 =	sadd.s32 s9, s10;
	s9 =	sadd.s32 $0x25080, s9;
	s0 =	sadd.s32 $0x88C80, s0  }
0xf: {  	p2 =	seq.s32 @p4 s3, $0xF;
	p5 =	seq.s32 @!p4 s3, $0xF;
	[dreg:$0xe] =	wrdreg s10  }
0x10: {  	s8 =	sadd.s32 s8, s2;
	s14 =	ssub.s32 s12, s14;
	[dreg:$0xf] =	wrdreg s9  }
0x11: {  	s12 =	smul.u32 $0x4E20, s3;
	s23 =	sadd.s32 $0x63C00, s13;
	[dreg:$0x11] =	wrdreg s0  }
0x12: {  	p1 =	por !p2, !p4;
	p2 =	por p2, !p4;
	p3 =	por !p5, p4  }
0x13: {  	p4 =	por p5, p4;
	s0 =	simm.s32 $0x3;
	s9 =	simm.s32 $0x50  }
0x14: {  	s10 =	simm.s32 $0x1000;
	s30 =	sadd.s32 $0x2800, s8;
	[dreg:$0x10] =	wrdreg s23  }
0x15: {  	s13 =	simm.s32 $0x1100;
	s31 =	sadd.s32 $0x5000, s8;
	[dreg:$0x5] =	wrdreg s30  }
0x16: {  	v0 =	vmov s21;
	s21 =	simm.s32 $0x1200;
	s15 =	sadd.s32 $0x7800, s8;
	[dreg:$0x6] =	wrdreg s31  }
0x17: {  	s16 =	sadd.s32 $0xC800, s8;
	s17 =	sadd.s32 $0xF000, s8;
	[dreg:$0x7] =	wrdreg s15  }
0x18: {  	s18 =	sadd.s32 $0x11800, s8;
	s24 =	smax.u32 s14, $0x1;
	[dreg:$0x9] =	wrdreg s16  }
0x19: {  	s14 =	simm.s32 $0x6300;
	s23 =	simm.s32 $0x1280;
	[dreg:$0xa] =	wrdreg s17  }
0x1a: {  	s15 =	sadd.s32 $0xA000, s8;
	[dreg:$0xb] =	wrdreg s18;
	s17 =	sadd.s32 $0x128400, s2  }
0x1b: {  	s19 =	sshrl.u32 s12, $0x3;
	[dreg:$0x12] =	wrdreg s24;
	s30 =	sadd.s32 $0x134C00, s2  }
.Ltmp0:
0x1c: {  	s31 =	sadd.s32 $0x137400, s2;
	[dreg:$0x8] =	wrdreg s15;
	(pc) =	sbr.rel .LBB2_1-.Ltmp0, $4  }
0x1d: {  	s16 =	simm.s32 $0x3B00;
	s18 =	simm.s32 $0x1180;
	[dreg:$0x17] =	wrdreg s30  }
0x1e: {  	s20 =	sadd.s32 s6, s19;
	s22 =	sadd.s32 s7, s19;
	[dreg:$0x18] =	wrdreg s31  }
0x1f: {  	s15 =	simm.s32 $0x1080;
	s19 =	simm.s32 $0x8B00;
	[dreg:$0xc] =	wrdreg s20  }
0x20: {  	v1 =	vimm.f32 $0.0e+00;
	[dreg:$0xd] =	wrdreg s22;
	s20 =	simm.s32 $0x1;
	s22 =	simm.s32 $0x2  }
.LBB2_12:
0x21: {  	[bflag:$0x0] =	sbarrier.arrive $0xFFFF  }
0x22: {  	s24 =	sshrl.u32 @!p1 s17, $0x3;
	s25 =	simm.s32 @!p1 $0x1FC3;
	s26 =	rddreg [dreg:$0x11]  }
0x23: {  	[hbm:s26], [sflag:s25] =	dma.local @!p1 [spmem:s24], $0x2080  }
0x24: {  	s24 =	simm.s32 @!p1 $0x3  }
0x25: {  	_ =	swait.ge @!p1 [sflag:s24], $0x2080  }
0x26: {  	s25 =	sshll.u32 @!p2 s3, $0x6;
	[sflag:s24] =	ssyncset.done @!p1 $0x0;
	s26 =	rddreg [dreg:$0x10]  }
0x27: {  	[sflag:s24] =	ssyncadd.s32 @!p1 $0xFFFFDF80;
	s24 =	sor.u32 @!p2 $0x1C03, s25;
	s25 =	sshrl.u32 @!p2 s8, $0x3  }
0x28: {  	[hbm:s26], [sflag:s24] =	dma.local @!p2 [spmem:s25], $0x2780  }
0x29: {  	s24 =	simm.s32 @!p2 $0x3  }
0x2a: {  	_ =	swait.ge @!p2 [sflag:s24], $0x2780  }
0x2b: {  	s25 =	simm.s32 @!p3 $0x1FC3;
	[sflag:s24] =	ssyncset.done @!p2 $0x0  }
0x2c: {  	s26 =	rddreg [dreg:$0xf];
	[sflag:s24] =	ssyncadd.s32 @!p2 $0xFFFFD880;
	s24 =	sshrl.u32 @!p3 s17, $0x3  }
0x2d: {  	[hbm:s26], [sflag:s25] =	dma.local @!p3 [spmem:s24], $0x2080  }
0x2e: {  	s24 =	simm.s32 @!p3 $0x3  }
0x2f: {  	_ =	swait.ge @!p3 [sflag:s24], $0x2080  }
0x30: {  	s25 =	sshll.u32 @!p4 s3, $0x6;
	[sflag:s24] =	ssyncset.done @!p3 $0x0;
	s26 =	rddreg [dreg:$0xe]  }
0x31: {  	[sflag:s24] =	ssyncadd.s32 @!p3 $0xFFFFDF80;
	s24 =	sor.u32 @!p4 $0x1C03, s25;
	s25 =	sshrl.u32 @!p4 s8, $0x3  }
0x32: {  	[hbm:s26], [sflag:s24] =	dma.local @!p4 [spmem:s25], $0x2780  }
0x33: {  	s24 =	simm.s32 @!p4 $0x3  }
0x34: {  	_ =	swait.ge @!p4 [sflag:s24], $0x2780  }
0x35: {  	s4 =	sadd.s32 $0x1, s4;
	s31 =	rddreg [dreg:$0x12]  }
0x36: {  	p5 =	sne.s32 s4, s31  }
.Ltmp1:
0x37: {  	_ = 	snop;
	(pc) =	sbr.rel @!p5 .LBB2_13-.Ltmp1, $3  }
0x38: {  	_ =	sdelay $0x1  }
0x39: {  	[sflag:s24] =	ssyncset.done @!p4 $0x0  }
0x3a: {  	[sflag:s24] =	ssyncadd.s32 @!p4 $0xFFFFD880  }
.LBB2_1:
0x3b: {  	s24 =	simm.s32 $0x0;
	s25 =	simm.s32 $0x200  }
.LBB2_2:
0x3c: {  	p5 =	sne.s32 s25, $0x9E00;
	[tilespmem:s24+$0x1370] =	vst v1  }
0x3d: {  	[tilespmem:s24+$0x1300] =	vst v1  }
0x3e: {  	[tilespmem:s24+$0x1310] =	vst v1  }
.Ltmp2:
0x3f: {  	[tilespmem:s24+$0x1320] =	vst v1;
	(pc) =	sbr.rel @p5 .LBB2_2-.Ltmp2, $4  }
0x40: {  	[tilespmem:s24+$0x1330] =	vst v1  }
0x41: {  	[tilespmem:s24+$0x1340] =	vst v1  }
0x42: {  	[tilespmem:s24+$0x1350] =	vst v1  }
0x43: {  	[tilespmem:s24+$0x1360] =	vst v1;
	s24 =	sshra.s32 s25, $0x2;
	s25 =	sadd.s32 $0x200, s25  }
0x44: {  	[tilespmem:s24+$0x1370] =	vst v1  }
0x45: {  	[tilespmem:s24+$0x1300] =	vst v1  }
0x46: {  	[tilespmem:s24+$0x1310] =	vst v1  }
0x47: {  	[tilespmem:s24+$0x1320] =	vst v1  }
0x48: {  	[tilespmem:s24+$0x1330] =	vst v1  }
0x49: {  	[tilespmem:s24+$0x1340] =	vst v1  }
0x4a: {  	[tilespmem:s24+$0x1350] =	vst v1  }
0x4b: {  	[tilespmem:s24+$0x1360] =	vst v1;
	s24 =	simm.s32 @p0 $0x1300;
	s25 =	simm.s32 @p0 $0x3  }
0x4c: {  	[spmem:s17] =	stream.linear.scatter @p0 [tilespmem:s24], [sflag:$0x3], $0x2800, $0x38;
	[tilespmem:$0x1EB80] =	vst v63  }
0x4d: {  	_ =	swait.ge @p0 [sflag:s25], $0x2800  }
0x4e: {  	[sflag:s25] =	ssyncset.done @p0 $0x0  }
0x4f: {  	s26 =	rddreg [dreg:$0x13];
	[sflag:s25] =	ssyncadd.s32 @p0 $0xFFFFD800  }
0x50: {  	[spmem:s26] =	stream.linear.scatter @p0 [tilespmem:s24], [sflag:$0x3], $0x2800, $0x38;
	[tilespmem:$0x1EB80] =	vst v63  }
0x51: {  	_ =	swait.ge @p0 [sflag:s25], $0x2800  }
0x52: {  	[sflag:s25] =	ssyncset.done @p0 $0x0  }
0x53: {  	s26 =	rddreg [dreg:$0x14];
	[sflag:s25] =	ssyncadd.s32 @p0 $0xFFFFD800  }
0x54: {  	[spmem:s26] =	stream.linear.scatter @p0 [tilespmem:s24], [sflag:$0x3], $0x2800, $0x38;
	[tilespmem:$0x1EB80] =	vst v63  }
0x55: {  	_ =	swait.ge @p0 [sflag:s25], $0x2800  }
0x56: {  	[sflag:s25] =	ssyncset.done @p0 $0x0  }
0x57: {  	s26 =	rddreg [dreg:$0x15];
	[sflag:s25] =	ssyncadd.s32 @p0 $0xFFFFD800  }
0x58: {  	[spmem:s26] =	stream.linear.scatter @p0 [tilespmem:s24], [sflag:$0x3], $0x2800, $0x38;
	[tilespmem:$0x1EB80] =	vst v63  }
0x59: {  	_ =	swait.ge @p0 [sflag:s25], $0x2800  }
0x5a: {  	[sflag:s25] =	ssyncset.done @p0 $0x0  }
0x5b: {  	s26 =	rddreg [dreg:$0x16];
	[sflag:s25] =	ssyncadd.s32 @p0 $0xFFFFD800  }
0x5c: {  	[spmem:s26] =	stream.linear.scatter @p0 [tilespmem:s24], [sflag:$0x3], $0x2800, $0x38;
	[tilespmem:$0x1EB80] =	vst v63  }
0x5d: {  	_ =	swait.ge @p0 [sflag:s25], $0x2800  }
0x5e: {  	[sflag:s25] =	ssyncset.done @p0 $0x0  }
0x5f: {  	s26 =	rddreg [dreg:$0x17];
	[sflag:s25] =	ssyncadd.s32 @p0 $0xFFFFD800  }
0x60: {  	[spmem:s26] =	stream.linear.scatter @p0 [tilespmem:s24], [sflag:$0x3], $0x2800, $0x38;
	[tilespmem:$0x1EB80] =	vst v63  }
0x61: {  	_ =	swait.ge @p0 [sflag:s25], $0x2800  }
0x62: {  	[sflag:s25] =	ssyncset.done @p0 $0x0  }
0x63: {  	s26 =	rddreg [dreg:$0x18];
	[sflag:s25] =	ssyncadd.s32 @p0 $0xFFFFD800  }
0x64: {  	[spmem:s26] =	stream.linear.scatter @p0 [tilespmem:s24], [sflag:$0x3], $0x1400, $0x38;
	[tilespmem:$0x1EB80] =	vst v63  }
0x65: {  	_ =	swait.ge @p0 [sflag:s25], $0x1400  }
0x66: {  	[sflag:s25] =	ssyncset.done @p0 $0x0  }
0x67: {  	s24 =	simm.s32 @!p0 $0x1300;
	[sflag:s25] =	ssyncadd.s32 @p0 $0xFFFFEC00;
	s25 =	simm.s32 @!p0 $0x3  }
0x68: {  	[spmem:s8] =	stream.linear.scatter @!p0 [tilespmem:s24], [sflag:$0x3], $0x2800, $0x38;
	[tilespmem:$0x1EB80] =	vst v63  }
0x69: {  	_ =	swait.ge @!p0 [sflag:s25], $0x2800  }
0x6a: {  	[sflag:s25] =	ssyncset.done @!p0 $0x0  }
0x6b: {  	s26 =	rddreg [dreg:$0x5];
	[sflag:s25] =	ssyncadd.s32 @!p0 $0xFFFFD800  }
0x6c: {  	[spmem:s26] =	stream.linear.scatter @!p0 [tilespmem:s24], [sflag:$0x3], $0x2800, $0x38;
	[tilespmem:$0x1EB80] =	vst v63  }
0x6d: {  	_ =	swait.ge @!p0 [sflag:s25], $0x2800  }
0x6e: {  	[sflag:s25] =	ssyncset.done @!p0 $0x0  }
0x6f: {  	s26 =	rddreg [dreg:$0x6];
	[sflag:s25] =	ssyncadd.s32 @!p0 $0xFFFFD800  }
0x70: {  	[spmem:s26] =	stream.linear.scatter @!p0 [tilespmem:s24], [sflag:$0x3], $0x2800, $0x38;
	[tilespmem:$0x1EB80] =	vst v63  }
0x71: {  	_ =	swait.ge @!p0 [sflag:s25], $0x2800  }
0x72: {  	[sflag:s25] =	ssyncset.done @!p0 $0x0  }
0x73: {  	s26 =	rddreg [dreg:$0x7];
	[sflag:s25] =	ssyncadd.s32 @!p0 $0xFFFFD800  }
0x74: {  	[spmem:s26] =	stream.linear.scatter @!p0 [tilespmem:s24], [sflag:$0x3], $0x2800, $0x38;
	[tilespmem:$0x1EB80] =	vst v63  }
0x75: {  	_ =	swait.ge @!p0 [sflag:s25], $0x2800  }
0x76: {  	[sflag:s25] =	ssyncset.done @!p0 $0x0  }
0x77: {  	s26 =	rddreg [dreg:$0x8];
	[sflag:s25] =	ssyncadd.s32 @!p0 $0xFFFFD800  }
0x78: {  	[spmem:s26] =	stream.linear.scatter @!p0 [tilespmem:s24], [sflag:$0x3], $0x2800, $0x38;
	[tilespmem:$0x1EB80] =	vst v63  }
0x79: {  	_ =	swait.ge @!p0 [sflag:s25], $0x2800  }
0x7a: {  	[sflag:s25] =	ssyncset.done @!p0 $0x0  }
0x7b: {  	s26 =	rddreg [dreg:$0x9];
	[sflag:s25] =	ssyncadd.s32 @!p0 $0xFFFFD800  }
0x7c: {  	[spmem:s26] =	stream.linear.scatter @!p0 [tilespmem:s24], [sflag:$0x3], $0x2800, $0x38;
	[tilespmem:$0x1EB80] =	vst v63  }
0x7d: {  	_ =	swait.ge @!p0 [sflag:s25], $0x2800  }
0x7e: {  	[sflag:s25] =	ssyncset.done @!p0 $0x0  }
0x7f: {  	s26 =	rddreg [dreg:$0xa];
	[sflag:s25] =	ssyncadd.s32 @!p0 $0xFFFFD800  }
0x80: {  	[spmem:s26] =	stream.linear.scatter @!p0 [tilespmem:s24], [sflag:$0x3], $0x2800, $0x38;
	[tilespmem:$0x1EB80] =	vst v63  }
0x81: {  	_ =	swait.ge @!p0 [sflag:s25], $0x2800  }
0x82: {  	[sflag:s25] =	ssyncset.done @!p0 $0x0  }
0x83: {  	s26 =	rddreg [dreg:$0xb];
	[sflag:s25] =	ssyncadd.s32 @!p0 $0xFFFFD800  }
0x84: {  	[spmem:s26] =	stream.linear.scatter @!p0 [tilespmem:s24], [sflag:$0x3], $0x2400, $0x38;
	[tilespmem:$0x1EB80] =	vst v63  }
0x85: {  	_ =	swait.ge @!p0 [sflag:s25], $0x2400  }
0x86: {  	[sflag:s25] =	ssyncset.done @!p0 $0x0  }
0x87: {  	[sflag:s25] =	ssyncadd.s32 @!p0 $0xFFFFDC00  }
0x88: {  	[bflag:$0x0] =	sbarrier.arrive $0xFFFF  }
0x89: {  	s24 =	simm.s32 $0x0;
	s29 =	rddreg [dreg:$0xc]  }
0x8a: {  	[tilespmem:s24], [sflag:$0x3] =	stream.linear.gather [hbm4b:s29+s24], $0x7D0, $0x38;
	[tilespmem:$0x1EB80] =	vst v63  }
0x8b: {  	_ =	swait.ge [sflag:s0], $0x7D0  }
0x8c: {  	[sflag:s0] =	ssyncset.done $0x0  }
0x8d: {  	s31 =	simm.s32 $0x800;
	s30 =	rddreg [dreg:$0xd];
	[sflag:s0] =	ssyncadd.s32 $0xFFFFF830  }
0x8e: {  	[tilespmem:s31], [sflag:$0x3] =	stream.linear.gather [hbm4b:s30+s24], $0x7D0, $0x38;
	[tilespmem:$0x1EB80] =	vst v63  }
0x8f: {  	_ =	swait.ge [sflag:s0], $0x7D0  }
0x90: {  	[sflag:s0] =	ssyncset.done $0x0  }
0x91: {  	[sflag:s0] =	ssyncadd.s32 $0xFFFFF830  }
0x92: {  	v2 =	vld [tilespmem:$0x0]  }
0x93: {  	v3 =	vld [tilespmem:$0x800]  }
0x94: {  	v5 =	vld [tilespmem:$0x810];
	_ =	sdelay $0x1  }
0x95: {  	v4 =	vld [tilespmem:$0x10]  }
0x96: {  	v55 =	vld [tilespmem:$0x840]  }
0x97: {  	[tilespmem:$0x1200] =	vst v3  }
0x98: {  	v6 =	vld [tilespmem:$0x20];
	v2 =	vadd.s32 v0, v2;
	[tilespmem:$0x1210] =	vst v5  }
0x99: {  	[tilespmem:$0x1000] =	vst v2;
	v2 =	vadd.s32 v0, v3  }
0x9a: {  	[tilespmem:$0x1100] =	vst v2;
	v2 =	vld [tilespmem:$0x820]  }
0x9b: {  	v51 =	vld [tilespmem:$0x30];
	[tilespmem:$0x1240] =	vst v55;
	v3 =	vadd.s32 v0, v4  }
0x9c: {  	[tilespmem:$0x1010] =	vst v3;
	v3 =	vadd.s32 v0, v5  }
0x9d: {  	v52 =	vadd.s32 v0, v6;
	[tilespmem:$0x1110] =	vst v3;
	v3 =	vld [tilespmem:$0x830]  }
0x9e: {  	v54 =	vld [tilespmem:$0x40];
	[tilespmem:$0x1020] =	vst v52  }
0x9f: {  	v53 =	vadd.s32 v0, v2;
	[tilespmem:$0x1220] =	vst v2  }
0xa0: {  	v2 =	vadd.s32 v0, v51;
	[tilespmem:$0x1120] =	vst v53  }
0xa1: {  	[tilespmem:$0x1030] =	vst v2  }
0xa2: {  	v2 =	vadd.s32 v0, v3;
	[tilespmem:$0x1230] =	vst v3  }
0xa3: {  	[tilespmem:$0x1130] =	vst v2;
	v2 =	vadd.s32 v0, v54  }
0xa4: {  	[tilespmem:$0x1040] =	vst v2;
	v2 =	vadd.s32 v0, v55  }
0xa5: {  	[tilespmem:$0x1140] =	vst v2  }
0xa6: {  	[tilespmem:s11], [sflag:$0x1] =	stream.indirect.gather [hbm4b:s1+s9], $0x80, s10, s9, $0xb8;
	[tilespmem:$0x1EB80] =	vst v63  }
0xa7: {  	_ = 	snop  }
0xa8: {  	[tilespmem:s14], [sflag:$0x1] =	stream.indirect.gather [hbm4b:s5+s9], $0x80, s13, s9, $0xb8;
	[tilespmem:$0x1EB80] =	vst v63  }
0xa9: {  	v2 =	vld [tilespmem:$0x50]  }
0xaa: {  	v3 =	vld [tilespmem:$0x850]  }
0xab: {  	v57 =	vld [tilespmem:$0x860];
	_ =	sdelay $0x1  }
0xac: {  	v56 =	vld [tilespmem:$0x60]  }
0xad: {  	v63 =	vld [tilespmem:$0x890]  }
0xae: {  	[tilespmem:$0x1280] =	vst v3  }
0xaf: {  	v58 =	vld [tilespmem:$0x70];
	v2 =	vadd.s32 v0, v2;
	[tilespmem:$0x1290] =	vst v57  }
0xb0: {  	[tilespmem:$0x1080] =	vst v2;
	v2 =	vadd.s32 v0, v3  }
0xb1: {  	[tilespmem:$0x1180] =	vst v2;
	v2 =	vld [tilespmem:$0x870]  }
0xb2: {  	v59 =	vld [tilespmem:$0x80];
	[tilespmem:$0x12C0] =	vst v63;
	v3 =	vadd.s32 v0, v56  }
0xb3: {  	[tilespmem:$0x1090] =	vst v3;
	v3 =	vadd.s32 v0, v57  }
0xb4: {  	v60 =	vadd.s32 v0, v58;
	[tilespmem:$0x1190] =	vst v3;
	v3 =	vld [tilespmem:$0x880]  }
0xb5: {  	v62 =	vld [tilespmem:$0x90];
	[tilespmem:$0x10A0] =	vst v60  }
0xb6: {  	v61 =	vadd.s32 v0, v2;
	[tilespmem:$0x12A0] =	vst v2  }
0xb7: {  	v2 =	vadd.s32 v0, v59;
	[tilespmem:$0x11A0] =	vst v61  }
0xb8: {  	[tilespmem:$0x10B0] =	vst v2  }
0xb9: {  	v2 =	vadd.s32 v0, v3;
	[tilespmem:$0x12B0] =	vst v3  }
0xba: {  	[tilespmem:$0x11B0] =	vst v2;
	v2 =	vadd.s32 v0, v62  }
0xbb: {  	[tilespmem:$0x10C0] =	vst v2;
	v2 =	vadd.s32 v0, v63  }
0xbc: {  	[tilespmem:$0x11C0] =	vst v2  }
0xbd: {  	[tilespmem:s16], [sflag:$0x2] =	stream.indirect.gather [hbm4b:s1+s9], $0x80, s15, s9, $0xb8;
	[tilespmem:$0x1EB80] =	vst v63  }
0xbe: {  	_ = 	snop  }
0xbf: {  	[tilespmem:s19], [sflag:$0x2] =	stream.indirect.gather [hbm4b:s5+s9], $0x80, s18, s9, $0xb8;
	[tilespmem:$0x1EB80] =	vst v63  }
.LBB2_4:
0xc0: {  	_ =	swait.ge [sflag:s20], $0x2800  }
0xc1: {  	[sflag:s20] =	ssyncset.done $0x0  }
0xc2: {  	[sflag:s20] =	ssyncadd.s32 $0xFFFFD800  }
0xc3: {  	_ =	swait.ge [sflag:s20], $0x2800  }
0xc4: {  	[sflag:s20] =	ssyncset.done $0x0  }
0xc5: {  	s25 =	simm.s32 $0x0;
	[sflag:s20] =	ssyncadd.s32 $0xFFFFD800  }
0xc6: {  	v2 =	vld [tilespmem:s25+$0x6300]  }
0xc7: {  	v4 =	vld [tilespmem:s25+$0x1340]  }
0xc8: {  	v3 =	vld [tilespmem:s25+$0x6310]  }
0xc9: {  	v5 =	vld [tilespmem:s25+$0x6320]  }
0xca: {  	v7 =	vld [tilespmem:s25+$0x1360]  }
0xcb: {  	v6 =	vld [tilespmem:s25+$0x1350]  }
0xcc: {  	v2 =	vmul.f32 v2, v4;
	_ =	sdelay $0x1  }
0xcd: {  	v2 =	vadd.f32 $1.000000000e+00, v2  }
0xce: {  	v4 =	vmul.f32 v5, v7;
	v5 =	vld [tilespmem:s25+$0x6330]  }
0xcf: {  	v3 =	vmul.f32 v3, v6;
	v6 =	vld [tilespmem:s25+$0x1370];
	(erf) = vrcp.f32 v2;
	_ =	sdelay $0x4  }
0xd0: {  	v3 =	vadd.f32 $1.000000000e+00, v3;
	v5 =	vmul.f32 v5, v6  }
0xd1: {  	v4 =	vadd.f32 $1.000000000e+00, v4  }
0xd2: {  	(erf) = vrcp.f32 v3;
	v6 =	vadd.f32 $1.000000000e+00, v5  }
0xd3: {  	(erf) = vrcp.f32 v4  }
0xd4: {  	v9 =	vld [tilespmem:s25+$0x1300];
	v12 =	vpop (erf);
	(erf) = vrcp.f32 v6  }
0xd5: {  	v11 =	vld [tilespmem:s25+$0x1310]  }
0xd6: {  	v8 =	vld [tilespmem:s25+$0x1320]  }
0xd7: {  	s26 =	simm.s32 $0x80;
	v7 =	vld [tilespmem:s25+$0x1330]  }
0xd8: {  	v2 =	vld [tilespmem:s26+$0x6300]  }
0xd9: {  	v3 =	vld [tilespmem:s26+$0x6310]  }
0xda: {  	v4 =	vld [tilespmem:s26+$0x6320]  }
0xdb: {  	v5 =	vld [tilespmem:s26+$0x6330];
	[tilespmem:s25+$0x1340] =	vst v12;
	v13 =	vpop (erf)  }
0xdc: {  	s28 =	simm.s32 $0x400;
	v6 =	vmul.f32 v12, v9;
	v10 =	vld [tilespmem:s26+$0x1340];
	v9 =	vmul.f32 v13, v11;
	[tilespmem:s25+$0x1350] =	vst v13;
	v11 =	vpop (erf)  }
.LBB2_5:
0xdd: {  	p5 =	sne.s32 s28, $0x9E00;
	v12 =	vld [tilespmem:s26+$0x1350];
	v8 =	vmul.f32 v11, v8;
	[tilespmem:s25+$0x1360] =	vst v11;
	v11 =	vpop (erf)  }
0xde: {  	v13 =	vld [tilespmem:s26+$0x1360];
	v7 =	vmul.f32 v11, v7;
	[tilespmem:s25+$0x1370] =	vst v11  }
0xdf: {  	v11 =	vld [tilespmem:s26+$0x1370];
	[tilespmem:s25+$0x1320] =	vst v8  }
0xe0: {  	[tilespmem:s25+$0x1330] =	vst v7  }
0xe1: {  	v2 =	vmul.f32 v2, v10;
	[tilespmem:s25+$0x1310] =	vst v9  }
0xe2: {  	v3 =	vmul.f32 v3, v12;
	[tilespmem:s25+$0x1300] =	vst v6;
	s25 =	smov.u32 s26  }
0xe3: {  	v2 =	vadd.f32 $1.000000000e+00, v2;
	v4 =	vmul.f32 v4, v13  }
0xe4: {  	v3 =	vadd.f32 $1.000000000e+00, v3;
	v5 =	vmul.f32 v5, v11  }
0xe5: {  	v4 =	vadd.f32 $1.000000000e+00, v4;
	(erf) = vrcp.f32 v2  }
0xe6: {  	v5 =	vadd.f32 $1.000000000e+00, v5;
	(erf) = vrcp.f32 v3  }
0xe7: {  	s26 =	sshra.s32 s28, $0x2;
	(erf) = vrcp.f32 v4  }
0xe8: {  	v2 =	vld [tilespmem:s26+$0x6300];
	(erf) = vrcp.f32 v5  }
0xe9: {  	v3 =	vld [tilespmem:s26+$0x6310]  }
0xea: {  	v6 =	vld [tilespmem:s25+$0x1300]  }
0xeb: {  	v9 =	vld [tilespmem:s25+$0x1310]  }
.Ltmp3:
0xec: {  	v8 =	vld [tilespmem:s25+$0x1320];
	(pc) =	sbr.rel @p5 .LBB2_5-.Ltmp3, $4  }
0xed: {  	v7 =	vld [tilespmem:s25+$0x1330]  }
0xee: {  	v4 =	vld [tilespmem:s26+$0x6320];
	v10 =	vpop (erf)  }
0xef: {  	v5 =	vld [tilespmem:s26+$0x6330];
	v6 =	vmul.f32 v10, v6;
	[tilespmem:s25+$0x1340] =	vst v10;
	v11 =	vpop (erf)  }
0xf0: {  	s28 =	sadd.s32 $0x200, s28;
	v10 =	vld [tilespmem:s26+$0x1340];
	v9 =	vmul.f32 v11, v9;
	[tilespmem:s25+$0x1350] =	vst v11;
	v11 =	vpop (erf)  }
0xf1: {  	v12 =	vld [tilespmem:s26+$0x1350];
	[tilespmem:s25+$0x1360] =	vst v11  }
0xf2: {  	v13 =	vpop (erf);
	v14 =	vld [tilespmem:s26+$0x1360]  }
0xf3: {  	[tilespmem:s25+$0x1370] =	vst v13  }
0xf4: {  	v15 =	vld [tilespmem:s26+$0x1370]  }
0xf5: {  	v2 =	vmul.f32 v2, v10  }
0xf6: {  	v3 =	vmul.f32 v3, v12  }
0xf7: {  	v2 =	vadd.f32 $1.000000000e+00, v2;
	v4 =	vmul.f32 v4, v14  }
0xf8: {  	v8 =	vmul.f32 v11, v8;
	v3 =	vadd.f32 $1.000000000e+00, v3  }
0xf9: {  	v5 =	vmul.f32 v5, v15;
	v4 =	vadd.f32 $1.000000000e+00, v4;
	(erf) = vrcp.f32 v2  }
0xfa: {  	(erf) = vrcp.f32 v3  }
0xfb: {  	[tilespmem:s25+$0x1320] =	vst v8;
	v5 =	vadd.f32 $1.000000000e+00, v5;
	(erf) = vrcp.f32 v4  }
0xfc: {  	[tilespmem:s25+$0x1310] =	vst v9;
	v2 =	vmul.f32 v13, v7  }
0xfd: {  	[tilespmem:s25+$0x1300] =	vst v6;
	(erf) = vrcp.f32 v5  }
0xfe: {  	[tilespmem:s25+$0x1330] =	vst v2  }
0xff: {  	v2 =	vld [tilespmem:s26+$0x1300];
	_ =	sdelay $0x1  }
0x100: {  	v59 =	vld [tilespmem:s26+$0x1310]  }
0x101: {  	v3 =	vld [tilespmem:s26+$0x1320];
	v60 =	vpop (erf)  }
0x102: {  	v58 =	vld [tilespmem:s26+$0x1330];
	[tilespmem:s26+$0x1340] =	vst v60;
	v61 =	vpop (erf)  }
0x103: {  	v2 =	vmul.f32 v60, v2;
	[tilespmem:s26+$0x1350] =	vst v61;
	v62 =	vpop (erf)  }
0x104: {  	[tilespmem:s26+$0x1360] =	vst v62  }
0x105: {  	v5 =	vmul.f32 v61, v59;
	v63 =	vpop (erf);
	[tilespmem:s26+$0x1300] =	vst v2  }
0x106: {  	v3 =	vmul.f32 v62, v3;
	[tilespmem:s26+$0x1370] =	vst v63  }
0x107: {  	v4 =	vmul.f32 v63, v58;
	[tilespmem:s26+$0x1310] =	vst v5  }
0x108: {  	p5 =	seq.s32 s24, $0x7C;
	[tilespmem:s26+$0x1320] =	vst v3  }
.Ltmp4:
0x109: {  	[tilespmem:s26+$0x1330] =	vst v4;
	(pc) =	sbr.rel @p5 .LBB2_8-.Ltmp4, $4  }
0x10a: {  	[spmem:s2] =	stream.indirect.scatter.add.f32 [tilespmem:s11], [sflag:$0x3], $0x80, s21, s9, $0xb8;
	[tilespmem:$0x1EB80] =	vst v63  }
0x10b: {  	_ =	swait.ge [sflag:s0], $0x2800  }
0x10c: {  	[sflag:s0] =	ssyncset.done $0x0  }
0x10d: {  	s25 =	sshll.u32 s24, $0x1;
	[sflag:s0] =	ssyncadd.s32 $0xFFFFD800  }
0x10e: {  	s26 =	sadd.s32 $0x2, s25  }
0x10f: {  	s28 =	smulhi.u32 $0x51EB851F, s26;
	_ =	sdelay $0x1  }
0x110: {  	s28 =	sshrl.u32 s28, $0x3  }
0x111: {  	s28 =	smul.u32 $0x19, s28;
	_ =	sdelay $0x1  }
0x112: {  	s28 =	ssub.s32 s26, s28  }
0x113: {  	p6 =	sne.s32 s28, $0x0  }
0x114: {  	s26 =	smulhi.u32 @!p6 $0x51EB851F, s26;
	_ =	sdelay $0x1  }
0x115: {  	s26 =	sshrl.u32 @!p6 s26, $0x3  }
0x116: {  	s26 =	smul.u32 @!p6 $0x7D0, s26;
	_ =	sdelay $0x1  }
0x117: {  	s26 =	sadd.s32 @!p6 s12, s26  }
0x118: {  	s26 =	sshrl.u32 @!p6 s26, $0x3  }
0x119: {  	s30 =	simm.s32 @!p6 $0x0;
	s29 =	sadd.s32 @!p6 s6, s26  }
0x11a: {  	[tilespmem:s30], [sflag:$0x3] =	stream.linear.gather @!p6 [hbm4b:s29+s30], $0x7D0, $0x38;
	[tilespmem:$0x1EB80] =	vst v63  }
0x11b: {  	s29 =	simm.s32 @!p6 $0x3  }
0x11c: {  	_ =	swait.ge @!p6 [sflag:s29], $0x7D0  }
0x11d: {  	[sflag:s29] =	ssyncset.done @!p6 $0x0  }
0x11e: {  	s31 =	simm.s32 @!p6 $0x800;
	s26 =	sadd.s32 @!p6 s7, s26;
	[sflag:s29] =	ssyncadd.s32 @!p6 $0xFFFFF830  }
0x11f: {  	[tilespmem:s31], [sflag:$0x3] =	stream.linear.gather @!p6 [hbm4b:s26+s30], $0x7D0, $0x38;
	[tilespmem:$0x1EB80] =	vst v63  }
0x120: {  	_ =	swait.ge @!p6 [sflag:s29], $0x7D0  }
0x121: {  	s31 =	smul.u32 $0x50, s28;
	[sflag:s29] =	ssyncset.done @!p6 $0x0  }
0x122: {  	[sflag:s29] =	ssyncadd.s32 @!p6 $0xFFFFF830  }
0x123: {  	v2 =	vld [tilespmem:s31+$0x0];
	_ =	sdelay $0x4  }
0x124: {  	v2 =	vadd.s32 v0, v2  }
0x125: {  	[tilespmem:$0x1000] =	vst v2  }
0x126: {  	v2 =	vld [tilespmem:s31+$0x800];
	_ =	sdelay $0x4  }
0x127: {  	v3 =	vadd.s32 v0, v2;
	[tilespmem:$0x1200] =	vst v2  }
0x128: {  	[tilespmem:$0x1100] =	vst v3  }
0x129: {  	v2 =	vld [tilespmem:s31+$0x10];
	_ =	sdelay $0x4  }
0x12a: {  	v2 =	vadd.s32 v0, v2  }
0x12b: {  	[tilespmem:$0x1010] =	vst v2  }
0x12c: {  	v2 =	vld [tilespmem:s31+$0x810];
	_ =	sdelay $0x4  }
0x12d: {  	v3 =	vadd.s32 v0, v2;
	[tilespmem:$0x1210] =	vst v2  }
0x12e: {  	[tilespmem:$0x1110] =	vst v3  }
0x12f: {  	v2 =	vld [tilespmem:s31+$0x20];
	_ =	sdelay $0x4  }
0x130: {  	v2 =	vadd.s32 v0, v2  }
0x131: {  	[tilespmem:$0x1020] =	vst v2  }
0x132: {  	v2 =	vld [tilespmem:s31+$0x820];
	_ =	sdelay $0x4  }
0x133: {  	v3 =	vadd.s32 v0, v2;
	[tilespmem:$0x1220] =	vst v2  }
0x134: {  	[tilespmem:$0x1120] =	vst v3  }
0x135: {  	v2 =	vld [tilespmem:s31+$0x30];
	_ =	sdelay $0x4  }
0x136: {  	v2 =	vadd.s32 v0, v2  }
0x137: {  	[tilespmem:$0x1030] =	vst v2  }
0x138: {  	v2 =	vld [tilespmem:s31+$0x830];
	_ =	sdelay $0x4  }
0x139: {  	v3 =	vadd.s32 v0, v2;
	[tilespmem:$0x1230] =	vst v2  }
0x13a: {  	[tilespmem:$0x1130] =	vst v3  }
0x13b: {  	v2 =	vld [tilespmem:s31+$0x40];
	_ =	sdelay $0x4  }
0x13c: {  	v2 =	vadd.s32 v0, v2  }
0x13d: {  	[tilespmem:$0x1040] =	vst v2  }
0x13e: {  	v2 =	vld [tilespmem:s31+$0x840];
	_ =	sdelay $0x4  }
0x13f: {  	v3 =	vadd.s32 v0, v2;
	[tilespmem:$0x1240] =	vst v2  }
0x140: {  	[tilespmem:$0x1140] =	vst v3  }
0x141: {  	[tilespmem:s11], [sflag:$0x1] =	stream.indirect.gather [hbm4b:s1+s9], $0x80, s10, s9, $0xb8;
	[tilespmem:$0x1EB80] =	vst v63  }
0x142: {  	_ = 	snop  }
0x143: {  	[tilespmem:s14], [sflag:$0x1] =	stream.indirect.gather [hbm4b:s5+s9], $0x80, s13, s9, $0xb8;
	[tilespmem:$0x1EB80] =	vst v63  }
.LBB2_8:
0x144: {  	_ =	swait.ge [sflag:s22], $0x2800  }
0x145: {  	[sflag:s22] =	ssyncset.done $0x0  }
0x146: {  	[sflag:s22] =	ssyncadd.s32 $0xFFFFD800  }
0x147: {  	_ =	swait.ge [sflag:s22], $0x2800  }
0x148: {  	[sflag:s22] =	ssyncset.done $0x0  }
0x149: {  	s26 =	simm.s32 $0x0;
	[sflag:s22] =	ssyncadd.s32 $0xFFFFD800  }
0x14a: {  	v2 =	vld [tilespmem:s26+$0x8B00]  }
0x14b: {  	v4 =	vld [tilespmem:s26+$0x3B40]  }
0x14c: {  	v3 =	vld [tilespmem:s26+$0x8B10]  }
0x14d: {  	v5 =	vld [tilespmem:s26+$0x8B20]  }
0x14e: {  	v7 =	vld [tilespmem:s26+$0x3B60]  }
0x14f: {  	v6 =	vld [tilespmem:s26+$0x3B50]  }
0x150: {  	v2 =	vmul.f32 v2, v4;
	_ =	sdelay $0x1  }
0x151: {  	v2 =	vadd.f32 $1.000000000e+00, v2  }
0x152: {  	v4 =	vmul.f32 v5, v7;
	v5 =	vld [tilespmem:s26+$0x8B30]  }
0x153: {  	v3 =	vmul.f32 v3, v6;
	v6 =	vld [tilespmem:s26+$0x3B70];
	(erf) = vrcp.f32 v2;
	_ =	sdelay $0x4  }
0x154: {  	v3 =	vadd.f32 $1.000000000e+00, v3;
	v5 =	vmul.f32 v5, v6  }
0x155: {  	v4 =	vadd.f32 $1.000000000e+00, v4  }
0x156: {  	(erf) = vrcp.f32 v3;
	v6 =	vadd.f32 $1.000000000e+00, v5  }
0x157: {  	(erf) = vrcp.f32 v4  }
0x158: {  	v9 =	vld [tilespmem:s26+$0x3B00];
	v12 =	vpop (erf);
	(erf) = vrcp.f32 v6  }
0x159: {  	v11 =	vld [tilespmem:s26+$0x3B10]  }
0x15a: {  	v8 =	vld [tilespmem:s26+$0x3B20]  }
0x15b: {  	s28 =	simm.s32 $0x80;
	v7 =	vld [tilespmem:s26+$0x3B30]  }
0x15c: {  	v2 =	vld [tilespmem:s28+$0x8B00]  }
0x15d: {  	v3 =	vld [tilespmem:s28+$0x8B10]  }
0x15e: {  	v4 =	vld [tilespmem:s28+$0x8B20]  }
0x15f: {  	v5 =	vld [tilespmem:s28+$0x8B30];
	[tilespmem:s26+$0x3B40] =	vst v12;
	v13 =	vpop (erf)  }
0x160: {  	s29 =	simm.s32 $0x400;
	v6 =	vmul.f32 v12, v9;
	v10 =	vld [tilespmem:s28+$0x3B40];
	v9 =	vmul.f32 v13, v11;
	[tilespmem:s26+$0x3B50] =	vst v13;
	v11 =	vpop (erf)  }
.LBB2_9:
0x161: {  	p6 =	sne.s32 s29, $0x9E00;
	v12 =	vld [tilespmem:s28+$0x3B50];
	v8 =	vmul.f32 v11, v8;
	[tilespmem:s26+$0x3B60] =	vst v11;
	v11 =	vpop (erf)  }
0x162: {  	v13 =	vld [tilespmem:s28+$0x3B60];
	v7 =	vmul.f32 v11, v7;
	[tilespmem:s26+$0x3B70] =	vst v11  }
0x163: {  	v11 =	vld [tilespmem:s28+$0x3B70];
	[tilespmem:s26+$0x3B20] =	vst v8  }
0x164: {  	[tilespmem:s26+$0x3B30] =	vst v7  }
0x165: {  	v2 =	vmul.f32 v2, v10;
	[tilespmem:s26+$0x3B10] =	vst v9  }
0x166: {  	v3 =	vmul.f32 v3, v12;
	[tilespmem:s26+$0x3B00] =	vst v6;
	s26 =	smov.u32 s28  }
0x167: {  	v2 =	vadd.f32 $1.000000000e+00, v2;
	v4 =	vmul.f32 v4, v13  }
0x168: {  	v3 =	vadd.f32 $1.000000000e+00, v3;
	v5 =	vmul.f32 v5, v11  }
0x169: {  	v4 =	vadd.f32 $1.000000000e+00, v4;
	(erf) = vrcp.f32 v2  }
0x16a: {  	v5 =	vadd.f32 $1.000000000e+00, v5;
	(erf) = vrcp.f32 v3  }
0x16b: {  	s28 =	sshra.s32 s29, $0x2;
	(erf) = vrcp.f32 v4  }
0x16c: {  	v2 =	vld [tilespmem:s28+$0x8B00];
	(erf) = vrcp.f32 v5  }
0x16d: {  	v3 =	vld [tilespmem:s28+$0x8B10]  }
0x16e: {  	v6 =	vld [tilespmem:s26+$0x3B00]  }
0x16f: {  	v9 =	vld [tilespmem:s26+$0x3B10]  }
.Ltmp5:
0x170: {  	v8 =	vld [tilespmem:s26+$0x3B20];
	(pc) =	sbr.rel @p6 .LBB2_9-.Ltmp5, $4  }
0x171: {  	v7 =	vld [tilespmem:s26+$0x3B30]  }
0x172: {  	v4 =	vld [tilespmem:s28+$0x8B20];
	v10 =	vpop (erf)  }
0x173: {  	v5 =	vld [tilespmem:s28+$0x8B30];
	v6 =	vmul.f32 v10, v6;
	[tilespmem:s26+$0x3B40] =	vst v10;
	v11 =	vpop (erf)  }
0x174: {  	s29 =	sadd.s32 $0x200, s29;
	v10 =	vld [tilespmem:s28+$0x3B40];
	v9 =	vmul.f32 v11, v9;
	[tilespmem:s26+$0x3B50] =	vst v11;
	v11 =	vpop (erf)  }
0x175: {  	v12 =	vld [tilespmem:s28+$0x3B50];
	[tilespmem:s26+$0x3B60] =	vst v11  }
0x176: {  	v13 =	vpop (erf);
	v14 =	vld [tilespmem:s28+$0x3B60]  }
0x177: {  	[tilespmem:s26+$0x3B70] =	vst v13  }
0x178: {  	v15 =	vld [tilespmem:s28+$0x3B70]  }
0x179: {  	v2 =	vmul.f32 v2, v10  }
0x17a: {  	v3 =	vmul.f32 v3, v12  }
0x17b: {  	v2 =	vadd.f32 $1.000000000e+00, v2;
	v4 =	vmul.f32 v4, v14  }
0x17c: {  	v8 =	vmul.f32 v11, v8;
	v3 =	vadd.f32 $1.000000000e+00, v3  }
0x17d: {  	v5 =	vmul.f32 v5, v15;
	v4 =	vadd.f32 $1.000000000e+00, v4;
	(erf) = vrcp.f32 v2  }
0x17e: {  	(erf) = vrcp.f32 v3  }
0x17f: {  	[tilespmem:s26+$0x3B20] =	vst v8;
	v5 =	vadd.f32 $1.000000000e+00, v5;
	(erf) = vrcp.f32 v4  }
0x180: {  	[tilespmem:s26+$0x3B10] =	vst v9;
	v2 =	vmul.f32 v13, v7  }
0x181: {  	[tilespmem:s26+$0x3B00] =	vst v6;
	(erf) = vrcp.f32 v5  }
0x182: {  	[tilespmem:s26+$0x3B30] =	vst v2  }
0x183: {  	v2 =	vld [tilespmem:s28+$0x3B00];
	_ =	sdelay $0x1  }
0x184: {  	v59 =	vld [tilespmem:s28+$0x3B10]  }
0x185: {  	v3 =	vld [tilespmem:s28+$0x3B20];
	v60 =	vpop (erf)  }
0x186: {  	v58 =	vld [tilespmem:s28+$0x3B30];
	[tilespmem:s28+$0x3B40] =	vst v60;
	v61 =	vpop (erf)  }
0x187: {  	v2 =	vmul.f32 v60, v2;
	[tilespmem:s28+$0x3B50] =	vst v61;
	v62 =	vpop (erf)  }
0x188: {  	[tilespmem:s28+$0x3B60] =	vst v62  }
0x189: {  	v5 =	vmul.f32 v61, v59;
	v63 =	vpop (erf);
	[tilespmem:s28+$0x3B00] =	vst v2  }
0x18a: {  	v3 =	vmul.f32 v62, v3;
	[tilespmem:s28+$0x3B70] =	vst v63  }
0x18b: {  	v4 =	vmul.f32 v63, v58;
	[tilespmem:s28+$0x3B10] =	vst v5  }
0x18c: {  	[tilespmem:s28+$0x3B20] =	vst v3  }
.Ltmp6:
0x18d: {  	[tilespmem:s28+$0x3B30] =	vst v4;
	(pc) =	sbr.rel @p5 .LBB2_12-.Ltmp6, $4  }
0x18e: {  	[spmem:s2] =	stream.indirect.scatter.add.f32 [tilespmem:s16], [sflag:$0x3], $0x80, s23, s9, $0xb8;
	[tilespmem:$0x1EB80] =	vst v63  }
0x18f: {  	_ =	swait.ge [sflag:s0], $0x2800  }
0x190: {  	[sflag:s0] =	ssyncset.done $0x0  }
0x191: {  	[sflag:s0] =	ssyncadd.s32 $0xFFFFD800  }
0x192: {  	s25 =	sadd.s32 $0x3, s25  }
0x193: {  	s26 =	smulhi.u32 $0x51EB851F, s25;
	_ =	sdelay $0x1  }
0x194: {  	s26 =	sshrl.u32 s26, $0x3  }
0x195: {  	s26 =	smul.u32 $0x19, s26;
	_ =	sdelay $0x1  }
0x196: {  	s26 =	ssub.s32 s25, s26  }
0x197: {  	p5 =	sne.s32 s26, $0x0  }
0x198: {  	s25 =	smulhi.u32 @!p5 $0x51EB851F, s25;
	_ =	sdelay $0x1  }
0x199: {  	s25 =	sshrl.u32 @!p5 s25, $0x3  }
0x19a: {  	s25 =	smul.u32 @!p5 $0x7D0, s25;
	_ =	sdelay $0x1  }
0x19b: {  	s25 =	sadd.s32 @!p5 s12, s25  }
0x19c: {  	s25 =	sshrl.u32 @!p5 s25, $0x3  }
0x19d: {  	s29 =	simm.s32 @!p5 $0x0;
	s28 =	sadd.s32 @!p5 s6, s25  }
0x19e: {  	[tilespmem:s29], [sflag:$0x3] =	stream.linear.gather @!p5 [hbm4b:s28+s29], $0x7D0, $0x38;
	[tilespmem:$0x1EB80] =	vst v63  }
0x19f: {  	s28 =	simm.s32 @!p5 $0x3  }
0x1a0: {  	_ =	swait.ge @!p5 [sflag:s28], $0x7D0  }
0x1a1: {  	[sflag:s28] =	ssyncset.done @!p5 $0x0  }
0x1a2: {  	s30 =	simm.s32 @!p5 $0x800;
	s25 =	sadd.s32 @!p5 s7, s25;
	[sflag:s28] =	ssyncadd.s32 @!p5 $0xFFFFF830  }
0x1a3: {  	[tilespmem:s30], [sflag:$0x3] =	stream.linear.gather @!p5 [hbm4b:s25+s29], $0x7D0, $0x38;
	[tilespmem:$0x1EB80] =	vst v63  }
0x1a4: {  	_ =	swait.ge @!p5 [sflag:s28], $0x7D0  }
0x1a5: {  	s31 =	smul.u32 $0x50, s26;
	[sflag:s28] =	ssyncset.done @!p5 $0x0  }
0x1a6: {  	[sflag:s28] =	ssyncadd.s32 @!p5 $0xFFFFF830  }
0x1a7: {  	v2 =	vld [tilespmem:s31+$0x0];
	_ =	sdelay $0x4  }
0x1a8: {  	v2 =	vadd.s32 v0, v2  }
0x1a9: {  	[tilespmem:$0x1080] =	vst v2  }
0x1aa: {  	v2 =	vld [tilespmem:s31+$0x800];
	_ =	sdelay $0x4  }
0x1ab: {  	v3 =	vadd.s32 v0, v2;
	[tilespmem:$0x1280] =	vst v2  }
0x1ac: {  	[tilespmem:$0x1180] =	vst v3  }
0x1ad: {  	v2 =	vld [tilespmem:s31+$0x10];
	_ =	sdelay $0x4  }
0x1ae: {  	v2 =	vadd.s32 v0, v2  }
0x1af: {  	[tilespmem:$0x1090] =	vst v2  }
0x1b0: {  	v2 =	vld [tilespmem:s31+$0x810];
	_ =	sdelay $0x4  }
0x1b1: {  	v3 =	vadd.s32 v0, v2;
	[tilespmem:$0x1290] =	vst v2  }
0x1b2: {  	[tilespmem:$0x1190] =	vst v3  }
0x1b3: {  	v2 =	vld [tilespmem:s31+$0x20];
	_ =	sdelay $0x4  }
0x1b4: {  	v2 =	vadd.s32 v0, v2  }
0x1b5: {  	[tilespmem:$0x10A0] =	vst v2  }
0x1b6: {  	v2 =	vld [tilespmem:s31+$0x820];
	_ =	sdelay $0x4  }
0x1b7: {  	v3 =	vadd.s32 v0, v2;
	[tilespmem:$0x12A0] =	vst v2  }
0x1b8: {  	[tilespmem:$0x11A0] =	vst v3  }
0x1b9: {  	v2 =	vld [tilespmem:s31+$0x30];
	_ =	sdelay $0x4  }
0x1ba: {  	v2 =	vadd.s32 v0, v2  }
0x1bb: {  	[tilespmem:$0x10B0] =	vst v2  }
0x1bc: {  	v2 =	vld [tilespmem:s31+$0x830];
	_ =	sdelay $0x4  }
0x1bd: {  	v3 =	vadd.s32 v0, v2;
	[tilespmem:$0x12B0] =	vst v2  }
0x1be: {  	[tilespmem:$0x11B0] =	vst v3  }
0x1bf: {  	v2 =	vld [tilespmem:s31+$0x40];
	_ =	sdelay $0x4  }
0x1c0: {  	v2 =	vadd.s32 v0, v2  }
0x1c1: {  	[tilespmem:$0x10C0] =	vst v2  }
0x1c2: {  	v2 =	vld [tilespmem:s31+$0x840];
	_ =	sdelay $0x4  }
.Ltmp7:
0x1c3: {  	v3 =	vadd.s32 v0, v2;
	[tilespmem:$0x12C0] =	vst v2;
	(pc) =	sbr.rel .LBB2_4-.Ltmp7, $4  }
0x1c4: {  	[tilespmem:$0x11C0] =	vst v3  }
0x1c5: {  	[tilespmem:s16], [sflag:$0x2] =	stream.indirect.gather [hbm4b:s1+s9], $0x80, s15, s9, $0xb8;
	[tilespmem:$0x1EB80] =	vst v63  }
0x1c6: {  	s24 =	sadd.s32 $0x1, s24  }
0x1c7: {  	[tilespmem:s19], [sflag:$0x2] =	stream.indirect.gather [hbm4b:s5+s9], $0x80, s18, s9, $0xb8;
	[tilespmem:$0x1EB80] =	vst v63  }
.LBB2_13:
0x1c8: {  	_ =	sfence.sel $0x180000  }
0x1c9: {  	[bflag:$0x0] =	sbarrier.arrive $0xFFFF  }
0x1ca: {  	_ =	strace $0x90000047  }
0x1cb: {  	[bflag:$0x2] =	sbarrier.arrive $0xFFFF  }
0x1cc: {  	p0 =	sne.s32 s3, $0x0;
	s0 =	rddreg [dreg:$0x4]  }
0x1cd: {  	s0 =	sadd.s32 @!p0 $0x100000, s0  }
0x1ce: {  	[sflag:s0] =	ssyncadd.tile.s32 @!p0 $0x1;
	_ =	shalt  }
.Lfunc_end2:
_tile_overlayer_lowered:
.L_overlay_start_2:
0x1cf: {  	(tag) =	ssettag $0x2  }
0x1d0: {  	s0 =	rddreg [dreg:$0x0];
	s2 =	stileid.u32  }
0x1d1: {  	s1 =	rddreg [dreg:$0x1];
	p0 =	sne.s32 s2, $0x0  }
0x1d2: {  	s3 =	rddreg [dreg:$0x2];
	[bflag:$0x3] =	sbarrier.arrive $0xFFFF;
	s2 =	simm.s32 @!p0 $0x1C03  }
0x1d3: {  	[timem:s3], [sflag:s2] =	dma.local @!p0 [hbm:s0], s1  }
0x1d4: {  	s0 =	simm.s32 @!p0 $0x3  }
0x1d5: {  	_ =	swait.ge @!p0 [sflag:s0], s1  }
0x1d6: {  	s1 =	ssub.s32 @!p0 $0x0, s1;
	[sflag:s0] =	ssyncset.done @!p0 $0x0  }
0x1d7: {  	[sflag:s0] =	ssyncadd.s32 @!p0 s1  }
0x1d8: {  	[bflag:$0x3] =	sbarrier.arrive $0xFFFF  }
0x1d9: {  	_ =	shalt  }

</sc_bundles>
